<compile_context>
chip_gen: v7x
topology: tpu7x:2x2x1
jax: 0.10.2.dev20260603
libtpu: 0.0.44.dev20260713+nightly
codegen_flags: <defaults>
</compile_context>

<pallas_src>
import functools

import jax
import jax.numpy as jnp
from jax import lax
from jax.experimental import pallas as pl
from jax.experimental.pallas import tpu as pltpu
from jax.experimental.pallas import tpu_sc as plsc

B = 4096
NC = 2
NS = 16
NW = NC * NS
BPW = B // NW
L = 16
DB = 10
DG = 3
DP = 69
DT = 3
N = 100000


def _worker_base():
    wid = lax.axis_index("s") * NC + lax.axis_index("c")
    return wid * BPW


def _body_narrow(idx_hbm, betas_hbm, go_hbm, tr_hbm,
                 out_b, out_go, out_tr,
                 idx_v, ego, bet_v, b_rows, go_rows, tr_rows,
                 sem, osem):
    base = _worker_base()
    pltpu.sync_copy(idx_hbm.at[pl.ds(base, BPW)], idx_v)
    pltpu.sync_copy(betas_hbm, bet_v)

    iota = lax.iota(jnp.int32, L)
    zeros = jnp.zeros((L,), jnp.int32)
    jconst0 = iota * N

    def row(b, _):
        ivec = plsc.load_gather(idx_v, [jnp.full((L,), b, jnp.int32)])
        plsc.store_scatter(ego, [DG * b + iota], jconst0 + ivec)
        return _

    lax.fori_loop(0, BPW, row, None)

    cps = [
        pltpu.async_copy(go_hbm.at[ego.at[pl.ds(0, BPW * DG)]], go_rows, sem),
        pltpu.async_copy(tr_hbm.at[ego.at[pl.ds(0, BPW * DG)]], tr_rows, sem),
    ]

    for m in range(5):
        lane = iota + 16 * m
        col = lane
        rsub = zeros
        for t in (10, 20, 30, 40, 50, 60, 70):
            col = jnp.where(lane >= t, lane - t, col)
            rsub = rsub + jnp.where(lane >= t, 1, 0)
        vm = plsc.load_gather(bet_v, [zeros, col])
        for r in range(BPW * DB // 80):
            plsc.store_scatter(b_rows, [8 * r + rsub, col], vm)

    for cp in cps:
        cp.wait()

    ocps = [
        pltpu.async_copy(go_rows, out_go.at[pl.ds(base * DG, BPW * DG)], osem),
        pltpu.async_copy(tr_rows, out_tr.at[pl.ds(base * DT, BPW * DT)], osem),
        pltpu.async_copy(b_rows, out_b.at[pl.ds(base, BPW)], osem),
    ]
    for cp in ocps:
        cp.wait()


def _make_body_wide(d):
    nk = (d + L - 1) // L

    def _body_wide(idx_hbm, bp_hbm, out_bp, idx_v, ebp, bp_rows, sem, osem):
        base = _worker_base()
        pltpu.sync_copy(idx_hbm.at[pl.ds(base, BPW)], idx_v)

        iota = lax.iota(jnp.int32, L)
        jconst = [(16 * k + iota) * N for k in range(nk)]

        def row(b, _):
            ivec = plsc.load_gather(idx_v, [jnp.full((L,), b, jnp.int32)])
            for k in range(nk):
                plsc.store_scatter(ebp, [d * b + 16 * k + iota],
                                   jconst[k] + ivec)
            return _

        NGRP = 4
        RG = BPW // NGRP
        EG = RG * d
        cps = []
        for g in range(NGRP):
            lax.fori_loop(g * RG, (g + 1) * RG, row, None)
            cps.append(pltpu.async_copy(
                bp_hbm.at[ebp.at[pl.ds(g * EG, EG)]],
                bp_rows.at[pl.ds(g * EG, EG)], sem))
        for cp in cps:
            cp.wait()
        pltpu.async_copy(bp_rows, out_bp.at[pl.ds(base * d, BPW * d)],
                         osem).wait()

    return _body_wide


def kernel(idx, betas, global_orient, body_pose, transl):
    idx = idx.astype(jnp.int32)
    go_f = global_orient.T.reshape(-1)
    tr_f = transl.T.reshape(-1)
    mesh = plsc.VectorSubcoreMesh(core_axis_name="c", subcore_axis_name="s")
    cp = pltpu.CompilerParams(needs_layout_passes=False)

    run_narrow = functools.partial(
        pl.kernel,
        mesh=mesh,
        compiler_params=cp,
        out_type=[
            jax.ShapeDtypeStruct((B, DB), jnp.float32),
            jax.ShapeDtypeStruct((B * DG,), jnp.float32),
            jax.ShapeDtypeStruct((B * DT,), jnp.float32),
        ],
        scratch_types=[
            pltpu.VMEM((BPW,), jnp.int32),
            pltpu.VMEM((BPW * DG + 16,), jnp.int32),
            pltpu.VMEM((1, DB), jnp.float32),
            pltpu.VMEM((BPW, DB), jnp.float32),
            pltpu.VMEM((BPW * DG,), jnp.float32),
            pltpu.VMEM((BPW * DT,), jnp.float32),
            pltpu.SemaphoreType.DMA,
            pltpu.SemaphoreType.DMA,
        ],
    )(_body_narrow)

    def make_wide(d):
        return functools.partial(
            pl.kernel,
            mesh=mesh,
            compiler_params=cp,
            out_type=[jax.ShapeDtypeStruct((B * d,), jnp.float32)],
            scratch_types=[
                pltpu.VMEM((BPW,), jnp.int32),
                pltpu.VMEM((BPW * d + 16,), jnp.int32),
                pltpu.VMEM((BPW * d,), jnp.float32),
                pltpu.SemaphoreType.DMA,
                pltpu.SemaphoreType.DMA,
            ],
        )(_make_body_wide(d))

    DL = 53
    DR = DP - DL
    bp_l = body_pose[:, :DL].T.reshape(-1)
    bp_r = body_pose[:, DL:].T.reshape(-1)

    ob, ogo, otr = run_narrow(idx, betas, go_f, tr_f)
    (obp_l,) = make_wide(DL)(idx, bp_l)
    (obp_r,) = make_wide(DR)(idx, bp_r)
    obp = jnp.concatenate(
        [obp_l.reshape(B, DL), obp_r.reshape(B, DR)], axis=1)
    return (ob, ogo.reshape(B, DG), obp, otr.reshape(B, DT))

# --- scband reference (transcript-rebuilt; emitter-appended) ---
"""Pipeline reference for scband-smplparam-embedding-32272384262686 (READ-ONLY COPY).

The authoritative reference and input builder live on the scoring server;
editing this copy changes nothing except your own understanding.
"""

import jax, jax.numpy as jnp
import numpy as np

N_FRAMES = 100000
BATCH = 4096

def setup_inputs(seed: int = 0) -> dict:
    key = jax.random.key(seed)
    k1, k2, k3, k4, k5 = jax.random.split(key, 5)
    idx = jax.random.randint(k1, (BATCH,), 0, N_FRAMES, dtype=jnp.int64 if jax.config.read('jax_enable_x64') else jnp.int32)
    # learned per-frame SMPL parameter tables (nn.Embedding.from_pretrained, freeze=False)
    betas = jax.random.normal(k2, (1, 10), dtype=jnp.float32)
    global_orient = jax.random.normal(k3, (N_FRAMES, 3), dtype=jnp.float32)
    body_pose = jax.random.normal(k4, (N_FRAMES, 69), dtype=jnp.float32)
    transl = jax.random.normal(k5, (N_FRAMES, 3), dtype=jnp.float32)
    return {"idx": idx, "betas": betas, "global_orient": global_orient, "body_pose": body_pose, "transl": transl}

def reference(idx, betas, global_orient, body_pose, transl):
    go = jnp.take(global_orient, idx, axis=0)
    bp = jnp.take(body_pose, idx, axis=0)
    tr = jnp.take(transl, idx, axis=0)
    b = jnp.take(betas, jnp.zeros_like(idx), axis=0)
    # original returns a dict {'betas', 'global_orient', 'body_pose', 'transl'}; return as tuple in that order
    return (b, go, bp, tr)

if __name__ == "__main__":
    import jax
    _d = setup_inputs()
    print(jax.jit(kernel)(*tuple(_d.values())))

</pallas_src>

<mosaic_0001>
#map = affine_map<(d0, d1) -> (0)>
#map1 = affine_map<(d0, d1) -> (0, 0)>
module attributes {stable_mosaic.version = 14 : i64} {
  func.func @_body_narrow(%arg0: i32, %arg1: i32, %arg2: memref<4096xi32, #tpu.memory_space<hbm>>, %arg3: memref<1x10xf32, #tpu.memory_space<hbm>>, %arg4: memref<300000xf32, #tpu.memory_space<hbm>>, %arg5: memref<300000xf32, #tpu.memory_space<hbm>>, %arg6: memref<4096x10xf32, #tpu.memory_space<hbm>>, %arg7: memref<12288xf32, #tpu.memory_space<hbm>>, %arg8: memref<12288xf32, #tpu.memory_space<hbm>>, %arg9: memref<128xi32, #tpu.memory_space<vmem>>, %arg10: memref<400xi32, #tpu.memory_space<vmem>>, %arg11: memref<1x10xf32, #tpu.memory_space<vmem>>, %arg12: memref<128x10xf32, #tpu.memory_space<vmem>>, %arg13: memref<384xf32, #tpu.memory_space<vmem>>, %arg14: memref<384xf32, #tpu.memory_space<vmem>>, %arg15: memref<!tpu.dma_semaphore, #tpu.memory_space<semaphore_mem>>, %arg16: memref<!tpu.dma_semaphore, #tpu.memory_space<semaphore_mem>>) attributes {dimension_semantics = [#tpu.dimension_semantics<core_parallel>, #tpu.dimension_semantics<subcore_parallel>], iteration_bounds = array<i64: 2, 16>, scalar_prefetch = 0 : i64, scratch_operands = 8 : i64, tpu.core_type = #tpu.core_type<sc_vector_subcore>, window_params = [{transform_indices = #map}, {transform_indices = #map1}, {transform_indices = #map}, {transform_indices = #map}, {transform_indices = #map1}, {transform_indices = #map}, {transform_indices = #map}]} {
    %mul3A = arith.constant 2 : i32
    %mul3A_0 = arith.muli %arg1, %mul3A : i32
    %add3A = arith.addi %mul3A_0, %arg0 : i32
    %mul3A_1 = arith.constant 128 : i32
    %mul3A_2 = arith.muli %add3A, %mul3A_1 : i32
    "tpu.region"() ({
      %run_scoped3A = tpu.sem_alloc : memref<!tpu.dma_semaphore, #tpu.memory_space<semaphore_mem>>
      %dma_start3A_860 = tpu.memref_slice %arg2[%mul3A_2] : memref<4096xi32, #tpu.memory_space<hbm>> -> memref<128xi32, #tpu.memory_space<hbm>>
      %dma_start3A_861 = tpu.memref_slice %arg2[%mul3A_2] : memref<4096xi32, #tpu.memory_space<hbm>> -> memref<128xi32, #tpu.memory_space<hbm>>
      tpu.enqueue_dma source(%dma_start3A_861 : memref<128xi32, #tpu.memory_space<hbm>>) target(%arg9 : memref<128xi32, #tpu.memory_space<vmem>>) target_semaphore(%run_scoped3A : memref<!tpu.dma_semaphore, #tpu.memory_space<semaphore_mem>>)
      %dma_wait3A_862 = tpu.memref_slice %arg2[%mul3A_2] : memref<4096xi32, #tpu.memory_space<hbm>> -> memref<128xi32, #tpu.memory_space<hbm>>
      %dma_wait3A_863 = tpu.memref_slice %arg2[%mul3A_2] : memref<4096xi32, #tpu.memory_space<hbm>> -> memref<128xi32, #tpu.memory_space<hbm>>
      tpu.wait_dma2 semaphore(%run_scoped3A : memref<!tpu.dma_semaphore, #tpu.memory_space<semaphore_mem>>) src(%dma_wait3A_863 : memref<128xi32, #tpu.memory_space<hbm>>) dst(%arg9 : memref<128xi32, #tpu.memory_space<vmem>>)
      tpu.yield
    }) : () -> ()
    "tpu.region"() ({
      %run_scoped3A = tpu.sem_alloc : memref<!tpu.dma_semaphore, #tpu.memory_space<semaphore_mem>>
      tpu.enqueue_dma source(%arg3 : memref<1x10xf32, #tpu.memory_space<hbm>>) target(%arg11 : memref<1x10xf32, #tpu.memory_space<vmem>>) target_semaphore(%run_scoped3A : memref<!tpu.dma_semaphore, #tpu.memory_space<semaphore_mem>>)
      tpu.wait_dma2 semaphore(%run_scoped3A : memref<!tpu.dma_semaphore, #tpu.memory_space<semaphore_mem>>) src(%arg3 : memref<1x10xf32, #tpu.memory_space<hbm>>) dst(%arg11 : memref<1x10xf32, #tpu.memory_space<vmem>>)
      tpu.yield
    }) : () -> ()
    %iota3A = tpu.iota {dimensions = array<i32: 0>} : vector<16xi32>
    %broadcast_in_dim3A = arith.constant 0 : i32
    %broadcast_in_dim3A_3 = vector.broadcast %broadcast_in_dim3A : i32 to vector<16xi32>
    %mul3A_4 = arith.constant 100000 : i32
    %mul3A_5 = vector.broadcast %mul3A_4 : i32 to vector<16xi32>
    %mul3A_6 = arith.muli %iota3A, %mul3A_5 : vector<16xi32>
    %scan3A = arith.constant 0 : i32
    %scan3A_7 = arith.constant 128 : i32
    %scan3A_8 = arith.addi %scan3A, %scan3A_7 : i32
    %scan3A_9 = arith.constant 1 : i32
    scf.for %scan3A_860 = %scan3A to %scan3A_8 step %scan3A_9  : i32 {
      %broadcast_in_dim3A_861 = vector.broadcast %scan3A_860 : i32 to vector<16xi32>
      %gather3A_862 = tpu.vector_load_idx %arg9[%broadcast_in_dim3A_861] : memref<128xi32, #tpu.memory_space<vmem>>[vector<16xi32>], vector<16xi32>,
      %mul3A_863 = arith.constant 3 : i32
      %mul3A_864 = arith.muli %mul3A_863, %scan3A_860 : i32
      %add3A_865 = vector.broadcast %mul3A_864 : i32 to vector<16xi32>
      %add3A_866 = arith.addi %add3A_865, %iota3A : vector<16xi32>
      %add3A_867 = arith.addi %mul3A_6, %gather3A_862 : vector<16xi32>
      tpu.vector_store_idx %arg10[%add3A_866], %add3A_867 : memref<400xi32, #tpu.memory_space<vmem>>[vector<16xi32>], vector<16xi32>,
    }
    %scan3A_10 = arith.constant 128 : i32
    %dma_start3A = arith.constant 0 : i32
    %dma_start3A_11 = tpu.memref_slice %arg10[%dma_start3A] : memref<400xi32, #tpu.memory_space<vmem>> -> memref<384xi32, #tpu.memory_space<vmem>>
    %dma_start3A_12 = arith.constant 0 : i32
    %dma_start3A_13 = tpu.memref_slice %arg4[%dma_start3A_12] : memref<300000xf32, #tpu.memory_space<hbm>> -> memref<300000xf32, #tpu.memory_space<hbm>>
    tpu.enqueue_indirect_dma source(%dma_start3A_13 : memref<300000xf32, #tpu.memory_space<hbm>>) target(%arg13 : memref<384xf32, #tpu.memory_space<vmem>>) offsets(%dma_start3A_11 : memref<384xi32, #tpu.memory_space<vmem>>) semaphore(%arg15 : memref<!tpu.dma_semaphore, #tpu.memory_space<semaphore_mem>>)
    %dma_start3A_14 = arith.constant 0 : i32
    %dma_start3A_15 = tpu.memref_slice %arg10[%dma_start3A_14] : memref<400xi32, #tpu.memory_space<vmem>> -> memref<384xi32, #tpu.memory_space<vmem>>
    %dma_start3A_16 = arith.constant 0 : i32
    %dma_start3A_17 = tpu.memref_slice %arg5[%dma_start3A_16] : memref<300000xf32, #tpu.memory_space<hbm>> -> memref<300000xf32, #tpu.memory_space<hbm>>
    tpu.enqueue_indirect_dma source(%dma_start3A_17 : memref<300000xf32, #tpu.memory_space<hbm>>) target(%arg14 : memref<384xf32, #tpu.memory_space<vmem>>) offsets(%dma_start3A_15 : memref<384xi32, #tpu.memory_space<vmem>>) semaphore(%arg15 : memref<!tpu.dma_semaphore, #tpu.memory_space<semaphore_mem>>)
    %add3A_18 = arith.constant 0 : i32
    %add3A_19 = vector.broadcast %add3A_18 : i32 to vector<16xi32>
    %add3A_20 = arith.addi %iota3A, %add3A_19 : vector<16xi32>
    %ge3A = arith.constant 10 : i32
    %ge3A_21 = vector.broadcast %ge3A : i32 to vector<16xi32>
    %ge3A_22 = arith.cmpi sge, %add3A_20, %ge3A_21 : vector<16xi32>
    %sub3A = arith.constant 10 : i32
    %sub3A_23 = vector.broadcast %sub3A : i32 to vector<16xi32>
    %sub3A_24 = arith.subi %add3A_20, %sub3A_23 : vector<16xi32>
    %select_n3A = arith.select %ge3A_22, %sub3A_24, %add3A_20 : vector<16xi1>, vector<16xi32>
    %ge3A_25 = arith.constant 10 : i32
    %ge3A_26 = vector.broadcast %ge3A_25 : i32 to vector<16xi32>
    %ge3A_27 = arith.cmpi sge, %add3A_20, %ge3A_26 : vector<16xi32>
    %jit3A = arith.constant 1 : i32
    %jit3A_28 = arith.constant 0 : i32
    %broadcast_in_dim3A_29 = vector.broadcast %jit3A : i32 to vector<16xi32>
    %broadcast_in_dim3A_30 = vector.broadcast %jit3A_28 : i32 to vector<16xi32>
    %select_n3A_31 = arith.select %ge3A_27, %broadcast_in_dim3A_29, %broadcast_in_dim3A_30 : vector<16xi1>, vector<16xi32>
    %add3A_32 = arith.addi %broadcast_in_dim3A_3, %select_n3A_31 : vector<16xi32>
    %ge3A_33 = arith.constant 20 : i32
    %ge3A_34 = vector.broadcast %ge3A_33 : i32 to vector<16xi32>
    %ge3A_35 = arith.cmpi sge, %add3A_20, %ge3A_34 : vector<16xi32>
    %sub3A_36 = arith.constant 20 : i32
    %sub3A_37 = vector.broadcast %sub3A_36 : i32 to vector<16xi32>
    %sub3A_38 = arith.subi %add3A_20, %sub3A_37 : vector<16xi32>
    %select_n3A_39 = arith.select %ge3A_35, %sub3A_38, %select_n3A : vector<16xi1>, vector<16xi32>
    %ge3A_40 = arith.constant 20 : i32
    %ge3A_41 = vector.broadcast %ge3A_40 : i32 to vector<16xi32>
    %ge3A_42 = arith.cmpi sge, %add3A_20, %ge3A_41 : vector<16xi32>
    %jit3A_43 = arith.constant 1 : i32
    %jit3A_44 = arith.constant 0 : i32
    %broadcast_in_dim3A_45 = vector.broadcast %jit3A_43 : i32 to vector<16xi32>
    %broadcast_in_dim3A_46 = vector.broadcast %jit3A_44 : i32 to vector<16xi32>
    %select_n3A_47 = arith.select %ge3A_42, %broadcast_in_dim3A_45, %broadcast_in_dim3A_46 : vector<16xi1>, vector<16xi32>
    %add3A_48 = arith.addi %add3A_32, %select_n3A_47 : vector<16xi32>
    %ge3A_49 = arith.constant 30 : i32
    %ge3A_50 = vector.broadcast %ge3A_49 : i32 to vector<16xi32>
    %ge3A_51 = arith.cmpi sge, %add3A_20, %ge3A_50 : vector<16xi32>
    %sub3A_52 = arith.constant 30 : i32
    %sub3A_53 = vector.broadcast %sub3A_52 : i32 to vector<16xi32>
    %sub3A_54 = arith.subi %add3A_20, %sub3A_53 : vector<16xi32>
    %select_n3A_55 = arith.select %ge3A_51, %sub3A_54, %select_n3A_39 : vector<16xi1>, vector<16xi32>
    %ge3A_56 = arith.constant 30 : i32
    %ge3A_57 = vector.broadcast %ge3A_56 : i32 to vector<16xi32>
    %ge3A_58 = arith.cmpi sge, %add3A_20, %ge3A_57 : vector<16xi32>
    %jit3A_59 = arith.constant 1 : i32
    %jit3A_60 = arith.constant 0 : i32
    %broadcast_in_dim3A_61 = vector.broadcast %jit3A_59 : i32 to vector<16xi32>
    %broadcast_in_dim3A_62 = vector.broadcast %jit3A_60 : i32 to vector<16xi32>
    %select_n3A_63 = arith.select %ge3A_58, %broadcast_in_dim3A_61, %broadcast_in_dim3A_62 : vector<16xi1>, vector<16xi32>
    %add3A_64 = arith.addi %add3A_48, %select_n3A_63 : vector<16xi32>
    %ge3A_65 = arith.constant 40 : i32
    %ge3A_66 = vector.broadcast %ge3A_65 : i32 to vector<16xi32>
    %ge3A_67 = arith.cmpi sge, %add3A_20, %ge3A_66 : vector<16xi32>
    %sub3A_68 = arith.constant 40 : i32
    %sub3A_69 = vector.broadcast %sub3A_68 : i32 to vector<16xi32>
    %sub3A_70 = arith.subi %add3A_20, %sub3A_69 : vector<16xi32>
    %select_n3A_71 = arith.select %ge3A_67, %sub3A_70, %select_n3A_55 : vector<16xi1>, vector<16xi32>
    %ge3A_72 = arith.constant 40 : i32
    %ge3A_73 = vector.broadcast %ge3A_72 : i32 to vector<16xi32>
    %ge3A_74 = arith.cmpi sge, %add3A_20, %ge3A_73 : vector<16xi32>
    %jit3A_75 = arith.constant 1 : i32
    %jit3A_76 = arith.constant 0 : i32
    %broadcast_in_dim3A_77 = vector.broadcast %jit3A_75 : i32 to vector<16xi32>
    %broadcast_in_dim3A_78 = vector.broadcast %jit3A_76 : i32 to vector<16xi32>
    %select_n3A_79 = arith.select %ge3A_74, %broadcast_in_dim3A_77, %broadcast_in_dim3A_78 : vector<16xi1>, vector<16xi32>
    %add3A_80 = arith.addi %add3A_64, %select_n3A_79 : vector<16xi32>
    %ge3A_81 = arith.constant 50 : i32
    %ge3A_82 = vector.broadcast %ge3A_81 : i32 to vector<16xi32>
    %ge3A_83 = arith.cmpi sge, %add3A_20, %ge3A_82 : vector<16xi32>
    %sub3A_84 = arith.constant 50 : i32
    %sub3A_85 = vector.broadcast %sub3A_84 : i32 to vector<16xi32>
    %sub3A_86 = arith.subi %add3A_20, %sub3A_85 : vector<16xi32>
    %select_n3A_87 = arith.select %ge3A_83, %sub3A_86, %select_n3A_71 : vector<16xi1>, vector<16xi32>
    %ge3A_88 = arith.constant 50 : i32
    %ge3A_89 = vector.broadcast %ge3A_88 : i32 to vector<16xi32>
    %ge3A_90 = arith.cmpi sge, %add3A_20, %ge3A_89 : vector<16xi32>
    %jit3A_91 = arith.constant 1 : i32
    %jit3A_92 = arith.constant 0 : i32
    %broadcast_in_dim3A_93 = vector.broadcast %jit3A_91 : i32 to vector<16xi32>
    %broadcast_in_dim3A_94 = vector.broadcast %jit3A_92 : i32 to vector<16xi32>
    %select_n3A_95 = arith.select %ge3A_90, %broadcast_in_dim3A_93, %broadcast_in_dim3A_94 : vector<16xi1>, vector<16xi32>
    %add3A_96 = arith.addi %add3A_80, %select_n3A_95 : vector<16xi32>
    %ge3A_97 = arith.constant 60 : i32
    %ge3A_98 = vector.broadcast %ge3A_97 : i32 to vector<16xi32>
    %ge3A_99 = arith.cmpi sge, %add3A_20, %ge3A_98 : vector<16xi32>
    %sub3A_100 = arith.constant 60 : i32
    %sub3A_101 = vector.broadcast %sub3A_100 : i32 to vector<16xi32>
    %sub3A_102 = arith.subi %add3A_20, %sub3A_101 : vector<16xi32>
    %select_n3A_103 = arith.select %ge3A_99, %sub3A_102, %select_n3A_87 : vector<16xi1>, vector<16xi32>
    %ge3A_104 = arith.constant 60 : i32
    %ge3A_105 = vector.broadcast %ge3A_104 : i32 to vector<16xi32>
    %ge3A_106 = arith.cmpi sge, %add3A_20, %ge3A_105 : vector<16xi32>
    %jit3A_107 = arith.constant 1 : i32
    %jit3A_108 = arith.constant 0 : i32
    %broadcast_in_dim3A_109 = vector.broadcast %jit3A_107 : i32 to vector<16xi32>
    %broadcast_in_dim3A_110 = vector.broadcast %jit3A_108 : i32 to vector<16xi32>
    %select_n3A_111 = arith.select %ge3A_106, %broadcast_in_dim3A_109, %broadcast_in_dim3A_110 : vector<16xi1>, vector<16xi32>
    %add3A_112 = arith.addi %add3A_96, %select_n3A_111 : vector<16xi32>
    %ge3A_113 = arith.constant 70 : i32
    %ge3A_114 = vector.broadcast %ge3A_113 : i32 to vector<16xi32>
    %ge3A_115 = arith.cmpi sge, %add3A_20, %ge3A_114 : vector<16xi32>
    %sub3A_116 = arith.constant 70 : i32
    %sub3A_117 = vector.broadcast %sub3A_116 : i32 to vector<16xi32>
    %sub3A_118 = arith.subi %add3A_20, %sub3A_117 : vector<16xi32>
    %select_n3A_119 = arith.select %ge3A_115, %sub3A_118, %select_n3A_103 : vector<16xi1>, vector<16xi32>
    %ge3A_120 = arith.constant 70 : i32
    %ge3A_121 = vector.broadcast %ge3A_120 : i32 to vector<16xi32>
    %ge3A_122 = arith.cmpi sge, %add3A_20, %ge3A_121 : vector<16xi32>
    %jit3A_123 = arith.constant 1 : i32
    %jit3A_124 = arith.constant 0 : i32
    %broadcast_in_dim3A_125 = vector.broadcast %jit3A_123 : i32 to vector<16xi32>
    %broadcast_in_dim3A_126 = vector.broadcast %jit3A_124 : i32 to vector<16xi32>
    %select_n3A_127 = arith.select %ge3A_122, %broadcast_in_dim3A_125, %broadcast_in_dim3A_126 : vector<16xi1>, vector<16xi32>
    %add3A_128 = arith.addi %add3A_112, %select_n3A_127 : vector<16xi32>
    %gather3A = tpu.vector_load_idx %arg11[%broadcast_in_dim3A_3, %select_n3A_119] : memref<1x10xf32, #tpu.memory_space<vmem>>[vector<16xi32>, vector<16xi32>], vector<16xf32>,
    %add3A_129 = arith.constant 0 : i32
    %add3A_130 = vector.broadcast %add3A_129 : i32 to vector<16xi32>
    %add3A_131 = arith.addi %add3A_130, %add3A_128 : vector<16xi32>
    tpu.vector_store_idx %arg12[%add3A_131, %select_n3A_119], %gather3A : memref<128x10xf32, #tpu.memory_space<vmem>>[vector<16xi32>, vector<16xi32>], vector<16xf32>,
    %add3A_132 = arith.constant 8 : i32
    %add3A_133 = vector.broadcast %add3A_132 : i32 to vector<16xi32>
    %add3A_134 = arith.addi %add3A_133, %add3A_128 : vector<16xi32>
    tpu.vector_store_idx %arg12[%add3A_134, %select_n3A_119], %gather3A : memref<128x10xf32, #tpu.memory_space<vmem>>[vector<16xi32>, vector<16xi32>], vector<16xf32>,
    %add3A_135 = arith.constant 16 : i32
    %add3A_136 = vector.broadcast %add3A_135 : i32 to vector<16xi32>
    %add3A_137 = arith.addi %add3A_136, %add3A_128 : vector<16xi32>
    tpu.vector_store_idx %arg12[%add3A_137, %select_n3A_119], %gather3A : memref<128x10xf32, #tpu.memory_space<vmem>>[vector<16xi32>, vector<16xi32>], vector<16xf32>,
    %add3A_138 = arith.constant 24 : i32
    %add3A_139 = vector.broadcast %add3A_138 : i32 to vector<16xi32>
    %add3A_140 = arith.addi %add3A_139, %add3A_128 : vector<16xi32>
    tpu.vector_store_idx %arg12[%add3A_140, %select_n3A_119], %gather3A : memref<128x10xf32, #tpu.memory_space<vmem>>[vector<16xi32>, vector<16xi32>], vector<16xf32>,
    %add3A_141 = arith.constant 32 : i32
    %add3A_142 = vector.broadcast %add3A_141 : i32 to vector<16xi32>
    %add3A_143 = arith.addi %add3A_142, %add3A_128 : vector<16xi32>
    tpu.vector_store_idx %arg12[%add3A_143, %select_n3A_119], %gather3A : memref<128x10xf32, #tpu.memory_space<vmem>>[vector<16xi32>, vector<16xi32>], vector<16xf32>,
    %add3A_144 = arith.constant 40 : i32
    %add3A_145 = vector.broadcast %add3A_144 : i32 to vector<16xi32>
    %add3A_146 = arith.addi %add3A_145, %add3A_128 : vector<16xi32>
    tpu.vector_store_idx %arg12[%add3A_146, %select_n3A_119], %gather3A : memref<128x10xf32, #tpu.memory_space<vmem>>[vector<16xi32>, vector<16xi32>], vector<16xf32>,
    %add3A_147 = arith.constant 48 : i32
    %add3A_148 = vector.broadcast %add3A_147 : i32 to vector<16xi32>
    %add3A_149 = arith.addi %add3A_148, %add3A_128 : vector<16xi32>
    tpu.vector_store_idx %arg12[%add3A_149, %select_n3A_119], %gather3A : memref<128x10xf32, #tpu.memory_space<vmem>>[vector<16xi32>, vector<16xi32>], vector<16xf32>,
    %add3A_150 = arith.constant 56 : i32
    %add3A_151 = vector.broadcast %add3A_150 : i32 to vector<16xi32>
    %add3A_152 = arith.addi %add3A_151, %add3A_128 : vector<16xi32>
    tpu.vector_store_idx %arg12[%add3A_152, %select_n3A_119], %gather3A : memref<128x10xf32, #tpu.memory_space<vmem>>[vector<16xi32>, vector<16xi32>], vector<16xf32>,
    %add3A_153 = arith.constant 64 : i32
    %add3A_154 = vector.broadcast %add3A_153 : i32 to vector<16xi32>
    %add3A_155 = arith.addi %add3A_154, %add3A_128 : vector<16xi32>
    tpu.vector_store_idx %arg12[%add3A_155, %select_n3A_119], %gather3A : memref<128x10xf32, #tpu.memory_space<vmem>>[vector<16xi32>, vector<16xi32>], vector<16xf32>,
    %add3A_156 = arith.constant 72 : i32
    %add3A_157 = vector.broadcast %add3A_156 : i32 to vector<16xi32>
    %add3A_158 = arith.addi %add3A_157, %add3A_128 : vector<16xi32>
    tpu.vector_store_idx %arg12[%add3A_158, %select_n3A_119], %gather3A : memref<128x10xf32, #tpu.memory_space<vmem>>[vector<16xi32>, vector<16xi32>], vector<16xf32>,
    %add3A_159 = arith.constant 80 : i32
    %add3A_160 = vector.broadcast %add3A_159 : i32 to vector<16xi32>
    %add3A_161 = arith.addi %add3A_160, %add3A_128 : vector<16xi32>
    tpu.vector_store_idx %arg12[%add3A_161, %select_n3A_119], %gather3A : memref<128x10xf32, #tpu.memory_space<vmem>>[vector<16xi32>, vector<16xi32>], vector<16xf32>,
    %add3A_162 = arith.constant 88 : i32
    %add3A_163 = vector.broadcast %add3A_162 : i32 to vector<16xi32>
    %add3A_164 = arith.addi %add3A_163, %add3A_128 : vector<16xi32>
    tpu.vector_store_idx %arg12[%add3A_164, %select_n3A_119], %gather3A : memref<128x10xf32, #tpu.memory_space<vmem>>[vector<16xi32>, vector<16xi32>], vector<16xf32>,
    %add3A_165 = arith.constant 96 : i32
    %add3A_166 = vector.broadcast %add3A_165 : i32 to vector<16xi32>
    %add3A_167 = arith.addi %add3A_166, %add3A_128 : vector<16xi32>
    tpu.vector_store_idx %arg12[%add3A_167, %select_n3A_119], %gather3A : memref<128x10xf32, #tpu.memory_space<vmem>>[vector<16xi32>, vector<16xi32>], vector<16xf32>,
    %add3A_168 = arith.constant 104 : i32
    %add3A_169 = vector.broadcast %add3A_168 : i32 to vector<16xi32>
    %add3A_170 = arith.addi %add3A_169, %add3A_128 : vector<16xi32>
    tpu.vector_store_idx %arg12[%add3A_170, %select_n3A_119], %gather3A : memref<128x10xf32, #tpu.memory_space<vmem>>[vector<16xi32>, vector<16xi32>], vector<16xf32>,
    %add3A_171 = arith.constant 112 : i32
    %add3A_172 = vector.broadcast %add3A_171 : i32 to vector<16xi32>
    %add3A_173 = arith.addi %add3A_172, %add3A_128 : vector<16xi32>
    tpu.vector_store_idx %arg12[%add3A_173, %select_n3A_119], %gather3A : memref<128x10xf32, #tpu.memory_space<vmem>>[vector<16xi32>, vector<16xi32>], vector<16xf32>,
    %add3A_174 = arith.constant 120 : i32
    %add3A_175 = vector.broadcast %add3A_174 : i32 to vector<16xi32>
    %add3A_176 = arith.addi %add3A_175, %add3A_128 : vector<16xi32>
    tpu.vector_store_idx %arg12[%add3A_176, %select_n3A_119], %gather3A : memref<128x10xf32, #tpu.memory_space<vmem>>[vector<16xi32>, vector<16xi32>], vector<16xf32>,
    %add3A_177 = arith.constant 16 : i32
    %add3A_178 = vector.broadcast %add3A_177 : i32 to vector<16xi32>
    %add3A_179 = arith.addi %iota3A, %add3A_178 : vector<16xi32>
    %ge3A_180 = arith.constant 10 : i32
    %ge3A_181 = vector.broadcast %ge3A_180 : i32 to vector<16xi32>
    %ge3A_182 = arith.cmpi sge, %add3A_179, %ge3A_181 : vector<16xi32>
    %sub3A_183 = arith.constant 10 : i32
    %sub3A_184 = vector.broadcast %sub3A_183 : i32 to vector<16xi32>
    %sub3A_185 = arith.subi %add3A_179, %sub3A_184 : vector<16xi32>
    %select_n3A_186 = arith.select %ge3A_182, %sub3A_185, %add3A_179 : vector<16xi1>, vector<16xi32>
    %ge3A_187 = arith.constant 10 : i32
    %ge3A_188 = vector.broadcast %ge3A_187 : i32 to vector<16xi32>
    %ge3A_189 = arith.cmpi sge, %add3A_179, %ge3A_188 : vector<16xi32>
    %jit3A_190 = arith.constant 1 : i32
    %jit3A_191 = arith.constant 0 : i32
    %broadcast_in_dim3A_192 = vector.broadcast %jit3A_190 : i32 to vector<16xi32>
    %broadcast_in_dim3A_193 = vector.broadcast %jit3A_191 : i32 to vector<16xi32>
    %select_n3A_194 = arith.select %ge3A_189, %broadcast_in_dim3A_192, %broadcast_in_dim3A_193 : vector<16xi1>, vector<16xi32>
    %add3A_195 = arith.addi %broadcast_in_dim3A_3, %select_n3A_194 : vector<16xi32>
    %ge3A_196 = arith.constant 20 : i32
    %ge3A_197 = vector.broadcast %ge3A_196 : i32 to vector<16xi32>
    %ge3A_198 = arith.cmpi sge, %add3A_179, %ge3A_197 : vector<16xi32>
    %sub3A_199 = arith.constant 20 : i32
    %sub3A_200 = vector.broadcast %sub3A_199 : i32 to vector<16xi32>
    %sub3A_201 = arith.subi %add3A_179, %sub3A_200 : vector<16xi32>
    %select_n3A_202 = arith.select %ge3A_198, %sub3A_201, %select_n3A_186 : vector<16xi1>, vector<16xi32>
    %ge3A_203 = arith.constant 20 : i32
    %ge3A_204 = vector.broadcast %ge3A_203 : i32 to vector<16xi32>
    %ge3A_205 = arith.cmpi sge, %add3A_179, %ge3A_204 : vector<16xi32>
    %jit3A_206 = arith.constant 1 : i32
    %jit3A_207 = arith.constant 0 : i32
    %broadcast_in_dim3A_208 = vector.broadcast %jit3A_206 : i32 to vector<16xi32>
    %broadcast_in_dim3A_209 = vector.broadcast %jit3A_207 : i32 to vector<16xi32>
    %select_n3A_210 = arith.select %ge3A_205, %broadcast_in_dim3A_208, %broadcast_in_dim3A_209 : vector<16xi1>, vector<16xi32>
    %add3A_211 = arith.addi %add3A_195, %select_n3A_210 : vector<16xi32>
    %ge3A_212 = arith.constant 30 : i32
    %ge3A_213 = vector.broadcast %ge3A_212 : i32 to vector<16xi32>
    %ge3A_214 = arith.cmpi sge, %add3A_179, %ge3A_213 : vector<16xi32>
    %sub3A_215 = arith.constant 30 : i32
    %sub3A_216 = vector.broadcast %sub3A_215 : i32 to vector<16xi32>
    %sub3A_217 = arith.subi %add3A_179, %sub3A_216 : vector<16xi32>
    %select_n3A_218 = arith.select %ge3A_214, %sub3A_217, %select_n3A_202 : vector<16xi1>, vector<16xi32>
    %ge3A_219 = arith.constant 30 : i32
    %ge3A_220 = vector.broadcast %ge3A_219 : i32 to vector<16xi32>
    %ge3A_221 = arith.cmpi sge, %add3A_179, %ge3A_220 : vector<16xi32>
    %jit3A_222 = arith.constant 1 : i32
    %jit3A_223 = arith.constant 0 : i32
    %broadcast_in_dim3A_224 = vector.broadcast %jit3A_222 : i32 to vector<16xi32>
    %broadcast_in_dim3A_225 = vector.broadcast %jit3A_223 : i32 to vector<16xi32>
    %select_n3A_226 = arith.select %ge3A_221, %broadcast_in_dim3A_224, %broadcast_in_dim3A_225 : vector<16xi1>, vector<16xi32>
    %add3A_227 = arith.addi %add3A_211, %select_n3A_226 : vector<16xi32>
    %ge3A_228 = arith.constant 40 : i32
    %ge3A_229 = vector.broadcast %ge3A_228 : i32 to vector<16xi32>
    %ge3A_230 = arith.cmpi sge, %add3A_179, %ge3A_229 : vector<16xi32>
    %sub3A_231 = arith.constant 40 : i32
    %sub3A_232 = vector.broadcast %sub3A_231 : i32 to vector<16xi32>
    %sub3A_233 = arith.subi %add3A_179, %sub3A_232 : vector<16xi32>
    %select_n3A_234 = arith.select %ge3A_230, %sub3A_233, %select_n3A_218 : vector<16xi1>, vector<16xi32>
    %ge3A_235 = arith.constant 40 : i32
    %ge3A_236 = vector.broadcast %ge3A_235 : i32 to vector<16xi32>
    %ge3A_237 = arith.cmpi sge, %add3A_179, %ge3A_236 : vector<16xi32>
    %jit3A_238 = arith.constant 1 : i32
    %jit3A_239 = arith.constant 0 : i32
    %broadcast_in_dim3A_240 = vector.broadcast %jit3A_238 : i32 to vector<16xi32>
    %broadcast_in_dim3A_241 = vector.broadcast %jit3A_239 : i32 to vector<16xi32>
    %select_n3A_242 = arith.select %ge3A_237, %broadcast_in_dim3A_240, %broadcast_in_dim3A_241 : vector<16xi1>, vector<16xi32>
    %add3A_243 = arith.addi %add3A_227, %select_n3A_242 : vector<16xi32>
    %ge3A_244 = arith.constant 50 : i32
    %ge3A_245 = vector.broadcast %ge3A_244 : i32 to vector<16xi32>
    %ge3A_246 = arith.cmpi sge, %add3A_179, %ge3A_245 : vector<16xi32>
    %sub3A_247 = arith.constant 50 : i32
    %sub3A_248 = vector.broadcast %sub3A_247 : i32 to vector<16xi32>
    %sub3A_249 = arith.subi %add3A_179, %sub3A_248 : vector<16xi32>
    %select_n3A_250 = arith.select %ge3A_246, %sub3A_249, %select_n3A_234 : vector<16xi1>, vector<16xi32>
    %ge3A_251 = arith.constant 50 : i32
    %ge3A_252 = vector.broadcast %ge3A_251 : i32 to vector<16xi32>
    %ge3A_253 = arith.cmpi sge, %add3A_179, %ge3A_252 : vector<16xi32>
    %jit3A_254 = arith.constant 1 : i32
    %jit3A_255 = arith.constant 0 : i32
    %broadcast_in_dim3A_256 = vector.broadcast %jit3A_254 : i32 to vector<16xi32>
    %broadcast_in_dim3A_257 = vector.broadcast %jit3A_255 : i32 to vector<16xi32>
    %select_n3A_258 = arith.select %ge3A_253, %broadcast_in_dim3A_256, %broadcast_in_dim3A_257 : vector<16xi1>, vector<16xi32>
    %add3A_259 = arith.addi %add3A_243, %select_n3A_258 : vector<16xi32>
    %ge3A_260 = arith.constant 60 : i32
    %ge3A_261 = vector.broadcast %ge3A_260 : i32 to vector<16xi32>
    %ge3A_262 = arith.cmpi sge, %add3A_179, %ge3A_261 : vector<16xi32>
    %sub3A_263 = arith.constant 60 : i32
    %sub3A_264 = vector.broadcast %sub3A_263 : i32 to vector<16xi32>
    %sub3A_265 = arith.subi %add3A_179, %sub3A_264 : vector<16xi32>
    %select_n3A_266 = arith.select %ge3A_262, %sub3A_265, %select_n3A_250 : vector<16xi1>, vector<16xi32>
    %ge3A_267 = arith.constant 60 : i32
    %ge3A_268 = vector.broadcast %ge3A_267 : i32 to vector<16xi32>
    %ge3A_269 = arith.cmpi sge, %add3A_179, %ge3A_268 : vector<16xi32>
    %jit3A_270 = arith.constant 1 : i32
    %jit3A_271 = arith.constant 0 : i32
    %broadcast_in_dim3A_272 = vector.broadcast %jit3A_270 : i32 to vector<16xi32>
    %broadcast_in_dim3A_273 = vector.broadcast %jit3A_271 : i32 to vector<16xi32>
    %select_n3A_274 = arith.select %ge3A_269, %broadcast_in_dim3A_272, %broadcast_in_dim3A_273 : vector<16xi1>, vector<16xi32>
    %add3A_275 = arith.addi %add3A_259, %select_n3A_274 : vector<16xi32>
    %ge3A_276 = arith.constant 70 : i32
    %ge3A_277 = vector.broadcast %ge3A_276 : i32 to vector<16xi32>
    %ge3A_278 = arith.cmpi sge, %add3A_179, %ge3A_277 : vector<16xi32>
    %sub3A_279 = arith.constant 70 : i32
    %sub3A_280 = vector.broadcast %sub3A_279 : i32 to vector<16xi32>
    %sub3A_281 = arith.subi %add3A_179, %sub3A_280 : vector<16xi32>
    %select_n3A_282 = arith.select %ge3A_278, %sub3A_281, %select_n3A_266 : vector<16xi1>, vector<16xi32>
    %ge3A_283 = arith.constant 70 : i32
    %ge3A_284 = vector.broadcast %ge3A_283 : i32 to vector<16xi32>
    %ge3A_285 = arith.cmpi sge, %add3A_179, %ge3A_284 : vector<16xi32>
    %jit3A_286 = arith.constant 1 : i32
    %jit3A_287 = arith.constant 0 : i32
    %broadcast_in_dim3A_288 = vector.broadcast %jit3A_286 : i32 to vector<16xi32>
    %broadcast_in_dim3A_289 = vector.broadcast %jit3A_287 : i32 to vector<16xi32>
    %select_n3A_290 = arith.select %ge3A_285, %broadcast_in_dim3A_288, %broadcast_in_dim3A_289 : vector<16xi1>, vector<16xi32>
    %add3A_291 = arith.addi %add3A_275, %select_n3A_290 : vector<16xi32>
    %gather3A_292 = tpu.vector_load_idx %arg11[%broadcast_in_dim3A_3, %select_n3A_282] : memref<1x10xf32, #tpu.memory_space<vmem>>[vector<16xi32>, vector<16xi32>], vector<16xf32>,
    %add3A_293 = arith.constant 0 : i32
    %add3A_294 = vector.broadcast %add3A_293 : i32 to vector<16xi32>
    %add3A_295 = arith.addi %add3A_294, %add3A_291 : vector<16xi32>
    tpu.vector_store_idx %arg12[%add3A_295, %select_n3A_282], %gather3A_292 : memref<128x10xf32, #tpu.memory_space<vmem>>[vector<16xi32>, vector<16xi32>], vector<16xf32>,
    %add3A_296 = arith.constant 8 : i32
    %add3A_297 = vector.broadcast %add3A_296 : i32 to vector<16xi32>
    %add3A_298 = arith.addi %add3A_297, %add3A_291 : vector<16xi32>
    tpu.vector_store_idx %arg12[%add3A_298, %select_n3A_282], %gather3A_292 : memref<128x10xf32, #tpu.memory_space<vmem>>[vector<16xi32>, vector<16xi32>], vector<16xf32>,
    %add3A_299 = arith.constant 16 : i32
    %add3A_300 = vector.broadcast %add3A_299 : i32 to vector<16xi32>
    %add3A_301 = arith.addi %add3A_300, %add3A_291 : vector<16xi32>
    tpu.vector_store_idx %arg12[%add3A_301, %select_n3A_282], %gather3A_292 : memref<128x10xf32, #tpu.memory_space<vmem>>[vector<16xi32>, vector<16xi32>], vector<16xf32>,
    %add3A_302 = arith.constant 24 : i32
    %add3A_303 = vector.broadcast %add3A_302 : i32 to vector<16xi32>
    %add3A_304 = arith.addi %add3A_303, %add3A_291 : vector<16xi32>
    tpu.vector_store_idx %arg12[%add3A_304, %select_n3A_282], %gather3A_292 : memref<128x10xf32, #tpu.memory_space<vmem>>[vector<16xi32>, vector<16xi32>], vector<16xf32>,
    %add3A_305 = arith.constant 32 : i32
    %add3A_306 = vector.broadcast %add3A_305 : i32 to vector<16xi32>
    %add3A_307 = arith.addi %add3A_306, %add3A_291 : vector<16xi32>
    tpu.vector_store_idx %arg12[%add3A_307, %select_n3A_282], %gather3A_292 : memref<128x10xf32, #tpu.memory_space<vmem>>[vector<16xi32>, vector<16xi32>], vector<16xf32>,
    %add3A_308 = arith.constant 40 : i32
    %add3A_309 = vector.broadcast %add3A_308 : i32 to vector<16xi32>
    %add3A_310 = arith.addi %add3A_309, %add3A_291 : vector<16xi32>
    tpu.vector_store_idx %arg12[%add3A_310, %select_n3A_282], %gather3A_292 : memref<128x10xf32, #tpu.memory_space<vmem>>[vector<16xi32>, vector<16xi32>], vector<16xf32>,
    %add3A_311 = arith.constant 48 : i32
    %add3A_312 = vector.broadcast %add3A_311 : i32 to vector<16xi32>
    %add3A_313 = arith.addi %add3A_312, %add3A_291 : vector<16xi32>
    tpu.vector_store_idx %arg12[%add3A_313, %select_n3A_282], %gather3A_292 : memref<128x10xf32, #tpu.memory_space<vmem>>[vector<16xi32>, vector<16xi32>], vector<16xf32>,
    %add3A_314 = arith.constant 56 : i32
    %add3A_315 = vector.broadcast %add3A_314 : i32 to vector<16xi32>
    %add3A_316 = arith.addi %add3A_315, %add3A_291 : vector<16xi32>
    tpu.vector_store_idx %arg12[%add3A_316, %select_n3A_282], %gather3A_292 : memref<128x10xf32, #tpu.memory_space<vmem>>[vector<16xi32>, vector<16xi32>], vector<16xf32>,
    %add3A_317 = arith.constant 64 : i32
    %add3A_318 = vector.broadcast %add3A_317 : i32 to vector<16xi32>
    %add3A_319 = arith.addi %add3A_318, %add3A_291 : vector<16xi32>
    tpu.vector_store_idx %arg12[%add3A_319, %select_n3A_282], %gather3A_292 : memref<128x10xf32, #tpu.memory_space<vmem>>[vector<16xi32>, vector<16xi32>], vector<16xf32>,
    %add3A_320 = arith.constant 72 : i32
    %add3A_321 = vector.broadcast %add3A_320 : i32 to vector<16xi32>
    %add3A_322 = arith.addi %add3A_321, %add3A_291 : vector<16xi32>
    tpu.vector_store_idx %arg12[%add3A_322, %select_n3A_282], %gather3A_292 : memref<128x10xf32, #tpu.memory_space<vmem>>[vector<16xi32>, vector<16xi32>], vector<16xf32>,
    %add3A_323 = arith.constant 80 : i32
    %add3A_324 = vector.broadcast %add3A_323 : i32 to vector<16xi32>
    %add3A_325 = arith.addi %add3A_324, %add3A_291 : vector<16xi32>
    tpu.vector_store_idx %arg12[%add3A_325, %select_n3A_282], %gather3A_292 : memref<128x10xf32, #tpu.memory_space<vmem>>[vector<16xi32>, vector<16xi32>], vector<16xf32>,
    %add3A_326 = arith.constant 88 : i32
    %add3A_327 = vector.broadcast %add3A_326 : i32 to vector<16xi32>
    %add3A_328 = arith.addi %add3A_327, %add3A_291 : vector<16xi32>
    tpu.vector_store_idx %arg12[%add3A_328, %select_n3A_282], %gather3A_292 : memref<128x10xf32, #tpu.memory_space<vmem>>[vector<16xi32>, vector<16xi32>], vector<16xf32>,
    %add3A_329 = arith.constant 96 : i32
    %add3A_330 = vector.broadcast %add3A_329 : i32 to vector<16xi32>
    %add3A_331 = arith.addi %add3A_330, %add3A_291 : vector<16xi32>
    tpu.vector_store_idx %arg12[%add3A_331, %select_n3A_282], %gather3A_292 : memref<128x10xf32, #tpu.memory_space<vmem>>[vector<16xi32>, vector<16xi32>], vector<16xf32>,
    %add3A_332 = arith.constant 104 : i32
    %add3A_333 = vector.broadcast %add3A_332 : i32 to vector<16xi32>
    %add3A_334 = arith.addi %add3A_333, %add3A_291 : vector<16xi32>
    tpu.vector_store_idx %arg12[%add3A_334, %select_n3A_282], %gather3A_292 : memref<128x10xf32, #tpu.memory_space<vmem>>[vector<16xi32>, vector<16xi32>], vector<16xf32>,
    %add3A_335 = arith.constant 112 : i32
    %add3A_336 = vector.broadcast %add3A_335 : i32 to vector<16xi32>
    %add3A_337 = arith.addi %add3A_336, %add3A_291 : vector<16xi32>
    tpu.vector_store_idx %arg12[%add3A_337, %select_n3A_282], %gather3A_292 : memref<128x10xf32, #tpu.memory_space<vmem>>[vector<16xi32>, vector<16xi32>], vector<16xf32>,
    %add3A_338 = arith.constant 120 : i32
    %add3A_339 = vector.broadcast %add3A_338 : i32 to vector<16xi32>
    %add3A_340 = arith.addi %add3A_339, %add3A_291 : vector<16xi32>
    tpu.vector_store_idx %arg12[%add3A_340, %select_n3A_282], %gather3A_292 : memref<128x10xf32, #tpu.memory_space<vmem>>[vector<16xi32>, vector<16xi32>], vector<16xf32>,
    %add3A_341 = arith.constant 32 : i32
    %add3A_342 = vector.broadcast %add3A_341 : i32 to vector<16xi32>
    %add3A_343 = arith.addi %iota3A, %add3A_342 : vector<16xi32>
    %ge3A_344 = arith.constant 10 : i32
    %ge3A_345 = vector.broadcast %ge3A_344 : i32 to vector<16xi32>
    %ge3A_346 = arith.cmpi sge, %add3A_343, %ge3A_345 : vector<16xi32>
    %sub3A_347 = arith.constant 10 : i32
    %sub3A_348 = vector.broadcast %sub3A_347 : i32 to vector<16xi32>
    %sub3A_349 = arith.subi %add3A_343, %sub3A_348 : vector<16xi32>
    %select_n3A_350 = arith.select %ge3A_346, %sub3A_349, %add3A_343 : vector<16xi1>, vector<16xi32>
    %ge3A_351 = arith.constant 10 : i32
    %ge3A_352 = vector.broadcast %ge3A_351 : i32 to vector<16xi32>
    %ge3A_353 = arith.cmpi sge, %add3A_343, %ge3A_352 : vector<16xi32>
    %jit3A_354 = arith.constant 1 : i32
    %jit3A_355 = arith.constant 0 : i32
    %broadcast_in_dim3A_356 = vector.broadcast %jit3A_354 : i32 to vector<16xi32>
    %broadcast_in_dim3A_357 = vector.broadcast %jit3A_355 : i32 to vector<16xi32>
    %select_n3A_358 = arith.select %ge3A_353, %broadcast_in_dim3A_356, %broadcast_in_dim3A_357 : vector<16xi1>, vector<16xi32>
    %add3A_359 = arith.addi %broadcast_in_dim3A_3, %select_n3A_358 : vector<16xi32>
    %ge3A_360 = arith.constant 20 : i32
    %ge3A_361 = vector.broadcast %ge3A_360 : i32 to vector<16xi32>
    %ge3A_362 = arith.cmpi sge, %add3A_343, %ge3A_361 : vector<16xi32>
    %sub3A_363 = arith.constant 20 : i32
    %sub3A_364 = vector.broadcast %sub3A_363 : i32 to vector<16xi32>
    %sub3A_365 = arith.subi %add3A_343, %sub3A_364 : vector<16xi32>
    %select_n3A_366 = arith.select %ge3A_362, %sub3A_365, %select_n3A_350 : vector<16xi1>, vector<16xi32>
    %ge3A_367 = arith.constant 20 : i32
    %ge3A_368 = vector.broadcast %ge3A_367 : i32 to vector<16xi32>
    %ge3A_369 = arith.cmpi sge, %add3A_343, %ge3A_368 : vector<16xi32>
    %jit3A_370 = arith.constant 1 : i32
    %jit3A_371 = arith.constant 0 : i32
    %broadcast_in_dim3A_372 = vector.broadcast %jit3A_370 : i32 to vector<16xi32>
    %broadcast_in_dim3A_373 = vector.broadcast %jit3A_371 : i32 to vector<16xi32>
    %select_n3A_374 = arith.select %ge3A_369, %broadcast_in_dim3A_372, %broadcast_in_dim3A_373 : vector<16xi1>, vector<16xi32>
    %add3A_375 = arith.addi %add3A_359, %select_n3A_374 : vector<16xi32>
    %ge3A_376 = arith.constant 30 : i32
    %ge3A_377 = vector.broadcast %ge3A_376 : i32 to vector<16xi32>
    %ge3A_378 = arith.cmpi sge, %add3A_343, %ge3A_377 : vector<16xi32>
    %sub3A_379 = arith.constant 30 : i32
    %sub3A_380 = vector.broadcast %sub3A_379 : i32 to vector<16xi32>
    %sub3A_381 = arith.subi %add3A_343, %sub3A_380 : vector<16xi32>
    %select_n3A_382 = arith.select %ge3A_378, %sub3A_381, %select_n3A_366 : vector<16xi1>, vector<16xi32>
    %ge3A_383 = arith.constant 30 : i32
    %ge3A_384 = vector.broadcast %ge3A_383 : i32 to vector<16xi32>
    %ge3A_385 = arith.cmpi sge, %add3A_343, %ge3A_384 : vector<16xi32>
    %jit3A_386 = arith.constant 1 : i32
    %jit3A_387 = arith.constant 0 : i32
    %broadcast_in_dim3A_388 = vector.broadcast %jit3A_386 : i32 to vector<16xi32>
    %broadcast_in_dim3A_389 = vector.broadcast %jit3A_387 : i32 to vector<16xi32>
    %select_n3A_390 = arith.select %ge3A_385, %broadcast_in_dim3A_388, %broadcast_in_dim3A_389 : vector<16xi1>, vector<16xi32>
    %add3A_391 = arith.addi %add3A_375, %select_n3A_390 : vector<16xi32>
    %ge3A_392 = arith.constant 40 : i32
    %ge3A_393 = vector.broadcast %ge3A_392 : i32 to vector<16xi32>
    %ge3A_394 = arith.cmpi sge, %add3A_343, %ge3A_393 : vector<16xi32>
    %sub3A_395 = arith.constant 40 : i32
    %sub3A_396 = vector.broadcast %sub3A_395 : i32 to vector<16xi32>
    %sub3A_397 = arith.subi %add3A_343, %sub3A_396 : vector<16xi32>
    %select_n3A_398 = arith.select %ge3A_394, %sub3A_397, %select_n3A_382 : vector<16xi1>, vector<16xi32>
    %ge3A_399 = arith.constant 40 : i32
    %ge3A_400 = vector.broadcast %ge3A_399 : i32 to vector<16xi32>
    %ge3A_401 = arith.cmpi sge, %add3A_343, %ge3A_400 : vector<16xi32>
    %jit3A_402 = arith.constant 1 : i32
    %jit3A_403 = arith.constant 0 : i32
    %broadcast_in_dim3A_404 = vector.broadcast %jit3A_402 : i32 to vector<16xi32>
    %broadcast_in_dim3A_405 = vector.broadcast %jit3A_403 : i32 to vector<16xi32>
    %select_n3A_406 = arith.select %ge3A_401, %broadcast_in_dim3A_404, %broadcast_in_dim3A_405 : vector<16xi1>, vector<16xi32>
    %add3A_407 = arith.addi %add3A_391, %select_n3A_406 : vector<16xi32>
    %ge3A_408 = arith.constant 50 : i32
    %ge3A_409 = vector.broadcast %ge3A_408 : i32 to vector<16xi32>
    %ge3A_410 = arith.cmpi sge, %add3A_343, %ge3A_409 : vector<16xi32>
    %sub3A_411 = arith.constant 50 : i32
    %sub3A_412 = vector.broadcast %sub3A_411 : i32 to vector<16xi32>
    %sub3A_413 = arith.subi %add3A_343, %sub3A_412 : vector<16xi32>
    %select_n3A_414 = arith.select %ge3A_410, %sub3A_413, %select_n3A_398 : vector<16xi1>, vector<16xi32>
    %ge3A_415 = arith.constant 50 : i32
    %ge3A_416 = vector.broadcast %ge3A_415 : i32 to vector<16xi32>
    %ge3A_417 = arith.cmpi sge, %add3A_343, %ge3A_416 : vector<16xi32>
    %jit3A_418 = arith.constant 1 : i32
    %jit3A_419 = arith.constant 0 : i32
    %broadcast_in_dim3A_420 = vector.broadcast %jit3A_418 : i32 to vector<16xi32>
    %broadcast_in_dim3A_421 = vector.broadcast %jit3A_419 : i32 to vector<16xi32>
    %select_n3A_422 = arith.select %ge3A_417, %broadcast_in_dim3A_420, %broadcast_in_dim3A_421 : vector<16xi1>, vector<16xi32>
    %add3A_423 = arith.addi %add3A_407, %select_n3A_422 : vector<16xi32>
    %ge3A_424 = arith.constant 60 : i32
    %ge3A_425 = vector.broadcast %ge3A_424 : i32 to vector<16xi32>
    %ge3A_426 = arith.cmpi sge, %add3A_343, %ge3A_425 : vector<16xi32>
    %sub3A_427 = arith.constant 60 : i32
    %sub3A_428 = vector.broadcast %sub3A_427 : i32 to vector<16xi32>
    %sub3A_429 = arith.subi %add3A_343, %sub3A_428 : vector<16xi32>
    %select_n3A_430 = arith.select %ge3A_426, %sub3A_429, %select_n3A_414 : vector<16xi1>, vector<16xi32>
    %ge3A_431 = arith.constant 60 : i32
    %ge3A_432 = vector.broadcast %ge3A_431 : i32 to vector<16xi32>
    %ge3A_433 = arith.cmpi sge, %add3A_343, %ge3A_432 : vector<16xi32>
    %jit3A_434 = arith.constant 1 : i32
    %jit3A_435 = arith.constant 0 : i32
    %broadcast_in_dim3A_436 = vector.broadcast %jit3A_434 : i32 to vector<16xi32>
    %broadcast_in_dim3A_437 = vector.broadcast %jit3A_435 : i32 to vector<16xi32>
    %select_n3A_438 = arith.select %ge3A_433, %broadcast_in_dim3A_436, %broadcast_in_dim3A_437 : vector<16xi1>, vector<16xi32>
    %add3A_439 = arith.addi %add3A_423, %select_n3A_438 : vector<16xi32>
    %ge3A_440 = arith.constant 70 : i32
    %ge3A_441 = vector.broadcast %ge3A_440 : i32 to vector<16xi32>
    %ge3A_442 = arith.cmpi sge, %add3A_343, %ge3A_441 : vector<16xi32>
    %sub3A_443 = arith.constant 70 : i32
    %sub3A_444 = vector.broadcast %sub3A_443 : i32 to vector<16xi32>
    %sub3A_445 = arith.subi %add3A_343, %sub3A_444 : vector<16xi32>
    %select_n3A_446 = arith.select %ge3A_442, %sub3A_445, %select_n3A_430 : vector<16xi1>, vector<16xi32>
    %ge3A_447 = arith.constant 70 : i32
    %ge3A_448 = vector.broadcast %ge3A_447 : i32 to vector<16xi32>
    %ge3A_449 = arith.cmpi sge, %add3A_343, %ge3A_448 : vector<16xi32>
    %jit3A_450 = arith.constant 1 : i32
    %jit3A_451 = arith.constant 0 : i32
    %broadcast_in_dim3A_452 = vector.broadcast %jit3A_450 : i32 to vector<16xi32>
    %broadcast_in_dim3A_453 = vector.broadcast %jit3A_451 : i32 to vector<16xi32>
    %select_n3A_454 = arith.select %ge3A_449, %broadcast_in_dim3A_452, %broadcast_in_dim3A_453 : vector<16xi1>, vector<16xi32>
    %add3A_455 = arith.addi %add3A_439, %select_n3A_454 : vector<16xi32>
    %gather3A_456 = tpu.vector_load_idx %arg11[%broadcast_in_dim3A_3, %select_n3A_446] : memref<1x10xf32, #tpu.memory_space<vmem>>[vector<16xi32>, vector<16xi32>], vector<16xf32>,
    %add3A_457 = arith.constant 0 : i32
    %add3A_458 = vector.broadcast %add3A_457 : i32 to vector<16xi32>
    %add3A_459 = arith.addi %add3A_458, %add3A_455 : vector<16xi32>
    tpu.vector_store_idx %arg12[%add3A_459, %select_n3A_446], %gather3A_456 : memref<128x10xf32, #tpu.memory_space<vmem>>[vector<16xi32>, vector<16xi32>], vector<16xf32>,
    %add3A_460 = arith.constant 8 : i32
    %add3A_461 = vector.broadcast %add3A_460 : i32 to vector<16xi32>
    %add3A_462 = arith.addi %add3A_461, %add3A_455 : vector<16xi32>
    tpu.vector_store_idx %arg12[%add3A_462, %select_n3A_446], %gather3A_456 : memref<128x10xf32, #tpu.memory_space<vmem>>[vector<16xi32>, vector<16xi32>], vector<16xf32>,
    %add3A_463 = arith.constant 16 : i32
    %add3A_464 = vector.broadcast %add3A_463 : i32 to vector<16xi32>
    %add3A_465 = arith.addi %add3A_464, %add3A_455 : vector<16xi32>
    tpu.vector_store_idx %arg12[%add3A_465, %select_n3A_446], %gather3A_456 : memref<128x10xf32, #tpu.memory_space<vmem>>[vector<16xi32>, vector<16xi32>], vector<16xf32>,
    %add3A_466 = arith.constant 24 : i32
    %add3A_467 = vector.broadcast %add3A_466 : i32 to vector<16xi32>
    %add3A_468 = arith.addi %add3A_467, %add3A_455 : vector<16xi32>
    tpu.vector_store_idx %arg12[%add3A_468, %select_n3A_446], %gather3A_456 : memref<128x10xf32, #tpu.memory_space<vmem>>[vector<16xi32>, vector<16xi32>], vector<16xf32>,
    %add3A_469 = arith.constant 32 : i32
    %add3A_470 = vector.broadcast %add3A_469 : i32 to vector<16xi32>
    %add3A_471 = arith.addi %add3A_470, %add3A_455 : vector<16xi32>
    tpu.vector_store_idx %arg12[%add3A_471, %select_n3A_446], %gather3A_456 : memref<128x10xf32, #tpu.memory_space<vmem>>[vector<16xi32>, vector<16xi32>], vector<16xf32>,
    %add3A_472 = arith.constant 40 : i32
    %add3A_473 = vector.broadcast %add3A_472 : i32 to vector<16xi32>
    %add3A_474 = arith.addi %add3A_473, %add3A_455 : vector<16xi32>
    tpu.vector_store_idx %arg12[%add3A_474, %select_n3A_446], %gather3A_456 : memref<128x10xf32, #tpu.memory_space<vmem>>[vector<16xi32>, vector<16xi32>], vector<16xf32>,
    %add3A_475 = arith.constant 48 : i32
    %add3A_476 = vector.broadcast %add3A_475 : i32 to vector<16xi32>
    %add3A_477 = arith.addi %add3A_476, %add3A_455 : vector<16xi32>
    tpu.vector_store_idx %arg12[%add3A_477, %select_n3A_446], %gather3A_456 : memref<128x10xf32, #tpu.memory_space<vmem>>[vector<16xi32>, vector<16xi32>], vector<16xf32>,
    %add3A_478 = arith.constant 56 : i32
    %add3A_479 = vector.broadcast %add3A_478 : i32 to vector<16xi32>
    %add3A_480 = arith.addi %add3A_479, %add3A_455 : vector<16xi32>
    tpu.vector_store_idx %arg12[%add3A_480, %select_n3A_446], %gather3A_456 : memref<128x10xf32, #tpu.memory_space<vmem>>[vector<16xi32>, vector<16xi32>], vector<16xf32>,
    %add3A_481 = arith.constant 64 : i32
    %add3A_482 = vector.broadcast %add3A_481 : i32 to vector<16xi32>
    %add3A_483 = arith.addi %add3A_482, %add3A_455 : vector<16xi32>
    tpu.vector_store_idx %arg12[%add3A_483, %select_n3A_446], %gather3A_456 : memref<128x10xf32, #tpu.memory_space<vmem>>[vector<16xi32>, vector<16xi32>], vector<16xf32>,
    %add3A_484 = arith.constant 72 : i32
    %add3A_485 = vector.broadcast %add3A_484 : i32 to vector<16xi32>
    %add3A_486 = arith.addi %add3A_485, %add3A_455 : vector<16xi32>
    tpu.vector_store_idx %arg12[%add3A_486, %select_n3A_446], %gather3A_456 : memref<128x10xf32, #tpu.memory_space<vmem>>[vector<16xi32>, vector<16xi32>], vector<16xf32>,
    %add3A_487 = arith.constant 80 : i32
    %add3A_488 = vector.broadcast %add3A_487 : i32 to vector<16xi32>
    %add3A_489 = arith.addi %add3A_488, %add3A_455 : vector<16xi32>
    tpu.vector_store_idx %arg12[%add3A_489, %select_n3A_446], %gather3A_456 : memref<128x10xf32, #tpu.memory_space<vmem>>[vector<16xi32>, vector<16xi32>], vector<16xf32>,
    %add3A_490 = arith.constant 88 : i32
    %add3A_491 = vector.broadcast %add3A_490 : i32 to vector<16xi32>
    %add3A_492 = arith.addi %add3A_491, %add3A_455 : vector<16xi32>
    tpu.vector_store_idx %arg12[%add3A_492, %select_n3A_446], %gather3A_456 : memref<128x10xf32, #tpu.memory_space<vmem>>[vector<16xi32>, vector<16xi32>], vector<16xf32>,
    %add3A_493 = arith.constant 96 : i32
    %add3A_494 = vector.broadcast %add3A_493 : i32 to vector<16xi32>
    %add3A_495 = arith.addi %add3A_494, %add3A_455 : vector<16xi32>
    tpu.vector_store_idx %arg12[%add3A_495, %select_n3A_446], %gather3A_456 : memref<128x10xf32, #tpu.memory_space<vmem>>[vector<16xi32>, vector<16xi32>], vector<16xf32>,
    %add3A_496 = arith.constant 104 : i32
    %add3A_497 = vector.broadcast %add3A_496 : i32 to vector<16xi32>
    %add3A_498 = arith.addi %add3A_497, %add3A_455 : vector<16xi32>
    tpu.vector_store_idx %arg12[%add3A_498, %select_n3A_446], %gather3A_456 : memref<128x10xf32, #tpu.memory_space<vmem>>[vector<16xi32>, vector<16xi32>], vector<16xf32>,
    %add3A_499 = arith.constant 112 : i32
    %add3A_500 = vector.broadcast %add3A_499 : i32 to vector<16xi32>
    %add3A_501 = arith.addi %add3A_500, %add3A_455 : vector<16xi32>
    tpu.vector_store_idx %arg12[%add3A_501, %select_n3A_446], %gather3A_456 : memref<128x10xf32, #tpu.memory_space<vmem>>[vector<16xi32>, vector<16xi32>], vector<16xf32>,
    %add3A_502 = arith.constant 120 : i32
    %add3A_503 = vector.broadcast %add3A_502 : i32 to vector<16xi32>
    %add3A_504 = arith.addi %add3A_503, %add3A_455 : vector<16xi32>
    tpu.vector_store_idx %arg12[%add3A_504, %select_n3A_446], %gather3A_456 : memref<128x10xf32, #tpu.memory_space<vmem>>[vector<16xi32>, vector<16xi32>], vector<16xf32>,
    %add3A_505 = arith.constant 48 : i32
    %add3A_506 = vector.broadcast %add3A_505 : i32 to vector<16xi32>
    %add3A_507 = arith.addi %iota3A, %add3A_506 : vector<16xi32>
    %ge3A_508 = arith.constant 10 : i32
    %ge3A_509 = vector.broadcast %ge3A_508 : i32 to vector<16xi32>
    %ge3A_510 = arith.cmpi sge, %add3A_507, %ge3A_509 : vector<16xi32>
    %sub3A_511 = arith.constant 10 : i32
    %sub3A_512 = vector.broadcast %sub3A_511 : i32 to vector<16xi32>
    %sub3A_513 = arith.subi %add3A_507, %sub3A_512 : vector<16xi32>
    %select_n3A_514 = arith.select %ge3A_510, %sub3A_513, %add3A_507 : vector<16xi1>, vector<16xi32>
    %ge3A_515 = arith.constant 10 : i32
    %ge3A_516 = vector.broadcast %ge3A_515 : i32 to vector<16xi32>
    %ge3A_517 = arith.cmpi sge, %add3A_507, %ge3A_516 : vector<16xi32>
    %jit3A_518 = arith.constant 1 : i32
    %jit3A_519 = arith.constant 0 : i32
    %broadcast_in_dim3A_520 = vector.broadcast %jit3A_518 : i32 to vector<16xi32>
    %broadcast_in_dim3A_521 = vector.broadcast %jit3A_519 : i32 to vector<16xi32>
    %select_n3A_522 = arith.select %ge3A_517, %broadcast_in_dim3A_520, %broadcast_in_dim3A_521 : vector<16xi1>, vector<16xi32>
    %add3A_523 = arith.addi %broadcast_in_dim3A_3, %select_n3A_522 : vector<16xi32>
    %ge3A_524 = arith.constant 20 : i32
    %ge3A_525 = vector.broadcast %ge3A_524 : i32 to vector<16xi32>
    %ge3A_526 = arith.cmpi sge, %add3A_507, %ge3A_525 : vector<16xi32>
    %sub3A_527 = arith.constant 20 : i32
    %sub3A_528 = vector.broadcast %sub3A_527 : i32 to vector<16xi32>
    %sub3A_529 = arith.subi %add3A_507, %sub3A_528 : vector<16xi32>
    %select_n3A_530 = arith.select %ge3A_526, %sub3A_529, %select_n3A_514 : vector<16xi1>, vector<16xi32>
    %ge3A_531 = arith.constant 20 : i32
    %ge3A_532 = vector.broadcast %ge3A_531 : i32 to vector<16xi32>
    %ge3A_533 = arith.cmpi sge, %add3A_507, %ge3A_532 : vector<16xi32>
    %jit3A_534 = arith.constant 1 : i32
    %jit3A_535 = arith.constant 0 : i32
    %broadcast_in_dim3A_536 = vector.broadcast %jit3A_534 : i32 to vector<16xi32>
    %broadcast_in_dim3A_537 = vector.broadcast %jit3A_535 : i32 to vector<16xi32>
    %select_n3A_538 = arith.select %ge3A_533, %broadcast_in_dim3A_536, %broadcast_in_dim3A_537 : vector<16xi1>, vector<16xi32>
    %add3A_539 = arith.addi %add3A_523, %select_n3A_538 : vector<16xi32>
    %ge3A_540 = arith.constant 30 : i32
    %ge3A_541 = vector.broadcast %ge3A_540 : i32 to vector<16xi32>
    %ge3A_542 = arith.cmpi sge, %add3A_507, %ge3A_541 : vector<16xi32>
    %sub3A_543 = arith.constant 30 : i32
    %sub3A_544 = vector.broadcast %sub3A_543 : i32 to vector<16xi32>
    %sub3A_545 = arith.subi %add3A_507, %sub3A_544 : vector<16xi32>
    %select_n3A_546 = arith.select %ge3A_542, %sub3A_545, %select_n3A_530 : vector<16xi1>, vector<16xi32>
    %ge3A_547 = arith.constant 30 : i32
    %ge3A_548 = vector.broadcast %ge3A_547 : i32 to vector<16xi32>
    %ge3A_549 = arith.cmpi sge, %add3A_507, %ge3A_548 : vector<16xi32>
    %jit3A_550 = arith.constant 1 : i32
    %jit3A_551 = arith.constant 0 : i32
    %broadcast_in_dim3A_552 = vector.broadcast %jit3A_550 : i32 to vector<16xi32>
    %broadcast_in_dim3A_553 = vector.broadcast %jit3A_551 : i32 to vector<16xi32>
    %select_n3A_554 = arith.select %ge3A_549, %broadcast_in_dim3A_552, %broadcast_in_dim3A_553 : vector<16xi1>, vector<16xi32>
    %add3A_555 = arith.addi %add3A_539, %select_n3A_554 : vector<16xi32>
    %ge3A_556 = arith.constant 40 : i32
    %ge3A_557 = vector.broadcast %ge3A_556 : i32 to vector<16xi32>
    %ge3A_558 = arith.cmpi sge, %add3A_507, %ge3A_557 : vector<16xi32>
    %sub3A_559 = arith.constant 40 : i32
    %sub3A_560 = vector.broadcast %sub3A_559 : i32 to vector<16xi32>
    %sub3A_561 = arith.subi %add3A_507, %sub3A_560 : vector<16xi32>
    %select_n3A_562 = arith.select %ge3A_558, %sub3A_561, %select_n3A_546 : vector<16xi1>, vector<16xi32>
    %ge3A_563 = arith.constant 40 : i32
    %ge3A_564 = vector.broadcast %ge3A_563 : i32 to vector<16xi32>
    %ge3A_565 = arith.cmpi sge, %add3A_507, %ge3A_564 : vector<16xi32>
    %jit3A_566 = arith.constant 1 : i32
    %jit3A_567 = arith.constant 0 : i32
    %broadcast_in_dim3A_568 = vector.broadcast %jit3A_566 : i32 to vector<16xi32>
    %broadcast_in_dim3A_569 = vector.broadcast %jit3A_567 : i32 to vector<16xi32>
    %select_n3A_570 = arith.select %ge3A_565, %broadcast_in_dim3A_568, %broadcast_in_dim3A_569 : vector<16xi1>, vector<16xi32>
    %add3A_571 = arith.addi %add3A_555, %select_n3A_570 : vector<16xi32>
    %ge3A_572 = arith.constant 50 : i32
    %ge3A_573 = vector.broadcast %ge3A_572 : i32 to vector<16xi32>
    %ge3A_574 = arith.cmpi sge, %add3A_507, %ge3A_573 : vector<16xi32>
    %sub3A_575 = arith.constant 50 : i32
    %sub3A_576 = vector.broadcast %sub3A_575 : i32 to vector<16xi32>
    %sub3A_577 = arith.subi %add3A_507, %sub3A_576 : vector<16xi32>
    %select_n3A_578 = arith.select %ge3A_574, %sub3A_577, %select_n3A_562 : vector<16xi1>, vector<16xi32>
    %ge3A_579 = arith.constant 50 : i32
    %ge3A_580 = vector.broadcast %ge3A_579 : i32 to vector<16xi32>
    %ge3A_581 = arith.cmpi sge, %add3A_507, %ge3A_580 : vector<16xi32>
    %jit3A_582 = arith.constant 1 : i32
    %jit3A_583 = arith.constant 0 : i32
    %broadcast_in_dim3A_584 = vector.broadcast %jit3A_582 : i32 to vector<16xi32>
    %broadcast_in_dim3A_585 = vector.broadcast %jit3A_583 : i32 to vector<16xi32>
    %select_n3A_586 = arith.select %ge3A_581, %broadcast_in_dim3A_584, %broadcast_in_dim3A_585 : vector<16xi1>, vector<16xi32>
    %add3A_587 = arith.addi %add3A_571, %select_n3A_586 : vector<16xi32>
    %ge3A_588 = arith.constant 60 : i32
    %ge3A_589 = vector.broadcast %ge3A_588 : i32 to vector<16xi32>
    %ge3A_590 = arith.cmpi sge, %add3A_507, %ge3A_589 : vector<16xi32>
    %sub3A_591 = arith.constant 60 : i32
    %sub3A_592 = vector.broadcast %sub3A_591 : i32 to vector<16xi32>
    %sub3A_593 = arith.subi %add3A_507, %sub3A_592 : vector<16xi32>
    %select_n3A_594 = arith.select %ge3A_590, %sub3A_593, %select_n3A_578 : vector<16xi1>, vector<16xi32>
    %ge3A_595 = arith.constant 60 : i32
    %ge3A_596 = vector.broadcast %ge3A_595 : i32 to vector<16xi32>
    %ge3A_597 = arith.cmpi sge, %add3A_507, %ge3A_596 : vector<16xi32>
    %jit3A_598 = arith.constant 1 : i32
    %jit3A_599 = arith.constant 0 : i32
    %broadcast_in_dim3A_600 = vector.broadcast %jit3A_598 : i32 to vector<16xi32>
    %broadcast_in_dim3A_601 = vector.broadcast %jit3A_599 : i32 to vector<16xi32>
    %select_n3A_602 = arith.select %ge3A_597, %broadcast_in_dim3A_600, %broadcast_in_dim3A_601 : vector<16xi1>, vector<16xi32>
    %add3A_603 = arith.addi %add3A_587, %select_n3A_602 : vector<16xi32>
    %ge3A_604 = arith.constant 70 : i32
    %ge3A_605 = vector.broadcast %ge3A_604 : i32 to vector<16xi32>
    %ge3A_606 = arith.cmpi sge, %add3A_507, %ge3A_605 : vector<16xi32>
    %sub3A_607 = arith.constant 70 : i32
    %sub3A_608 = vector.broadcast %sub3A_607 : i32 to vector<16xi32>
    %sub3A_609 = arith.subi %add3A_507, %sub3A_608 : vector<16xi32>
    %select_n3A_610 = arith.select %ge3A_606, %sub3A_609, %select_n3A_594 : vector<16xi1>, vector<16xi32>
    %ge3A_611 = arith.constant 70 : i32
    %ge3A_612 = vector.broadcast %ge3A_611 : i32 to vector<16xi32>
    %ge3A_613 = arith.cmpi sge, %add3A_507, %ge3A_612 : vector<16xi32>
    %jit3A_614 = arith.constant 1 : i32
    %jit3A_615 = arith.constant 0 : i32
    %broadcast_in_dim3A_616 = vector.broadcast %jit3A_614 : i32 to vector<16xi32>
    %broadcast_in_dim3A_617 = vector.broadcast %jit3A_615 : i32 to vector<16xi32>
    %select_n3A_618 = arith.select %ge3A_613, %broadcast_in_dim3A_616, %broadcast_in_dim3A_617 : vector<16xi1>, vector<16xi32>
    %add3A_619 = arith.addi %add3A_603, %select_n3A_618 : vector<16xi32>
    %gather3A_620 = tpu.vector_load_idx %arg11[%broadcast_in_dim3A_3, %select_n3A_610] : memref<1x10xf32, #tpu.memory_space<vmem>>[vector<16xi32>, vector<16xi32>], vector<16xf32>,
    %add3A_621 = arith.constant 0 : i32
    %add3A_622 = vector.broadcast %add3A_621 : i32 to vector<16xi32>
    %add3A_623 = arith.addi %add3A_622, %add3A_619 : vector<16xi32>
    tpu.vector_store_idx %arg12[%add3A_623, %select_n3A_610], %gather3A_620 : memref<128x10xf32, #tpu.memory_space<vmem>>[vector<16xi32>, vector<16xi32>], vector<16xf32>,
    %add3A_624 = arith.constant 8 : i32
    %add3A_625 = vector.broadcast %add3A_624 : i32 to vector<16xi32>
    %add3A_626 = arith.addi %add3A_625, %add3A_619 : vector<16xi32>
    tpu.vector_store_idx %arg12[%add3A_626, %select_n3A_610], %gather3A_620 : memref<128x10xf32, #tpu.memory_space<vmem>>[vector<16xi32>, vector<16xi32>], vector<16xf32>,
    %add3A_627 = arith.constant 16 : i32
    %add3A_628 = vector.broadcast %add3A_627 : i32 to vector<16xi32>
    %add3A_629 = arith.addi %add3A_628, %add3A_619 : vector<16xi32>
    tpu.vector_store_idx %arg12[%add3A_629, %select_n3A_610], %gather3A_620 : memref<128x10xf32, #tpu.memory_space<vmem>>[vector<16xi32>, vector<16xi32>], vector<16xf32>,
    %add3A_630 = arith.constant 24 : i32
    %add3A_631 = vector.broadcast %add3A_630 : i32 to vector<16xi32>
    %add3A_632 = arith.addi %add3A_631, %add3A_619 : vector<16xi32>
    tpu.vector_store_idx %arg12[%add3A_632, %select_n3A_610], %gather3A_620 : memref<128x10xf32, #tpu.memory_space<vmem>>[vector<16xi32>, vector<16xi32>], vector<16xf32>,
    %add3A_633 = arith.constant 32 : i32
    %add3A_634 = vector.broadcast %add3A_633 : i32 to vector<16xi32>
    %add3A_635 = arith.addi %add3A_634, %add3A_619 : vector<16xi32>
    tpu.vector_store_idx %arg12[%add3A_635, %select_n3A_610], %gather3A_620 : memref<128x10xf32, #tpu.memory_space<vmem>>[vector<16xi32>, vector<16xi32>], vector<16xf32>,
    %add3A_636 = arith.constant 40 : i32
    %add3A_637 = vector.broadcast %add3A_636 : i32 to vector<16xi32>
    %add3A_638 = arith.addi %add3A_637, %add3A_619 : vector<16xi32>
    tpu.vector_store_idx %arg12[%add3A_638, %select_n3A_610], %gather3A_620 : memref<128x10xf32, #tpu.memory_space<vmem>>[vector<16xi32>, vector<16xi32>], vector<16xf32>,
    %add3A_639 = arith.constant 48 : i32
    %add3A_640 = vector.broadcast %add3A_639 : i32 to vector<16xi32>
    %add3A_641 = arith.addi %add3A_640, %add3A_619 : vector<16xi32>
    tpu.vector_store_idx %arg12[%add3A_641, %select_n3A_610], %gather3A_620 : memref<128x10xf32, #tpu.memory_space<vmem>>[vector<16xi32>, vector<16xi32>], vector<16xf32>,
    %add3A_642 = arith.constant 56 : i32
    %add3A_643 = vector.broadcast %add3A_642 : i32 to vector<16xi32>
    %add3A_644 = arith.addi %add3A_643, %add3A_619 : vector<16xi32>
    tpu.vector_store_idx %arg12[%add3A_644, %select_n3A_610], %gather3A_620 : memref<128x10xf32, #tpu.memory_space<vmem>>[vector<16xi32>, vector<16xi32>], vector<16xf32>,
    %add3A_645 = arith.constant 64 : i32
    %add3A_646 = vector.broadcast %add3A_645 : i32 to vector<16xi32>
    %add3A_647 = arith.addi %add3A_646, %add3A_619 : vector<16xi32>
    tpu.vector_store_idx %arg12[%add3A_647, %select_n3A_610], %gather3A_620 : memref<128x10xf32, #tpu.memory_space<vmem>>[vector<16xi32>, vector<16xi32>], vector<16xf32>,
    %add3A_648 = arith.constant 72 : i32
    %add3A_649 = vector.broadcast %add3A_648 : i32 to vector<16xi32>
    %add3A_650 = arith.addi %add3A_649, %add3A_619 : vector<16xi32>
    tpu.vector_store_idx %arg12[%add3A_650, %select_n3A_610], %gather3A_620 : memref<128x10xf32, #tpu.memory_space<vmem>>[vector<16xi32>, vector<16xi32>], vector<16xf32>,
    %add3A_651 = arith.constant 80 : i32
    %add3A_652 = vector.broadcast %add3A_651 : i32 to vector<16xi32>
    %add3A_653 = arith.addi %add3A_652, %add3A_619 : vector<16xi32>
    tpu.vector_store_idx %arg12[%add3A_653, %select_n3A_610], %gather3A_620 : memref<128x10xf32, #tpu.memory_space<vmem>>[vector<16xi32>, vector<16xi32>], vector<16xf32>,
    %add3A_654 = arith.constant 88 : i32
    %add3A_655 = vector.broadcast %add3A_654 : i32 to vector<16xi32>
    %add3A_656 = arith.addi %add3A_655, %add3A_619 : vector<16xi32>
    tpu.vector_store_idx %arg12[%add3A_656, %select_n3A_610], %gather3A_620 : memref<128x10xf32, #tpu.memory_space<vmem>>[vector<16xi32>, vector<16xi32>], vector<16xf32>,
    %add3A_657 = arith.constant 96 : i32
    %add3A_658 = vector.broadcast %add3A_657 : i32 to vector<16xi32>
    %add3A_659 = arith.addi %add3A_658, %add3A_619 : vector<16xi32>
    tpu.vector_store_idx %arg12[%add3A_659, %select_n3A_610], %gather3A_620 : memref<128x10xf32, #tpu.memory_space<vmem>>[vector<16xi32>, vector<16xi32>], vector<16xf32>,
    %add3A_660 = arith.constant 104 : i32
    %add3A_661 = vector.broadcast %add3A_660 : i32 to vector<16xi32>
    %add3A_662 = arith.addi %add3A_661, %add3A_619 : vector<16xi32>
    tpu.vector_store_idx %arg12[%add3A_662, %select_n3A_610], %gather3A_620 : memref<128x10xf32, #tpu.memory_space<vmem>>[vector<16xi32>, vector<16xi32>], vector<16xf32>,
    %add3A_663 = arith.constant 112 : i32
    %add3A_664 = vector.broadcast %add3A_663 : i32 to vector<16xi32>
    %add3A_665 = arith.addi %add3A_664, %add3A_619 : vector<16xi32>
    tpu.vector_store_idx %arg12[%add3A_665, %select_n3A_610], %gather3A_620 : memref<128x10xf32, #tpu.memory_space<vmem>>[vector<16xi32>, vector<16xi32>], vector<16xf32>,
    %add3A_666 = arith.constant 120 : i32
    %add3A_667 = vector.broadcast %add3A_666 : i32 to vector<16xi32>
    %add3A_668 = arith.addi %add3A_667, %add3A_619 : vector<16xi32>
    tpu.vector_store_idx %arg12[%add3A_668, %select_n3A_610], %gather3A_620 : memref<128x10xf32, #tpu.memory_space<vmem>>[vector<16xi32>, vector<16xi32>], vector<16xf32>,
    %add3A_669 = arith.constant 64 : i32
    %add3A_670 = vector.broadcast %add3A_669 : i32 to vector<16xi32>
    %add3A_671 = arith.addi %iota3A, %add3A_670 : vector<16xi32>
    %ge3A_672 = arith.constant 10 : i32
    %ge3A_673 = vector.broadcast %ge3A_672 : i32 to vector<16xi32>
    %ge3A_674 = arith.cmpi sge, %add3A_671, %ge3A_673 : vector<16xi32>
    %sub3A_675 = arith.constant 10 : i32
    %sub3A_676 = vector.broadcast %sub3A_675 : i32 to vector<16xi32>
    %sub3A_677 = arith.subi %add3A_671, %sub3A_676 : vector<16xi32>
    %select_n3A_678 = arith.select %ge3A_674, %sub3A_677, %add3A_671 : vector<16xi1>, vector<16xi32>
    %ge3A_679 = arith.constant 10 : i32
    %ge3A_680 = vector.broadcast %ge3A_679 : i32 to vector<16xi32>
    %ge3A_681 = arith.cmpi sge, %add3A_671, %ge3A_680 : vector<16xi32>
    %jit3A_682 = arith.constant 1 : i32
    %jit3A_683 = arith.constant 0 : i32
    %broadcast_in_dim3A_684 = vector.broadcast %jit3A_682 : i32 to vector<16xi32>
    %broadcast_in_dim3A_685 = vector.broadcast %jit3A_683 : i32 to vector<16xi32>
    %select_n3A_686 = arith.select %ge3A_681, %broadcast_in_dim3A_684, %broadcast_in_dim3A_685 : vector<16xi1>, vector<16xi32>
    %add3A_687 = arith.addi %broadcast_in_dim3A_3, %select_n3A_686 : vector<16xi32>
    %ge3A_688 = arith.constant 20 : i32
    %ge3A_689 = vector.broadcast %ge3A_688 : i32 to vector<16xi32>
    %ge3A_690 = arith.cmpi sge, %add3A_671, %ge3A_689 : vector<16xi32>
    %sub3A_691 = arith.constant 20 : i32
    %sub3A_692 = vector.broadcast %sub3A_691 : i32 to vector<16xi32>
    %sub3A_693 = arith.subi %add3A_671, %sub3A_692 : vector<16xi32>
    %select_n3A_694 = arith.select %ge3A_690, %sub3A_693, %select_n3A_678 : vector<16xi1>, vector<16xi32>
    %ge3A_695 = arith.constant 20 : i32
    %ge3A_696 = vector.broadcast %ge3A_695 : i32 to vector<16xi32>
    %ge3A_697 = arith.cmpi sge, %add3A_671, %ge3A_696 : vector<16xi32>
    %jit3A_698 = arith.constant 1 : i32
    %jit3A_699 = arith.constant 0 : i32
    %broadcast_in_dim3A_700 = vector.broadcast %jit3A_698 : i32 to vector<16xi32>
    %broadcast_in_dim3A_701 = vector.broadcast %jit3A_699 : i32 to vector<16xi32>
    %select_n3A_702 = arith.select %ge3A_697, %broadcast_in_dim3A_700, %broadcast_in_dim3A_701 : vector<16xi1>, vector<16xi32>
    %add3A_703 = arith.addi %add3A_687, %select_n3A_702 : vector<16xi32>
    %ge3A_704 = arith.constant 30 : i32
    %ge3A_705 = vector.broadcast %ge3A_704 : i32 to vector<16xi32>
    %ge3A_706 = arith.cmpi sge, %add3A_671, %ge3A_705 : vector<16xi32>
    %sub3A_707 = arith.constant 30 : i32
    %sub3A_708 = vector.broadcast %sub3A_707 : i32 to vector<16xi32>
    %sub3A_709 = arith.subi %add3A_671, %sub3A_708 : vector<16xi32>
    %select_n3A_710 = arith.select %ge3A_706, %sub3A_709, %select_n3A_694 : vector<16xi1>, vector<16xi32>
    %ge3A_711 = arith.constant 30 : i32
    %ge3A_712 = vector.broadcast %ge3A_711 : i32 to vector<16xi32>
    %ge3A_713 = arith.cmpi sge, %add3A_671, %ge3A_712 : vector<16xi32>
    %jit3A_714 = arith.constant 1 : i32
    %jit3A_715 = arith.constant 0 : i32
    %broadcast_in_dim3A_716 = vector.broadcast %jit3A_714 : i32 to vector<16xi32>
    %broadcast_in_dim3A_717 = vector.broadcast %jit3A_715 : i32 to vector<16xi32>
    %select_n3A_718 = arith.select %ge3A_713, %broadcast_in_dim3A_716, %broadcast_in_dim3A_717 : vector<16xi1>, vector<16xi32>
    %add3A_719 = arith.addi %add3A_703, %select_n3A_718 : vector<16xi32>
    %ge3A_720 = arith.constant 40 : i32
    %ge3A_721 = vector.broadcast %ge3A_720 : i32 to vector<16xi32>
    %ge3A_722 = arith.cmpi sge, %add3A_671, %ge3A_721 : vector<16xi32>
    %sub3A_723 = arith.constant 40 : i32
    %sub3A_724 = vector.broadcast %sub3A_723 : i32 to vector<16xi32>
    %sub3A_725 = arith.subi %add3A_671, %sub3A_724 : vector<16xi32>
    %select_n3A_726 = arith.select %ge3A_722, %sub3A_725, %select_n3A_710 : vector<16xi1>, vector<16xi32>
    %ge3A_727 = arith.constant 40 : i32
    %ge3A_728 = vector.broadcast %ge3A_727 : i32 to vector<16xi32>
    %ge3A_729 = arith.cmpi sge, %add3A_671, %ge3A_728 : vector<16xi32>
    %jit3A_730 = arith.constant 1 : i32
    %jit3A_731 = arith.constant 0 : i32
    %broadcast_in_dim3A_732 = vector.broadcast %jit3A_730 : i32 to vector<16xi32>
    %broadcast_in_dim3A_733 = vector.broadcast %jit3A_731 : i32 to vector<16xi32>
    %select_n3A_734 = arith.select %ge3A_729, %broadcast_in_dim3A_732, %broadcast_in_dim3A_733 : vector<16xi1>, vector<16xi32>
    %add3A_735 = arith.addi %add3A_719, %select_n3A_734 : vector<16xi32>
    %ge3A_736 = arith.constant 50 : i32
    %ge3A_737 = vector.broadcast %ge3A_736 : i32 to vector<16xi32>
    %ge3A_738 = arith.cmpi sge, %add3A_671, %ge3A_737 : vector<16xi32>
    %sub3A_739 = arith.constant 50 : i32
    %sub3A_740 = vector.broadcast %sub3A_739 : i32 to vector<16xi32>
    %sub3A_741 = arith.subi %add3A_671, %sub3A_740 : vector<16xi32>
    %select_n3A_742 = arith.select %ge3A_738, %sub3A_741, %select_n3A_726 : vector<16xi1>, vector<16xi32>
    %ge3A_743 = arith.constant 50 : i32
    %ge3A_744 = vector.broadcast %ge3A_743 : i32 to vector<16xi32>
    %ge3A_745 = arith.cmpi sge, %add3A_671, %ge3A_744 : vector<16xi32>
    %jit3A_746 = arith.constant 1 : i32
    %jit3A_747 = arith.constant 0 : i32
    %broadcast_in_dim3A_748 = vector.broadcast %jit3A_746 : i32 to vector<16xi32>
    %broadcast_in_dim3A_749 = vector.broadcast %jit3A_747 : i32 to vector<16xi32>
    %select_n3A_750 = arith.select %ge3A_745, %broadcast_in_dim3A_748, %broadcast_in_dim3A_749 : vector<16xi1>, vector<16xi32>
    %add3A_751 = arith.addi %add3A_735, %select_n3A_750 : vector<16xi32>
    %ge3A_752 = arith.constant 60 : i32
    %ge3A_753 = vector.broadcast %ge3A_752 : i32 to vector<16xi32>
    %ge3A_754 = arith.cmpi sge, %add3A_671, %ge3A_753 : vector<16xi32>
    %sub3A_755 = arith.constant 60 : i32
    %sub3A_756 = vector.broadcast %sub3A_755 : i32 to vector<16xi32>
    %sub3A_757 = arith.subi %add3A_671, %sub3A_756 : vector<16xi32>
    %select_n3A_758 = arith.select %ge3A_754, %sub3A_757, %select_n3A_742 : vector<16xi1>, vector<16xi32>
    %ge3A_759 = arith.constant 60 : i32
    %ge3A_760 = vector.broadcast %ge3A_759 : i32 to vector<16xi32>
    %ge3A_761 = arith.cmpi sge, %add3A_671, %ge3A_760 : vector<16xi32>
    %jit3A_762 = arith.constant 1 : i32
    %jit3A_763 = arith.constant 0 : i32
    %broadcast_in_dim3A_764 = vector.broadcast %jit3A_762 : i32 to vector<16xi32>
    %broadcast_in_dim3A_765 = vector.broadcast %jit3A_763 : i32 to vector<16xi32>
    %select_n3A_766 = arith.select %ge3A_761, %broadcast_in_dim3A_764, %broadcast_in_dim3A_765 : vector<16xi1>, vector<16xi32>
    %add3A_767 = arith.addi %add3A_751, %select_n3A_766 : vector<16xi32>
    %ge3A_768 = arith.constant 70 : i32
    %ge3A_769 = vector.broadcast %ge3A_768 : i32 to vector<16xi32>
    %ge3A_770 = arith.cmpi sge, %add3A_671, %ge3A_769 : vector<16xi32>
    %sub3A_771 = arith.constant 70 : i32
    %sub3A_772 = vector.broadcast %sub3A_771 : i32 to vector<16xi32>
    %sub3A_773 = arith.subi %add3A_671, %sub3A_772 : vector<16xi32>
    %select_n3A_774 = arith.select %ge3A_770, %sub3A_773, %select_n3A_758 : vector<16xi1>, vector<16xi32>
    %ge3A_775 = arith.constant 70 : i32
    %ge3A_776 = vector.broadcast %ge3A_775 : i32 to vector<16xi32>
    %ge3A_777 = arith.cmpi sge, %add3A_671, %ge3A_776 : vector<16xi32>
    %jit3A_778 = arith.constant 1 : i32
    %jit3A_779 = arith.constant 0 : i32
    %broadcast_in_dim3A_780 = vector.broadcast %jit3A_778 : i32 to vector<16xi32>
    %broadcast_in_dim3A_781 = vector.broadcast %jit3A_779 : i32 to vector<16xi32>
    %select_n3A_782 = arith.select %ge3A_777, %broadcast_in_dim3A_780, %broadcast_in_dim3A_781 : vector<16xi1>, vector<16xi32>
    %add3A_783 = arith.addi %add3A_767, %select_n3A_782 : vector<16xi32>
    %gather3A_784 = tpu.vector_load_idx %arg11[%broadcast_in_dim3A_3, %select_n3A_774] : memref<1x10xf32, #tpu.memory_space<vmem>>[vector<16xi32>, vector<16xi32>], vector<16xf32>,
    %add3A_785 = arith.constant 0 : i32
    %add3A_786 = vector.broadcast %add3A_785 : i32 to vector<16xi32>
    %add3A_787 = arith.addi %add3A_786, %add3A_783 : vector<16xi32>
    tpu.vector_store_idx %arg12[%add3A_787, %select_n3A_774], %gather3A_784 : memref<128x10xf32, #tpu.memory_space<vmem>>[vector<16xi32>, vector<16xi32>], vector<16xf32>,
    %add3A_788 = arith.constant 8 : i32
    %add3A_789 = vector.broadcast %add3A_788 : i32 to vector<16xi32>
    %add3A_790 = arith.addi %add3A_789, %add3A_783 : vector<16xi32>
    tpu.vector_store_idx %arg12[%add3A_790, %select_n3A_774], %gather3A_784 : memref<128x10xf32, #tpu.memory_space<vmem>>[vector<16xi32>, vector<16xi32>], vector<16xf32>,
    %add3A_791 = arith.constant 16 : i32
    %add3A_792 = vector.broadcast %add3A_791 : i32 to vector<16xi32>
    %add3A_793 = arith.addi %add3A_792, %add3A_783 : vector<16xi32>
    tpu.vector_store_idx %arg12[%add3A_793, %select_n3A_774], %gather3A_784 : memref<128x10xf32, #tpu.memory_space<vmem>>[vector<16xi32>, vector<16xi32>], vector<16xf32>,
    %add3A_794 = arith.constant 24 : i32
    %add3A_795 = vector.broadcast %add3A_794 : i32 to vector<16xi32>
    %add3A_796 = arith.addi %add3A_795, %add3A_783 : vector<16xi32>
    tpu.vector_store_idx %arg12[%add3A_796, %select_n3A_774], %gather3A_784 : memref<128x10xf32, #tpu.memory_space<vmem>>[vector<16xi32>, vector<16xi32>], vector<16xf32>,
    %add3A_797 = arith.constant 32 : i32
    %add3A_798 = vector.broadcast %add3A_797 : i32 to vector<16xi32>
    %add3A_799 = arith.addi %add3A_798, %add3A_783 : vector<16xi32>
    tpu.vector_store_idx %arg12[%add3A_799, %select_n3A_774], %gather3A_784 : memref<128x10xf32, #tpu.memory_space<vmem>>[vector<16xi32>, vector<16xi32>], vector<16xf32>,
    %add3A_800 = arith.constant 40 : i32
    %add3A_801 = vector.broadcast %add3A_800 : i32 to vector<16xi32>
    %add3A_802 = arith.addi %add3A_801, %add3A_783 : vector<16xi32>
    tpu.vector_store_idx %arg12[%add3A_802, %select_n3A_774], %gather3A_784 : memref<128x10xf32, #tpu.memory_space<vmem>>[vector<16xi32>, vector<16xi32>], vector<16xf32>,
    %add3A_803 = arith.constant 48 : i32
    %add3A_804 = vector.broadcast %add3A_803 : i32 to vector<16xi32>
    %add3A_805 = arith.addi %add3A_804, %add3A_783 : vector<16xi32>
    tpu.vector_store_idx %arg12[%add3A_805, %select_n3A_774], %gather3A_784 : memref<128x10xf32, #tpu.memory_space<vmem>>[vector<16xi32>, vector<16xi32>], vector<16xf32>,
    %add3A_806 = arith.constant 56 : i32
    %add3A_807 = vector.broadcast %add3A_806 : i32 to vector<16xi32>
    %add3A_808 = arith.addi %add3A_807, %add3A_783 : vector<16xi32>
    tpu.vector_store_idx %arg12[%add3A_808, %select_n3A_774], %gather3A_784 : memref<128x10xf32, #tpu.memory_space<vmem>>[vector<16xi32>, vector<16xi32>], vector<16xf32>,
    %add3A_809 = arith.constant 64 : i32
    %add3A_810 = vector.broadcast %add3A_809 : i32 to vector<16xi32>
    %add3A_811 = arith.addi %add3A_810, %add3A_783 : vector<16xi32>
    tpu.vector_store_idx %arg12[%add3A_811, %select_n3A_774], %gather3A_784 : memref<128x10xf32, #tpu.memory_space<vmem>>[vector<16xi32>, vector<16xi32>], vector<16xf32>,
    %add3A_812 = arith.constant 72 : i32
    %add3A_813 = vector.broadcast %add3A_812 : i32 to vector<16xi32>
    %add3A_814 = arith.addi %add3A_813, %add3A_783 : vector<16xi32>
    tpu.vector_store_idx %arg12[%add3A_814, %select_n3A_774], %gather3A_784 : memref<128x10xf32, #tpu.memory_space<vmem>>[vector<16xi32>, vector<16xi32>], vector<16xf32>,
    %add3A_815 = arith.constant 80 : i32
    %add3A_816 = vector.broadcast %add3A_815 : i32 to vector<16xi32>
    %add3A_817 = arith.addi %add3A_816, %add3A_783 : vector<16xi32>
    tpu.vector_store_idx %arg12[%add3A_817, %select_n3A_774], %gather3A_784 : memref<128x10xf32, #tpu.memory_space<vmem>>[vector<16xi32>, vector<16xi32>], vector<16xf32>,
    %add3A_818 = arith.constant 88 : i32
    %add3A_819 = vector.broadcast %add3A_818 : i32 to vector<16xi32>
    %add3A_820 = arith.addi %add3A_819, %add3A_783 : vector<16xi32>
    tpu.vector_store_idx %arg12[%add3A_820, %select_n3A_774], %gather3A_784 : memref<128x10xf32, #tpu.memory_space<vmem>>[vector<16xi32>, vector<16xi32>], vector<16xf32>,
    %add3A_821 = arith.constant 96 : i32
    %add3A_822 = vector.broadcast %add3A_821 : i32 to vector<16xi32>
    %add3A_823 = arith.addi %add3A_822, %add3A_783 : vector<16xi32>
    tpu.vector_store_idx %arg12[%add3A_823, %select_n3A_774], %gather3A_784 : memref<128x10xf32, #tpu.memory_space<vmem>>[vector<16xi32>, vector<16xi32>], vector<16xf32>,
    %add3A_824 = arith.constant 104 : i32
    %add3A_825 = vector.broadcast %add3A_824 : i32 to vector<16xi32>
    %add3A_826 = arith.addi %add3A_825, %add3A_783 : vector<16xi32>
    tpu.vector_store_idx %arg12[%add3A_826, %select_n3A_774], %gather3A_784 : memref<128x10xf32, #tpu.memory_space<vmem>>[vector<16xi32>, vector<16xi32>], vector<16xf32>,
    %add3A_827 = arith.constant 112 : i32
    %add3A_828 = vector.broadcast %add3A_827 : i32 to vector<16xi32>
    %add3A_829 = arith.addi %add3A_828, %add3A_783 : vector<16xi32>
    tpu.vector_store_idx %arg12[%add3A_829, %select_n3A_774], %gather3A_784 : memref<128x10xf32, #tpu.memory_space<vmem>>[vector<16xi32>, vector<16xi32>], vector<16xf32>,
    %add3A_830 = arith.constant 120 : i32
    %add3A_831 = vector.broadcast %add3A_830 : i32 to vector<16xi32>
    %add3A_832 = arith.addi %add3A_831, %add3A_783 : vector<16xi32>
    tpu.vector_store_idx %arg12[%add3A_832, %select_n3A_774], %gather3A_784 : memref<128x10xf32, #tpu.memory_space<vmem>>[vector<16xi32>, vector<16xi32>], vector<16xf32>,
    %dma_wait3A = arith.constant 0 : i32
    %dma_wait3A_833 = tpu.memref_slice %arg10[%dma_wait3A] : memref<400xi32, #tpu.memory_space<vmem>> -> memref<384xi32, #tpu.memory_space<vmem>>
    %dma_wait3A_834 = arith.constant 0 : i32
    %dma_wait3A_835 = tpu.memref_slice %arg4[%dma_wait3A_834] : memref<300000xf32, #tpu.memory_space<hbm>> -> memref<300000xf32, #tpu.memory_space<hbm>>
    tpu.wait_indirect_dma semaphore(%arg15 : memref<!tpu.dma_semaphore, #tpu.memory_space<semaphore_mem>>) src(%dma_wait3A_835 : memref<300000xf32, #tpu.memory_space<hbm>>) dst(%arg13 : memref<384xf32, #tpu.memory_space<vmem>>)
    %dma_wait3A_836 = arith.constant 0 : i32
    %dma_wait3A_837 = tpu.memref_slice %arg10[%dma_wait3A_836] : memref<400xi32, #tpu.memory_space<vmem>> -> memref<384xi32, #tpu.memory_space<vmem>>
    %dma_wait3A_838 = arith.constant 0 : i32
    %dma_wait3A_839 = tpu.memref_slice %arg5[%dma_wait3A_838] : memref<300000xf32, #tpu.memory_space<hbm>> -> memref<300000xf32, #tpu.memory_space<hbm>>
    tpu.wait_indirect_dma semaphore(%arg15 : memref<!tpu.dma_semaphore, #tpu.memory_space<semaphore_mem>>) src(%dma_wait3A_839 : memref<300000xf32, #tpu.memory_space<hbm>>) dst(%arg14 : memref<384xf32, #tpu.memory_space<vmem>>)
    %mul3A_840 = arith.constant 3 : i32
    %mul3A_841 = arith.muli %mul3A_2, %mul3A_840 : i32
    %dma_start3A_842 = tpu.memref_slice %arg7[%mul3A_841] : memref<12288xf32, #tpu.memory_space<hbm>> -> memref<384xf32, #tpu.memory_space<hbm>>
    %dma_start3A_843 = tpu.memref_slice %arg7[%mul3A_841] : memref<12288xf32, #tpu.memory_space<hbm>> -> memref<384xf32, #tpu.memory_space<hbm>>
    tpu.enqueue_dma source(%arg13 : memref<384xf32, #tpu.memory_space<vmem>>) target(%dma_start3A_843 : memref<384xf32, #tpu.memory_space<hbm>>) target_semaphore(%arg16 : memref<!tpu.dma_semaphore, #tpu.memory_space<semaphore_mem>>)
    %mul3A_844 = arith.constant 3 : i32
    %mul3A_845 = arith.muli %mul3A_2, %mul3A_844 : i32
    %dma_start3A_846 = tpu.memref_slice %arg8[%mul3A_845] : memref<12288xf32, #tpu.memory_space<hbm>> -> memref<384xf32, #tpu.memory_space<hbm>>
    %dma_start3A_847 = tpu.memref_slice %arg8[%mul3A_845] : memref<12288xf32, #tpu.memory_space<hbm>> -> memref<384xf32, #tpu.memory_space<hbm>>
    tpu.enqueue_dma source(%arg14 : memref<384xf32, #tpu.memory_space<vmem>>) target(%dma_start3A_847 : memref<384xf32, #tpu.memory_space<hbm>>) target_semaphore(%arg16 : memref<!tpu.dma_semaphore, #tpu.memory_space<semaphore_mem>>)
    %dma_start3A_848 = arith.constant 0 : i32
    %dma_start3A_849 = tpu.memref_slice %arg6[%mul3A_2, %dma_start3A_848] : memref<4096x10xf32, #tpu.memory_space<hbm>> -> memref<128x10xf32, #tpu.memory_space<hbm>>
    %dma_start3A_850 = arith.constant 0 : i32
    %dma_start3A_851 = tpu.memref_slice %arg6[%mul3A_2, %dma_start3A_850] : memref<4096x10xf32, #tpu.memory_space<hbm>> -> memref<128x10xf32, #tpu.memory_space<hbm>>
    tpu.enqueue_dma source(%arg12 : memref<128x10xf32, #tpu.memory_space<vmem>>) target(%dma_start3A_851 : memref<128x10xf32, #tpu.memory_space<hbm>>) target_semaphore(%arg16 : memref<!tpu.dma_semaphore, #tpu.memory_space<semaphore_mem>>)
    %dma_wait3A_852 = tpu.memref_slice %arg7[%mul3A_841] : memref<12288xf32, #tpu.memory_space<hbm>> -> memref<384xf32, #tpu.memory_space<hbm>>
    %dma_wait3A_853 = tpu.memref_slice %arg7[%mul3A_841] : memref<12288xf32, #tpu.memory_space<hbm>> -> memref<384xf32, #tpu.memory_space<hbm>>
    tpu.wait_dma2 semaphore(%arg16 : memref<!tpu.dma_semaphore, #tpu.memory_space<semaphore_mem>>) src(%arg13 : memref<384xf32, #tpu.memory_space<vmem>>) dst(%dma_wait3A_853 : memref<384xf32, #tpu.memory_space<hbm>>)
    %dma_wait3A_854 = tpu.memref_slice %arg8[%mul3A_845] : memref<12288xf32, #tpu.memory_space<hbm>> -> memref<384xf32, #tpu.memory_space<hbm>>
    %dma_wait3A_855 = tpu.memref_slice %arg8[%mul3A_845] : memref<12288xf32, #tpu.memory_space<hbm>> -> memref<384xf32, #tpu.memory_space<hbm>>
    tpu.wait_dma2 semaphore(%arg16 : memref<!tpu.dma_semaphore, #tpu.memory_space<semaphore_mem>>) src(%arg14 : memref<384xf32, #tpu.memory_space<vmem>>) dst(%dma_wait3A_855 : memref<384xf32, #tpu.memory_space<hbm>>)
    %dma_wait3A_856 = arith.constant 0 : i32
    %dma_wait3A_857 = tpu.memref_slice %arg6[%mul3A_2, %dma_wait3A_856] : memref<4096x10xf32, #tpu.memory_space<hbm>> -> memref<128x10xf32, #tpu.memory_space<hbm>>
    %dma_wait3A_858 = arith.constant 0 : i32
    %dma_wait3A_859 = tpu.memref_slice %arg6[%mul3A_2, %dma_wait3A_858] : memref<4096x10xf32, #tpu.memory_space<hbm>> -> memref<128x10xf32, #tpu.memory_space<hbm>>
    tpu.wait_dma2 semaphore(%arg16 : memref<!tpu.dma_semaphore, #tpu.memory_space<semaphore_mem>>) src(%arg12 : memref<128x10xf32, #tpu.memory_space<vmem>>) dst(%dma_wait3A_859 : memref<128x10xf32, #tpu.memory_space<hbm>>)
    return
  }
}

#map = affine_map<(d0, d1) -> (0)>
module attributes {stable_mosaic.version = 14 : i64} {
  func.func @_body_wide(%arg0: i32, %arg1: i32, %arg2: memref<4096xi32, #tpu.memory_space<hbm>>, %arg3: memref<5300000xf32, #tpu.memory_space<hbm>>, %arg4: memref<217088xf32, #tpu.memory_space<hbm>>, %arg5: memref<128xi32, #tpu.memory_space<vmem>>, %arg6: memref<6800xi32, #tpu.memory_space<vmem>>, %arg7: memref<6784xf32, #tpu.memory_space<vmem>>, %arg8: memref<!tpu.dma_semaphore, #tpu.memory_space<semaphore_mem>>, %arg9: memref<!tpu.dma_semaphore, #tpu.memory_space<semaphore_mem>>) attributes {dimension_semantics = [#tpu.dimension_semantics<core_parallel>, #tpu.dimension_semantics<subcore_parallel>], iteration_bounds = array<i64: 2, 16>, scalar_prefetch = 0 : i64, scratch_operands = 5 : i64, tpu.core_type = #tpu.core_type<sc_vector_subcore>, window_params = [{transform_indices = #map}, {transform_indices = #map}, {transform_indices = #map}]} {
    %mul3A = arith.constant 2 : i32
    %mul3A_0 = arith.muli %arg1, %mul3A : i32
    %add3A = arith.addi %mul3A_0, %arg0 : i32
    %mul3A_1 = arith.constant 128 : i32
    %mul3A_2 = arith.muli %add3A, %mul3A_1 : i32
    "tpu.region"() ({
      %run_scoped3A = tpu.sem_alloc : memref<!tpu.dma_semaphore, #tpu.memory_space<semaphore_mem>>
      %dma_start3A_98 = tpu.memref_slice %arg2[%mul3A_2] : memref<4096xi32, #tpu.memory_space<hbm>> -> memref<128xi32, #tpu.memory_space<hbm>>
      %dma_start3A_99 = tpu.memref_slice %arg2[%mul3A_2] : memref<4096xi32, #tpu.memory_space<hbm>> -> memref<128xi32, #tpu.memory_space<hbm>>
      tpu.enqueue_dma source(%dma_start3A_99 : memref<128xi32, #tpu.memory_space<hbm>>) target(%arg5 : memref<128xi32, #tpu.memory_space<vmem>>) target_semaphore(%run_scoped3A : memref<!tpu.dma_semaphore, #tpu.memory_space<semaphore_mem>>)
      %dma_wait3A_100 = tpu.memref_slice %arg2[%mul3A_2] : memref<4096xi32, #tpu.memory_space<hbm>> -> memref<128xi32, #tpu.memory_space<hbm>>
      %dma_wait3A_101 = tpu.memref_slice %arg2[%mul3A_2] : memref<4096xi32, #tpu.memory_space<hbm>> -> memref<128xi32, #tpu.memory_space<hbm>>
      tpu.wait_dma2 semaphore(%run_scoped3A : memref<!tpu.dma_semaphore, #tpu.memory_space<semaphore_mem>>) src(%dma_wait3A_101 : memref<128xi32, #tpu.memory_space<hbm>>) dst(%arg5 : memref<128xi32, #tpu.memory_space<vmem>>)
      tpu.yield
    }) : () -> ()
    %iota3A = tpu.iota {dimensions = array<i32: 0>} : vector<16xi32>
    %add3A_3 = arith.constant 0 : i32
    %add3A_4 = vector.broadcast %add3A_3 : i32 to vector<16xi32>
    %add3A_5 = arith.addi %add3A_4, %iota3A : vector<16xi32>
    %mul3A_6 = arith.constant 100000 : i32
    %mul3A_7 = vector.broadcast %mul3A_6 : i32 to vector<16xi32>
    %mul3A_8 = arith.muli %add3A_5, %mul3A_7 : vector<16xi32>
    %add3A_9 = arith.constant 16 : i32
    %add3A_10 = vector.broadcast %add3A_9 : i32 to vector<16xi32>
    %add3A_11 = arith.addi %add3A_10, %iota3A : vector<16xi32>
    %mul3A_12 = arith.constant 100000 : i32
    %mul3A_13 = vector.broadcast %mul3A_12 : i32 to vector<16xi32>
    %mul3A_14 = arith.muli %add3A_11, %mul3A_13 : vector<16xi32>
    %add3A_15 = arith.constant 32 : i32
    %add3A_16 = vector.broadcast %add3A_15 : i32 to vector<16xi32>
    %add3A_17 = arith.addi %add3A_16, %iota3A : vector<16xi32>
    %mul3A_18 = arith.constant 100000 : i32
    %mul3A_19 = vector.broadcast %mul3A_18 : i32 to vector<16xi32>
    %mul3A_20 = arith.muli %add3A_17, %mul3A_19 : vector<16xi32>
    %add3A_21 = arith.constant 48 : i32
    %add3A_22 = vector.broadcast %add3A_21 : i32 to vector<16xi32>
    %add3A_23 = arith.addi %add3A_22, %iota3A : vector<16xi32>
    %mul3A_24 = arith.constant 100000 : i32
    %mul3A_25 = vector.broadcast %mul3A_24 : i32 to vector<16xi32>
    %mul3A_26 = arith.muli %add3A_23, %mul3A_25 : vector<16xi32>
    %scan3A = arith.constant 0 : i32
    %scan3A_27 = arith.constant 32 : i32
    %scan3A_28 = arith.addi %scan3A, %scan3A_27 : i32
    %scan3A_29 = arith.constant 1 : i32
    scf.for %scan3A_98 = %scan3A to %scan3A_28 step %scan3A_29  : i32 {
      %broadcast_in_dim3A = vector.broadcast %scan3A_98 : i32 to vector<16xi32>
      %gather3A = tpu.vector_load_idx %arg5[%broadcast_in_dim3A] : memref<128xi32, #tpu.memory_space<vmem>>[vector<16xi32>], vector<16xi32>,
      %mul3A_99 = arith.constant 53 : i32
      %mul3A_100 = arith.muli %mul3A_99, %scan3A_98 : i32
      %add3A_101 = arith.constant 0 : i32
      %add3A_102 = arith.addi %mul3A_100, %add3A_101 : i32
      %add3A_103 = vector.broadcast %add3A_102 : i32 to vector<16xi32>
      %add3A_104 = arith.addi %add3A_103, %iota3A : vector<16xi32>
      %add3A_105 = arith.addi %mul3A_8, %gather3A : vector<16xi32>
      tpu.vector_store_idx %arg6[%add3A_104], %add3A_105 : memref<6800xi32, #tpu.memory_space<vmem>>[vector<16xi32>], vector<16xi32>,
      %mul3A_106 = arith.constant 53 : i32
      %mul3A_107 = arith.muli %mul3A_106, %scan3A_98 : i32
      %add3A_108 = arith.constant 16 : i32
      %add3A_109 = arith.addi %mul3A_107, %add3A_108 : i32
      %add3A_110 = vector.broadcast %add3A_109 : i32 to vector<16xi32>
      %add3A_111 = arith.addi %add3A_110, %iota3A : vector<16xi32>
      %add3A_112 = arith.addi %mul3A_14, %gather3A : vector<16xi32>
      tpu.vector_store_idx %arg6[%add3A_111], %add3A_112 : memref<6800xi32, #tpu.memory_space<vmem>>[vector<16xi32>], vector<16xi32>,
      %mul3A_113 = arith.constant 53 : i32
      %mul3A_114 = arith.muli %mul3A_113, %scan3A_98 : i32
      %add3A_115 = arith.constant 32 : i32
      %add3A_116 = arith.addi %mul3A_114, %add3A_115 : i32
      %add3A_117 = vector.broadcast %add3A_116 : i32 to vector<16xi32>
      %add3A_118 = arith.addi %add3A_117, %iota3A : vector<16xi32>
      %add3A_119 = arith.addi %mul3A_20, %gather3A : vector<16xi32>
      tpu.vector_store_idx %arg6[%add3A_118], %add3A_119 : memref<6800xi32, #tpu.memory_space<vmem>>[vector<16xi32>], vector<16xi32>,
      %mul3A_120 = arith.constant 53 : i32
      %mul3A_121 = arith.muli %mul3A_120, %scan3A_98 : i32
      %add3A_122 = arith.constant 48 : i32
      %add3A_123 = arith.addi %mul3A_121, %add3A_122 : i32
      %add3A_124 = vector.broadcast %add3A_123 : i32 to vector<16xi32>
      %add3A_125 = arith.addi %add3A_124, %iota3A : vector<16xi32>
      %add3A_126 = arith.addi %mul3A_26, %gather3A : vector<16xi32>
      tpu.vector_store_idx %arg6[%add3A_125], %add3A_126 : memref<6800xi32, #tpu.memory_space<vmem>>[vector<16xi32>], vector<16xi32>,
    }
    %scan3A_30 = arith.constant 32 : i32
    %dma_start3A = arith.constant 0 : i32
    %dma_start3A_31 = tpu.memref_slice %arg7[%dma_start3A] : memref<6784xf32, #tpu.memory_space<vmem>> -> memref<1696xf32, #tpu.memory_space<vmem>>
    %dma_start3A_32 = arith.constant 0 : i32
    %dma_start3A_33 = tpu.memref_slice %arg6[%dma_start3A_32] : memref<6800xi32, #tpu.memory_space<vmem>> -> memref<1696xi32, #tpu.memory_space<vmem>>
    %dma_start3A_34 = arith.constant 0 : i32
    %dma_start3A_35 = tpu.memref_slice %arg3[%dma_start3A_34] : memref<5300000xf32, #tpu.memory_space<hbm>> -> memref<5300000xf32, #tpu.memory_space<hbm>>
    tpu.enqueue_indirect_dma source(%dma_start3A_35 : memref<5300000xf32, #tpu.memory_space<hbm>>) target(%dma_start3A_31 : memref<1696xf32, #tpu.memory_space<vmem>>) offsets(%dma_start3A_33 : memref<1696xi32, #tpu.memory_space<vmem>>) semaphore(%arg8 : memref<!tpu.dma_semaphore, #tpu.memory_space<semaphore_mem>>)
    %scan3A_36 = arith.constant 32 : i32
    %scan3A_37 = arith.constant 32 : i32
    %scan3A_38 = arith.addi %scan3A_36, %scan3A_37 : i32
    %scan3A_39 = arith.constant 1 : i32
    scf.for %scan3A_98 = %scan3A_36 to %scan3A_38 step %scan3A_39  : i32 {
      %broadcast_in_dim3A = vector.broadcast %scan3A_98 : i32 to vector<16xi32>
      %gather3A = tpu.vector_load_idx %arg5[%broadcast_in_dim3A] : memref<128xi32, #tpu.memory_space<vmem>>[vector<16xi32>], vector<16xi32>,
      %mul3A_99 = arith.constant 53 : i32
      %mul3A_100 = arith.muli %mul3A_99, %scan3A_98 : i32
      %add3A_101 = arith.constant 0 : i32
      %add3A_102 = arith.addi %mul3A_100, %add3A_101 : i32
      %add3A_103 = vector.broadcast %add3A_102 : i32 to vector<16xi32>
      %add3A_104 = arith.addi %add3A_103, %iota3A : vector<16xi32>
      %add3A_105 = arith.addi %mul3A_8, %gather3A : vector<16xi32>
      tpu.vector_store_idx %arg6[%add3A_104], %add3A_105 : memref<6800xi32, #tpu.memory_space<vmem>>[vector<16xi32>], vector<16xi32>,
      %mul3A_106 = arith.constant 53 : i32
      %mul3A_107 = arith.muli %mul3A_106, %scan3A_98 : i32
      %add3A_108 = arith.constant 16 : i32
      %add3A_109 = arith.addi %mul3A_107, %add3A_108 : i32
      %add3A_110 = vector.broadcast %add3A_109 : i32 to vector<16xi32>
      %add3A_111 = arith.addi %add3A_110, %iota3A : vector<16xi32>
      %add3A_112 = arith.addi %mul3A_14, %gather3A : vector<16xi32>
      tpu.vector_store_idx %arg6[%add3A_111], %add3A_112 : memref<6800xi32, #tpu.memory_space<vmem>>[vector<16xi32>], vector<16xi32>,
      %mul3A_113 = arith.constant 53 : i32
      %mul3A_114 = arith.muli %mul3A_113, %scan3A_98 : i32
      %add3A_115 = arith.constant 32 : i32
      %add3A_116 = arith.addi %mul3A_114, %add3A_115 : i32
      %add3A_117 = vector.broadcast %add3A_116 : i32 to vector<16xi32>
      %add3A_118 = arith.addi %add3A_117, %iota3A : vector<16xi32>
      %add3A_119 = arith.addi %mul3A_20, %gather3A : vector<16xi32>
      tpu.vector_store_idx %arg6[%add3A_118], %add3A_119 : memref<6800xi32, #tpu.memory_space<vmem>>[vector<16xi32>], vector<16xi32>,
      %mul3A_120 = arith.constant 53 : i32
      %mul3A_121 = arith.muli %mul3A_120, %scan3A_98 : i32
      %add3A_122 = arith.constant 48 : i32
      %add3A_123 = arith.addi %mul3A_121, %add3A_122 : i32
      %add3A_124 = vector.broadcast %add3A_123 : i32 to vector<16xi32>
      %add3A_125 = arith.addi %add3A_124, %iota3A : vector<16xi32>
      %add3A_126 = arith.addi %mul3A_26, %gather3A : vector<16xi32>
      tpu.vector_store_idx %arg6[%add3A_125], %add3A_126 : memref<6800xi32, #tpu.memory_space<vmem>>[vector<16xi32>], vector<16xi32>,
    }
    %scan3A_40 = arith.constant 32 : i32
    %dma_start3A_41 = arith.constant 1696 : i32
    %dma_start3A_42 = tpu.memref_slice %arg7[%dma_start3A_41] : memref<6784xf32, #tpu.memory_space<vmem>> -> memref<1696xf32, #tpu.memory_space<vmem>>
    %dma_start3A_43 = arith.constant 1696 : i32
    %dma_start3A_44 = tpu.memref_slice %arg6[%dma_start3A_43] : memref<6800xi32, #tpu.memory_space<vmem>> -> memref<1696xi32, #tpu.memory_space<vmem>>
    %dma_start3A_45 = arith.constant 0 : i32
    %dma_start3A_46 = tpu.memref_slice %arg3[%dma_start3A_45] : memref<5300000xf32, #tpu.memory_space<hbm>> -> memref<5300000xf32, #tpu.memory_space<hbm>>
    tpu.enqueue_indirect_dma source(%dma_start3A_46 : memref<5300000xf32, #tpu.memory_space<hbm>>) target(%dma_start3A_42 : memref<1696xf32, #tpu.memory_space<vmem>>) offsets(%dma_start3A_44 : memref<1696xi32, #tpu.memory_space<vmem>>) semaphore(%arg8 : memref<!tpu.dma_semaphore, #tpu.memory_space<semaphore_mem>>)
    %scan3A_47 = arith.constant 64 : i32
    %scan3A_48 = arith.constant 32 : i32
    %scan3A_49 = arith.addi %scan3A_47, %scan3A_48 : i32
    %scan3A_50 = arith.constant 1 : i32
    scf.for %scan3A_98 = %scan3A_47 to %scan3A_49 step %scan3A_50  : i32 {
      %broadcast_in_dim3A = vector.broadcast %scan3A_98 : i32 to vector<16xi32>
      %gather3A = tpu.vector_load_idx %arg5[%broadcast_in_dim3A] : memref<128xi32, #tpu.memory_space<vmem>>[vector<16xi32>], vector<16xi32>,
      %mul3A_99 = arith.constant 53 : i32
      %mul3A_100 = arith.muli %mul3A_99, %scan3A_98 : i32
      %add3A_101 = arith.constant 0 : i32
      %add3A_102 = arith.addi %mul3A_100, %add3A_101 : i32
      %add3A_103 = vector.broadcast %add3A_102 : i32 to vector<16xi32>
      %add3A_104 = arith.addi %add3A_103, %iota3A : vector<16xi32>
      %add3A_105 = arith.addi %mul3A_8, %gather3A : vector<16xi32>
      tpu.vector_store_idx %arg6[%add3A_104], %add3A_105 : memref<6800xi32, #tpu.memory_space<vmem>>[vector<16xi32>], vector<16xi32>,
      %mul3A_106 = arith.constant 53 : i32
      %mul3A_107 = arith.muli %mul3A_106, %scan3A_98 : i32
      %add3A_108 = arith.constant 16 : i32
      %add3A_109 = arith.addi %mul3A_107, %add3A_108 : i32
      %add3A_110 = vector.broadcast %add3A_109 : i32 to vector<16xi32>
      %add3A_111 = arith.addi %add3A_110, %iota3A : vector<16xi32>
      %add3A_112 = arith.addi %mul3A_14, %gather3A : vector<16xi32>
      tpu.vector_store_idx %arg6[%add3A_111], %add3A_112 : memref<6800xi32, #tpu.memory_space<vmem>>[vector<16xi32>], vector<16xi32>,
      %mul3A_113 = arith.constant 53 : i32
      %mul3A_114 = arith.muli %mul3A_113, %scan3A_98 : i32
      %add3A_115 = arith.constant 32 : i32
      %add3A_116 = arith.addi %mul3A_114, %add3A_115 : i32
      %add3A_117 = vector.broadcast %add3A_116 : i32 to vector<16xi32>
      %add3A_118 = arith.addi %add3A_117, %iota3A : vector<16xi32>
      %add3A_119 = arith.addi %mul3A_20, %gather3A : vector<16xi32>
      tpu.vector_store_idx %arg6[%add3A_118], %add3A_119 : memref<6800xi32, #tpu.memory_space<vmem>>[vector<16xi32>], vector<16xi32>,
      %mul3A_120 = arith.constant 53 : i32
      %mul3A_121 = arith.muli %mul3A_120, %scan3A_98 : i32
      %add3A_122 = arith.constant 48 : i32
      %add3A_123 = arith.addi %mul3A_121, %add3A_122 : i32
      %add3A_124 = vector.broadcast %add3A_123 : i32 to vector<16xi32>
      %add3A_125 = arith.addi %add3A_124, %iota3A : vector<16xi32>
      %add3A_126 = arith.addi %mul3A_26, %gather3A : vector<16xi32>
      tpu.vector_store_idx %arg6[%add3A_125], %add3A_126 : memref<6800xi32, #tpu.memory_space<vmem>>[vector<16xi32>], vector<16xi32>,
    }
    %scan3A_51 = arith.constant 32 : i32
    %dma_start3A_52 = arith.constant 3392 : i32
    %dma_start3A_53 = tpu.memref_slice %arg7[%dma_start3A_52] : memref<6784xf32, #tpu.memory_space<vmem>> -> memref<1696xf32, #tpu.memory_space<vmem>>
    %dma_start3A_54 = arith.constant 3392 : i32
    %dma_start3A_55 = tpu.memref_slice %arg6[%dma_start3A_54] : memref<6800xi32, #tpu.memory_space<vmem>> -> memref<1696xi32, #tpu.memory_space<vmem>>
    %dma_start3A_56 = arith.constant 0 : i32
    %dma_start3A_57 = tpu.memref_slice %arg3[%dma_start3A_56] : memref<5300000xf32, #tpu.memory_space<hbm>> -> memref<5300000xf32, #tpu.memory_space<hbm>>
    tpu.enqueue_indirect_dma source(%dma_start3A_57 : memref<5300000xf32, #tpu.memory_space<hbm>>) target(%dma_start3A_53 : memref<1696xf32, #tpu.memory_space<vmem>>) offsets(%dma_start3A_55 : memref<1696xi32, #tpu.memory_space<vmem>>) semaphore(%arg8 : memref<!tpu.dma_semaphore, #tpu.memory_space<semaphore_mem>>)
    %scan3A_58 = arith.constant 96 : i32
    %scan3A_59 = arith.constant 32 : i32
    %scan3A_60 = arith.addi %scan3A_58, %scan3A_59 : i32
    %scan3A_61 = arith.constant 1 : i32
    scf.for %scan3A_98 = %scan3A_58 to %scan3A_60 step %scan3A_61  : i32 {
      %broadcast_in_dim3A = vector.broadcast %scan3A_98 : i32 to vector<16xi32>
      %gather3A = tpu.vector_load_idx %arg5[%broadcast_in_dim3A] : memref<128xi32, #tpu.memory_space<vmem>>[vector<16xi32>], vector<16xi32>,
      %mul3A_99 = arith.constant 53 : i32
      %mul3A_100 = arith.muli %mul3A_99, %scan3A_98 : i32
      %add3A_101 = arith.constant 0 : i32
      %add3A_102 = arith.addi %mul3A_100, %add3A_101 : i32
      %add3A_103 = vector.broadcast %add3A_102 : i32 to vector<16xi32>
      %add3A_104 = arith.addi %add3A_103, %iota3A : vector<16xi32>
      %add3A_105 = arith.addi %mul3A_8, %gather3A : vector<16xi32>
      tpu.vector_store_idx %arg6[%add3A_104], %add3A_105 : memref<6800xi32, #tpu.memory_space<vmem>>[vector<16xi32>], vector<16xi32>,
      %mul3A_106 = arith.constant 53 : i32
      %mul3A_107 = arith.muli %mul3A_106, %scan3A_98 : i32
      %add3A_108 = arith.constant 16 : i32
      %add3A_109 = arith.addi %mul3A_107, %add3A_108 : i32
      %add3A_110 = vector.broadcast %add3A_109 : i32 to vector<16xi32>
      %add3A_111 = arith.addi %add3A_110, %iota3A : vector<16xi32>
      %add3A_112 = arith.addi %mul3A_14, %gather3A : vector<16xi32>
      tpu.vector_store_idx %arg6[%add3A_111], %add3A_112 : memref<6800xi32, #tpu.memory_space<vmem>>[vector<16xi32>], vector<16xi32>,
      %mul3A_113 = arith.constant 53 : i32
      %mul3A_114 = arith.muli %mul3A_113, %scan3A_98 : i32
      %add3A_115 = arith.constant 32 : i32
      %add3A_116 = arith.addi %mul3A_114, %add3A_115 : i32
      %add3A_117 = vector.broadcast %add3A_116 : i32 to vector<16xi32>
      %add3A_118 = arith.addi %add3A_117, %iota3A : vector<16xi32>
      %add3A_119 = arith.addi %mul3A_20, %gather3A : vector<16xi32>
      tpu.vector_store_idx %arg6[%add3A_118], %add3A_119 : memref<6800xi32, #tpu.memory_space<vmem>>[vector<16xi32>], vector<16xi32>,
      %mul3A_120 = arith.constant 53 : i32
      %mul3A_121 = arith.muli %mul3A_120, %scan3A_98 : i32
      %add3A_122 = arith.constant 48 : i32
      %add3A_123 = arith.addi %mul3A_121, %add3A_122 : i32
      %add3A_124 = vector.broadcast %add3A_123 : i32 to vector<16xi32>
      %add3A_125 = arith.addi %add3A_124, %iota3A : vector<16xi32>
      %add3A_126 = arith.addi %mul3A_26, %gather3A : vector<16xi32>
      tpu.vector_store_idx %arg6[%add3A_125], %add3A_126 : memref<6800xi32, #tpu.memory_space<vmem>>[vector<16xi32>], vector<16xi32>,
    }
    %scan3A_62 = arith.constant 32 : i32
    %dma_start3A_63 = arith.constant 5088 : i32
    %dma_start3A_64 = tpu.memref_slice %arg7[%dma_start3A_63] : memref<6784xf32, #tpu.memory_space<vmem>> -> memref<1696xf32, #tpu.memory_space<vmem>>
    %dma_start3A_65 = arith.constant 5088 : i32
    %dma_start3A_66 = tpu.memref_slice %arg6[%dma_start3A_65] : memref<6800xi32, #tpu.memory_space<vmem>> -> memref<1696xi32, #tpu.memory_space<vmem>>
    %dma_start3A_67 = arith.constant 0 : i32
    %dma_start3A_68 = tpu.memref_slice %arg3[%dma_start3A_67] : memref<5300000xf32, #tpu.memory_space<hbm>> -> memref<5300000xf32, #tpu.memory_space<hbm>>
    tpu.enqueue_indirect_dma source(%dma_start3A_68 : memref<5300000xf32, #tpu.memory_space<hbm>>) target(%dma_start3A_64 : memref<1696xf32, #tpu.memory_space<vmem>>) offsets(%dma_start3A_66 : memref<1696xi32, #tpu.memory_space<vmem>>) semaphore(%arg8 : memref<!tpu.dma_semaphore, #tpu.memory_space<semaphore_mem>>)
    %dma_wait3A = arith.constant 0 : i32
    %dma_wait3A_69 = tpu.memref_slice %arg7[%dma_wait3A] : memref<6784xf32, #tpu.memory_space<vmem>> -> memref<1696xf32, #tpu.memory_space<vmem>>
    %dma_wait3A_70 = arith.constant 0 : i32
    %dma_wait3A_71 = tpu.memref_slice %arg6[%dma_wait3A_70] : memref<6800xi32, #tpu.memory_space<vmem>> -> memref<1696xi32, #tpu.memory_space<vmem>>
    %dma_wait3A_72 = arith.constant 0 : i32
    %dma_wait3A_73 = tpu.memref_slice %arg3[%dma_wait3A_72] : memref<5300000xf32, #tpu.memory_space<hbm>> -> memref<5300000xf32, #tpu.memory_space<hbm>>
    tpu.wait_indirect_dma semaphore(%arg8 : memref<!tpu.dma_semaphore, #tpu.memory_space<semaphore_mem>>) src(%dma_wait3A_73 : memref<5300000xf32, #tpu.memory_space<hbm>>) dst(%dma_wait3A_69 : memref<1696xf32, #tpu.memory_space<vmem>>)
    %dma_wait3A_74 = arith.constant 1696 : i32
    %dma_wait3A_75 = tpu.memref_slice %arg7[%dma_wait3A_74] : memref<6784xf32, #tpu.memory_space<vmem>> -> memref<1696xf32, #tpu.memory_space<vmem>>
    %dma_wait3A_76 = arith.constant 1696 : i32
    %dma_wait3A_77 = tpu.memref_slice %arg6[%dma_wait3A_76] : memref<6800xi32, #tpu.memory_space<vmem>> -> memref<1696xi32, #tpu.memory_space<vmem>>
    %dma_wait3A_78 = arith.constant 0 : i32
    %dma_wait3A_79 = tpu.memref_slice %arg3[%dma_wait3A_78] : memref<5300000xf32, #tpu.memory_space<hbm>> -> memref<5300000xf32, #tpu.memory_space<hbm>>
    tpu.wait_indirect_dma semaphore(%arg8 : memref<!tpu.dma_semaphore, #tpu.memory_space<semaphore_mem>>) src(%dma_wait3A_79 : memref<5300000xf32, #tpu.memory_space<hbm>>) dst(%dma_wait3A_75 : memref<1696xf32, #tpu.memory_space<vmem>>)
    %dma_wait3A_80 = arith.constant 3392 : i32
    %dma_wait3A_81 = tpu.memref_slice %arg7[%dma_wait3A_80] : memref<6784xf32, #tpu.memory_space<vmem>> -> memref<1696xf32, #tpu.memory_space<vmem>>
    %dma_wait3A_82 = arith.constant 3392 : i32
    %dma_wait3A_83 = tpu.memref_slice %arg6[%dma_wait3A_82] : memref<6800xi32, #tpu.memory_space<vmem>> -> memref<1696xi32, #tpu.memory_space<vmem>>
    %dma_wait3A_84 = arith.constant 0 : i32
    %dma_wait3A_85 = tpu.memref_slice %arg3[%dma_wait3A_84] : memref<5300000xf32, #tpu.memory_space<hbm>> -> memref<5300000xf32, #tpu.memory_space<hbm>>
    tpu.wait_indirect_dma semaphore(%arg8 : memref<!tpu.dma_semaphore, #tpu.memory_space<semaphore_mem>>) src(%dma_wait3A_85 : memref<5300000xf32, #tpu.memory_space<hbm>>) dst(%dma_wait3A_81 : memref<1696xf32, #tpu.memory_space<vmem>>)
    %dma_wait3A_86 = arith.constant 5088 : i32
    %dma_wait3A_87 = tpu.memref_slice %arg7[%dma_wait3A_86] : memref<6784xf32, #tpu.memory_space<vmem>> -> memref<1696xf32, #tpu.memory_space<vmem>>
    %dma_wait3A_88 = arith.constant 5088 : i32
    %dma_wait3A_89 = tpu.memref_slice %arg6[%dma_wait3A_88] : memref<6800xi32, #tpu.memory_space<vmem>> -> memref<1696xi32, #tpu.memory_space<vmem>>
    %dma_wait3A_90 = arith.constant 0 : i32
    %dma_wait3A_91 = tpu.memref_slice %arg3[%dma_wait3A_90] : memref<5300000xf32, #tpu.memory_space<hbm>> -> memref<5300000xf32, #tpu.memory_space<hbm>>
    tpu.wait_indirect_dma semaphore(%arg8 : memref<!tpu.dma_semaphore, #tpu.memory_space<semaphore_mem>>) src(%dma_wait3A_91 : memref<5300000xf32, #tpu.memory_space<hbm>>) dst(%dma_wait3A_87 : memref<1696xf32, #tpu.memory_space<vmem>>)
    %mul3A_92 = arith.constant 53 : i32
    %mul3A_93 = arith.muli %mul3A_2, %mul3A_92 : i32
    %dma_start3A_94 = tpu.memref_slice %arg4[%mul3A_93] : memref<217088xf32, #tpu.memory_space<hbm>> -> memref<6784xf32, #tpu.memory_space<hbm>>
    %dma_start3A_95 = tpu.memref_slice %arg4[%mul3A_93] : memref<217088xf32, #tpu.memory_space<hbm>> -> memref<6784xf32, #tpu.memory_space<hbm>>
    tpu.enqueue_dma source(%arg7 : memref<6784xf32, #tpu.memory_space<vmem>>) target(%dma_start3A_95 : memref<6784xf32, #tpu.memory_space<hbm>>) target_semaphore(%arg9 : memref<!tpu.dma_semaphore, #tpu.memory_space<semaphore_mem>>)
    %dma_wait3A_96 = tpu.memref_slice %arg4[%mul3A_93] : memref<217088xf32, #tpu.memory_space<hbm>> -> memref<6784xf32, #tpu.memory_space<hbm>>
    %dma_wait3A_97 = tpu.memref_slice %arg4[%mul3A_93] : memref<217088xf32, #tpu.memory_space<hbm>> -> memref<6784xf32, #tpu.memory_space<hbm>>
    tpu.wait_dma2 semaphore(%arg9 : memref<!tpu.dma_semaphore, #tpu.memory_space<semaphore_mem>>) src(%arg7 : memref<6784xf32, #tpu.memory_space<vmem>>) dst(%dma_wait3A_97 : memref<6784xf32, #tpu.memory_space<hbm>>)
    return
  }
}

#map = affine_map<(d0, d1) -> (0)>
module attributes {stable_mosaic.version = 14 : i64} {
  func.func @_body_wide(%arg0: i32, %arg1: i32, %arg2: memref<4096xi32, #tpu.memory_space<hbm>>, %arg3: memref<1600000xf32, #tpu.memory_space<hbm>>, %arg4: memref<65536xf32, #tpu.memory_space<hbm>>, %arg5: memref<128xi32, #tpu.memory_space<vmem>>, %arg6: memref<2064xi32, #tpu.memory_space<vmem>>, %arg7: memref<2048xf32, #tpu.memory_space<vmem>>, %arg8: memref<!tpu.dma_semaphore, #tpu.memory_space<semaphore_mem>>, %arg9: memref<!tpu.dma_semaphore, #tpu.memory_space<semaphore_mem>>) attributes {dimension_semantics = [#tpu.dimension_semantics<core_parallel>, #tpu.dimension_semantics<subcore_parallel>], iteration_bounds = array<i64: 2, 16>, scalar_prefetch = 0 : i64, scratch_operands = 5 : i64, tpu.core_type = #tpu.core_type<sc_vector_subcore>, window_params = [{transform_indices = #map}, {transform_indices = #map}, {transform_indices = #map}]} {
    %mul3A = arith.constant 2 : i32
    %mul3A_0 = arith.muli %arg1, %mul3A : i32
    %add3A = arith.addi %mul3A_0, %arg0 : i32
    %mul3A_1 = arith.constant 128 : i32
    %mul3A_2 = arith.muli %add3A, %mul3A_1 : i32
    "tpu.region"() ({
      %run_scoped3A = tpu.sem_alloc : memref<!tpu.dma_semaphore, #tpu.memory_space<semaphore_mem>>
      %dma_start3A_80 = tpu.memref_slice %arg2[%mul3A_2] : memref<4096xi32, #tpu.memory_space<hbm>> -> memref<128xi32, #tpu.memory_space<hbm>>
      %dma_start3A_81 = tpu.memref_slice %arg2[%mul3A_2] : memref<4096xi32, #tpu.memory_space<hbm>> -> memref<128xi32, #tpu.memory_space<hbm>>
      tpu.enqueue_dma source(%dma_start3A_81 : memref<128xi32, #tpu.memory_space<hbm>>) target(%arg5 : memref<128xi32, #tpu.memory_space<vmem>>) target_semaphore(%run_scoped3A : memref<!tpu.dma_semaphore, #tpu.memory_space<semaphore_mem>>)
      %dma_wait3A_82 = tpu.memref_slice %arg2[%mul3A_2] : memref<4096xi32, #tpu.memory_space<hbm>> -> memref<128xi32, #tpu.memory_space<hbm>>
      %dma_wait3A_83 = tpu.memref_slice %arg2[%mul3A_2] : memref<4096xi32, #tpu.memory_space<hbm>> -> memref<128xi32, #tpu.memory_space<hbm>>
      tpu.wait_dma2 semaphore(%run_scoped3A : memref<!tpu.dma_semaphore, #tpu.memory_space<semaphore_mem>>) src(%dma_wait3A_83 : memref<128xi32, #tpu.memory_space<hbm>>) dst(%arg5 : memref<128xi32, #tpu.memory_space<vmem>>)
      tpu.yield
    }) : () -> ()
    %iota3A = tpu.iota {dimensions = array<i32: 0>} : vector<16xi32>
    %add3A_3 = arith.constant 0 : i32
    %add3A_4 = vector.broadcast %add3A_3 : i32 to vector<16xi32>
    %add3A_5 = arith.addi %add3A_4, %iota3A : vector<16xi32>
    %mul3A_6 = arith.constant 100000 : i32
    %mul3A_7 = vector.broadcast %mul3A_6 : i32 to vector<16xi32>
    %mul3A_8 = arith.muli %add3A_5, %mul3A_7 : vector<16xi32>
    %scan3A = arith.constant 0 : i32
    %scan3A_9 = arith.constant 32 : i32
    %scan3A_10 = arith.addi %scan3A, %scan3A_9 : i32
    %scan3A_11 = arith.constant 1 : i32
    scf.for %scan3A_80 = %scan3A to %scan3A_10 step %scan3A_11  : i32 {
      %broadcast_in_dim3A = vector.broadcast %scan3A_80 : i32 to vector<16xi32>
      %gather3A = tpu.vector_load_idx %arg5[%broadcast_in_dim3A] : memref<128xi32, #tpu.memory_space<vmem>>[vector<16xi32>], vector<16xi32>,
      %mul3A_81 = arith.constant 16 : i32
      %mul3A_82 = arith.muli %mul3A_81, %scan3A_80 : i32
      %add3A_83 = arith.constant 0 : i32
      %add3A_84 = arith.addi %mul3A_82, %add3A_83 : i32
      %add3A_85 = vector.broadcast %add3A_84 : i32 to vector<16xi32>
      %add3A_86 = arith.addi %add3A_85, %iota3A : vector<16xi32>
      %add3A_87 = arith.addi %mul3A_8, %gather3A : vector<16xi32>
      tpu.vector_store_idx %arg6[%add3A_86], %add3A_87 : memref<2064xi32, #tpu.memory_space<vmem>>[vector<16xi32>], vector<16xi32>,
    }
    %scan3A_12 = arith.constant 32 : i32
    %dma_start3A = arith.constant 0 : i32
    %dma_start3A_13 = tpu.memref_slice %arg7[%dma_start3A] : memref<2048xf32, #tpu.memory_space<vmem>> -> memref<512xf32, #tpu.memory_space<vmem>>
    %dma_start3A_14 = arith.constant 0 : i32
    %dma_start3A_15 = tpu.memref_slice %arg6[%dma_start3A_14] : memref<2064xi32, #tpu.memory_space<vmem>> -> memref<512xi32, #tpu.memory_space<vmem>>
    %dma_start3A_16 = arith.constant 0 : i32
    %dma_start3A_17 = tpu.memref_slice %arg3[%dma_start3A_16] : memref<1600000xf32, #tpu.memory_space<hbm>> -> memref<1600000xf32, #tpu.memory_space<hbm>>
    tpu.enqueue_indirect_dma source(%dma_start3A_17 : memref<1600000xf32, #tpu.memory_space<hbm>>) target(%dma_start3A_13 : memref<512xf32, #tpu.memory_space<vmem>>) offsets(%dma_start3A_15 : memref<512xi32, #tpu.memory_space<vmem>>) semaphore(%arg8 : memref<!tpu.dma_semaphore, #tpu.memory_space<semaphore_mem>>)
    %scan3A_18 = arith.constant 32 : i32
    %scan3A_19 = arith.constant 32 : i32
    %scan3A_20 = arith.addi %scan3A_18, %scan3A_19 : i32
    %scan3A_21 = arith.constant 1 : i32
    scf.for %scan3A_80 = %scan3A_18 to %scan3A_20 step %scan3A_21  : i32 {
      %broadcast_in_dim3A = vector.broadcast %scan3A_80 : i32 to vector<16xi32>
      %gather3A = tpu.vector_load_idx %arg5[%broadcast_in_dim3A] : memref<128xi32, #tpu.memory_space<vmem>>[vector<16xi32>], vector<16xi32>,
      %mul3A_81 = arith.constant 16 : i32
      %mul3A_82 = arith.muli %mul3A_81, %scan3A_80 : i32
      %add3A_83 = arith.constant 0 : i32
      %add3A_84 = arith.addi %mul3A_82, %add3A_83 : i32
      %add3A_85 = vector.broadcast %add3A_84 : i32 to vector<16xi32>
      %add3A_86 = arith.addi %add3A_85, %iota3A : vector<16xi32>
      %add3A_87 = arith.addi %mul3A_8, %gather3A : vector<16xi32>
      tpu.vector_store_idx %arg6[%add3A_86], %add3A_87 : memref<2064xi32, #tpu.memory_space<vmem>>[vector<16xi32>], vector<16xi32>,
    }
    %scan3A_22 = arith.constant 32 : i32
    %dma_start3A_23 = arith.constant 512 : i32
    %dma_start3A_24 = tpu.memref_slice %arg7[%dma_start3A_23] : memref<2048xf32, #tpu.memory_space<vmem>> -> memref<512xf32, #tpu.memory_space<vmem>>
    %dma_start3A_25 = arith.constant 512 : i32
    %dma_start3A_26 = tpu.memref_slice %arg6[%dma_start3A_25] : memref<2064xi32, #tpu.memory_space<vmem>> -> memref<512xi32, #tpu.memory_space<vmem>>
    %dma_start3A_27 = arith.constant 0 : i32
    %dma_start3A_28 = tpu.memref_slice %arg3[%dma_start3A_27] : memref<1600000xf32, #tpu.memory_space<hbm>> -> memref<1600000xf32, #tpu.memory_space<hbm>>
    tpu.enqueue_indirect_dma source(%dma_start3A_28 : memref<1600000xf32, #tpu.memory_space<hbm>>) target(%dma_start3A_24 : memref<512xf32, #tpu.memory_space<vmem>>) offsets(%dma_start3A_26 : memref<512xi32, #tpu.memory_space<vmem>>) semaphore(%arg8 : memref<!tpu.dma_semaphore, #tpu.memory_space<semaphore_mem>>)
    %scan3A_29 = arith.constant 64 : i32
    %scan3A_30 = arith.constant 32 : i32
    %scan3A_31 = arith.addi %scan3A_29, %scan3A_30 : i32
    %scan3A_32 = arith.constant 1 : i32
    scf.for %scan3A_80 = %scan3A_29 to %scan3A_31 step %scan3A_32  : i32 {
      %broadcast_in_dim3A = vector.broadcast %scan3A_80 : i32 to vector<16xi32>
      %gather3A = tpu.vector_load_idx %arg5[%broadcast_in_dim3A] : memref<128xi32, #tpu.memory_space<vmem>>[vector<16xi32>], vector<16xi32>,
      %mul3A_81 = arith.constant 16 : i32
      %mul3A_82 = arith.muli %mul3A_81, %scan3A_80 : i32
      %add3A_83 = arith.constant 0 : i32
      %add3A_84 = arith.addi %mul3A_82, %add3A_83 : i32
      %add3A_85 = vector.broadcast %add3A_84 : i32 to vector<16xi32>
      %add3A_86 = arith.addi %add3A_85, %iota3A : vector<16xi32>
      %add3A_87 = arith.addi %mul3A_8, %gather3A : vector<16xi32>
      tpu.vector_store_idx %arg6[%add3A_86], %add3A_87 : memref<2064xi32, #tpu.memory_space<vmem>>[vector<16xi32>], vector<16xi32>,
    }
    %scan3A_33 = arith.constant 32 : i32
    %dma_start3A_34 = arith.constant 1024 : i32
    %dma_start3A_35 = tpu.memref_slice %arg7[%dma_start3A_34] : memref<2048xf32, #tpu.memory_space<vmem>> -> memref<512xf32, #tpu.memory_space<vmem>>
    %dma_start3A_36 = arith.constant 1024 : i32
    %dma_start3A_37 = tpu.memref_slice %arg6[%dma_start3A_36] : memref<2064xi32, #tpu.memory_space<vmem>> -> memref<512xi32, #tpu.memory_space<vmem>>
    %dma_start3A_38 = arith.constant 0 : i32
    %dma_start3A_39 = tpu.memref_slice %arg3[%dma_start3A_38] : memref<1600000xf32, #tpu.memory_space<hbm>> -> memref<1600000xf32, #tpu.memory_space<hbm>>
    tpu.enqueue_indirect_dma source(%dma_start3A_39 : memref<1600000xf32, #tpu.memory_space<hbm>>) target(%dma_start3A_35 : memref<512xf32, #tpu.memory_space<vmem>>) offsets(%dma_start3A_37 : memref<512xi32, #tpu.memory_space<vmem>>) semaphore(%arg8 : memref<!tpu.dma_semaphore, #tpu.memory_space<semaphore_mem>>)
    %scan3A_40 = arith.constant 96 : i32
    %scan3A_41 = arith.constant 32 : i32
    %scan3A_42 = arith.addi %scan3A_40, %scan3A_41 : i32
    %scan3A_43 = arith.constant 1 : i32
    scf.for %scan3A_80 = %scan3A_40 to %scan3A_42 step %scan3A_43  : i32 {
      %broadcast_in_dim3A = vector.broadcast %scan3A_80 : i32 to vector<16xi32>
      %gather3A = tpu.vector_load_idx %arg5[%broadcast_in_dim3A] : memref<128xi32, #tpu.memory_space<vmem>>[vector<16xi32>], vector<16xi32>,
      %mul3A_81 = arith.constant 16 : i32
      %mul3A_82 = arith.muli %mul3A_81, %scan3A_80 : i32
      %add3A_83 = arith.constant 0 : i32
      %add3A_84 = arith.addi %mul3A_82, %add3A_83 : i32
      %add3A_85 = vector.broadcast %add3A_84 : i32 to vector<16xi32>
      %add3A_86 = arith.addi %add3A_85, %iota3A : vector<16xi32>
      %add3A_87 = arith.addi %mul3A_8, %gather3A : vector<16xi32>
      tpu.vector_store_idx %arg6[%add3A_86], %add3A_87 : memref<2064xi32, #tpu.memory_space<vmem>>[vector<16xi32>], vector<16xi32>,
    }
    %scan3A_44 = arith.constant 32 : i32
    %dma_start3A_45 = arith.constant 1536 : i32
    %dma_start3A_46 = tpu.memref_slice %arg7[%dma_start3A_45] : memref<2048xf32, #tpu.memory_space<vmem>> -> memref<512xf32, #tpu.memory_space<vmem>>
    %dma_start3A_47 = arith.constant 1536 : i32
    %dma_start3A_48 = tpu.memref_slice %arg6[%dma_start3A_47] : memref<2064xi32, #tpu.memory_space<vmem>> -> memref<512xi32, #tpu.memory_space<vmem>>
    %dma_start3A_49 = arith.constant 0 : i32
    %dma_start3A_50 = tpu.memref_slice %arg3[%dma_start3A_49] : memref<1600000xf32, #tpu.memory_space<hbm>> -> memref<1600000xf32, #tpu.memory_space<hbm>>
    tpu.enqueue_indirect_dma source(%dma_start3A_50 : memref<1600000xf32, #tpu.memory_space<hbm>>) target(%dma_start3A_46 : memref<512xf32, #tpu.memory_space<vmem>>) offsets(%dma_start3A_48 : memref<512xi32, #tpu.memory_space<vmem>>) semaphore(%arg8 : memref<!tpu.dma_semaphore, #tpu.memory_space<semaphore_mem>>)
    %dma_wait3A = arith.constant 0 : i32
    %dma_wait3A_51 = tpu.memref_slice %arg7[%dma_wait3A] : memref<2048xf32, #tpu.memory_space<vmem>> -> memref<512xf32, #tpu.memory_space<vmem>>
    %dma_wait3A_52 = arith.constant 0 : i32
    %dma_wait3A_53 = tpu.memref_slice %arg6[%dma_wait3A_52] : memref<2064xi32, #tpu.memory_space<vmem>> -> memref<512xi32, #tpu.memory_space<vmem>>
    %dma_wait3A_54 = arith.constant 0 : i32
    %dma_wait3A_55 = tpu.memref_slice %arg3[%dma_wait3A_54] : memref<1600000xf32, #tpu.memory_space<hbm>> -> memref<1600000xf32, #tpu.memory_space<hbm>>
    tpu.wait_indirect_dma semaphore(%arg8 : memref<!tpu.dma_semaphore, #tpu.memory_space<semaphore_mem>>) src(%dma_wait3A_55 : memref<1600000xf32, #tpu.memory_space<hbm>>) dst(%dma_wait3A_51 : memref<512xf32, #tpu.memory_space<vmem>>)
    %dma_wait3A_56 = arith.constant 512 : i32
    %dma_wait3A_57 = tpu.memref_slice %arg7[%dma_wait3A_56] : memref<2048xf32, #tpu.memory_space<vmem>> -> memref<512xf32, #tpu.memory_space<vmem>>
    %dma_wait3A_58 = arith.constant 512 : i32
    %dma_wait3A_59 = tpu.memref_slice %arg6[%dma_wait3A_58] : memref<2064xi32, #tpu.memory_space<vmem>> -> memref<512xi32, #tpu.memory_space<vmem>>
    %dma_wait3A_60 = arith.constant 0 : i32
    %dma_wait3A_61 = tpu.memref_slice %arg3[%dma_wait3A_60] : memref<1600000xf32, #tpu.memory_space<hbm>> -> memref<1600000xf32, #tpu.memory_space<hbm>>
    tpu.wait_indirect_dma semaphore(%arg8 : memref<!tpu.dma_semaphore, #tpu.memory_space<semaphore_mem>>) src(%dma_wait3A_61 : memref<1600000xf32, #tpu.memory_space<hbm>>) dst(%dma_wait3A_57 : memref<512xf32, #tpu.memory_space<vmem>>)
    %dma_wait3A_62 = arith.constant 1024 : i32
    %dma_wait3A_63 = tpu.memref_slice %arg7[%dma_wait3A_62] : memref<2048xf32, #tpu.memory_space<vmem>> -> memref<512xf32, #tpu.memory_space<vmem>>
    %dma_wait3A_64 = arith.constant 1024 : i32
    %dma_wait3A_65 = tpu.memref_slice %arg6[%dma_wait3A_64] : memref<2064xi32, #tpu.memory_space<vmem>> -> memref<512xi32, #tpu.memory_space<vmem>>
    %dma_wait3A_66 = arith.constant 0 : i32
    %dma_wait3A_67 = tpu.memref_slice %arg3[%dma_wait3A_66] : memref<1600000xf32, #tpu.memory_space<hbm>> -> memref<1600000xf32, #tpu.memory_space<hbm>>
    tpu.wait_indirect_dma semaphore(%arg8 : memref<!tpu.dma_semaphore, #tpu.memory_space<semaphore_mem>>) src(%dma_wait3A_67 : memref<1600000xf32, #tpu.memory_space<hbm>>) dst(%dma_wait3A_63 : memref<512xf32, #tpu.memory_space<vmem>>)
    %dma_wait3A_68 = arith.constant 1536 : i32
    %dma_wait3A_69 = tpu.memref_slice %arg7[%dma_wait3A_68] : memref<2048xf32, #tpu.memory_space<vmem>> -> memref<512xf32, #tpu.memory_space<vmem>>
    %dma_wait3A_70 = arith.constant 1536 : i32
    %dma_wait3A_71 = tpu.memref_slice %arg6[%dma_wait3A_70] : memref<2064xi32, #tpu.memory_space<vmem>> -> memref<512xi32, #tpu.memory_space<vmem>>
    %dma_wait3A_72 = arith.constant 0 : i32
    %dma_wait3A_73 = tpu.memref_slice %arg3[%dma_wait3A_72] : memref<1600000xf32, #tpu.memory_space<hbm>> -> memref<1600000xf32, #tpu.memory_space<hbm>>
    tpu.wait_indirect_dma semaphore(%arg8 : memref<!tpu.dma_semaphore, #tpu.memory_space<semaphore_mem>>) src(%dma_wait3A_73 : memref<1600000xf32, #tpu.memory_space<hbm>>) dst(%dma_wait3A_69 : memref<512xf32, #tpu.memory_space<vmem>>)
    %mul3A_74 = arith.constant 16 : i32
    %mul3A_75 = arith.muli %mul3A_2, %mul3A_74 : i32
    %dma_start3A_76 = tpu.memref_slice %arg4[%mul3A_75] : memref<65536xf32, #tpu.memory_space<hbm>> -> memref<2048xf32, #tpu.memory_space<hbm>>
    %dma_start3A_77 = tpu.memref_slice %arg4[%mul3A_75] : memref<65536xf32, #tpu.memory_space<hbm>> -> memref<2048xf32, #tpu.memory_space<hbm>>
    tpu.enqueue_dma source(%arg7 : memref<2048xf32, #tpu.memory_space<vmem>>) target(%dma_start3A_77 : memref<2048xf32, #tpu.memory_space<hbm>>) target_semaphore(%arg9 : memref<!tpu.dma_semaphore, #tpu.memory_space<semaphore_mem>>)
    %dma_wait3A_78 = tpu.memref_slice %arg4[%mul3A_75] : memref<65536xf32, #tpu.memory_space<hbm>> -> memref<2048xf32, #tpu.memory_space<hbm>>
    %dma_wait3A_79 = tpu.memref_slice %arg4[%mul3A_75] : memref<65536xf32, #tpu.memory_space<hbm>> -> memref<2048xf32, #tpu.memory_space<hbm>>
    tpu.wait_dma2 semaphore(%arg9 : memref<!tpu.dma_semaphore, #tpu.memory_space<semaphore_mem>>) src(%arg7 : memref<2048xf32, #tpu.memory_space<vmem>>) dst(%dma_wait3A_79 : memref<2048xf32, #tpu.memory_space<hbm>>)
    return
  }
}

</mosaic_0001>

<sc_bundles>
// kernel: kernel.11.cloned.1.call-start
scs
__scs_entry_jumppad:
0x0: {  	(pc) =	sbr.rel $0x88, $3  }
0x1: {  	(tag) =	ssettag $0x0;
	lr =	simm.s32 $0x1  }
0x2: {  	[smem:$0x3F9C] =	sst lr;
	_ =	strace $0xD0000000  }
0x3: {  	_ = 	snop  }
0x4: {  	_ = 	snop  }
0x5: {  	_ = 	snop  }
0x6: {  	_ = 	snop  }
0x7: {  	_ = 	snop  }
__scs_overlays_trampoline_lowered:
0x8: {  	[smem:$0x3FAB] =	sst s0  }
0x9: {  	[smem:$0x3FAC] =	sst s1  }
0xa: {  	[smem:$0x3FAD] =	sst s2  }
0xb: {  	[smem:$0x3FAE] =	sst s3  }
0xc: {  	[smem:$0x3FAF] =	sst s4  }
0xd: {  	[smem:$0x3FB0] =	sst s5  }
0xe: {  	[smem:$0x3FB1] =	sst s6  }
0xf: {  	[smem:$0x3FB2] =	sst s7  }
0x10: {  	[smem:$0x3FB3] =	sst s8  }
0x11: {  	[smem:$0x3FB4] =	sst s9;
	s0 =	simm.s32 @!p0 $0x0  }
0x12: {  	s1 =	sld [smem:$0x3F9A];
	s0 =	simm.s32 @p0 $0x1  }
0x13: {  	[smem:$0x3FB5] =	sst s0;
	s0 =	simm.s32 @!p1 $0x0  }
0x14: {  	s2 =	sld [smem:$0x3F99];
	s0 =	simm.s32 @p1 $0x1  }
0x15: {  	[smem:$0x3FB6] =	sst s0;
	s0 =	simm.s32 @!p2 $0x0  }
0x16: {  	s3 =	sld [smem:$0x3FDB];
	s0 =	simm.s32 @p2 $0x1  }
0x17: {  	s4 =	simm.s32 $0x1BF5;
	[smem:$0x3FB8] =	sst s0  }
0x18: {  	s0 =	sld [smem:$0x3F9B];
	_ =	swait.ge [sflag:s4], $0x0  }
0x19: {  	s7 =	sld [smem:$0x3F9C]  }
0x1a: {  	s8 =	sadd.s32 $0xFFFFE003, lr  }
0x1b: {  	s9 =	sadd.s32 $0xFFFFFEF7, lr;
	s5 =	simm.s32 $0xFFFFFFFF;
	p2 =	slt.u32 s8, $0xFFFFF086  }
0x1c: {  	p1 =	slt.u32 s9, $0xF7A;
	s5 =	simm.s32 @!p2 $0x0  }
0x1d: {  	s5 =	simm.s32 @p1 $0x1;
	p0 =	seq.s32 s7, s2  }
0x1e: {  	s7 =	smul.u32 @!p0 $0xF7A, s2;
	p2 =	seq.s32 @!p0 s5, $0x0  }
0x1f: {  	s9 =	smul.u32 $0xF7A, s1;
	s8 =	simm.s32 @!p0 $0x1BF5;
	p2 =	por !p2, p0  }
0x20: {  	[sflag:s8] =	ssyncset.s32 @!p0 $0xFFFFF086;
	s6 =	sadd.s32 @!p0 s3, s7;
	s7 =	simm.s32 @!p0 $0x108  }
0x21: {  	s3 =	sadd.s32 s3, s9;
	s6 =	sadd.s32 @!p0 $0x88, s6;
	s7 =	simm.s32 @p2 $0x1082  }
0x22: {  	[simem:s7], [sflag:s8] =	dma.local @!p0 [hbm:s6], $0xF7A  }
0x23: {  	s9 =	sor.u32 $0xD0000000, s2;
	s6 =	simm.s32 $0x108;
	_ =	swait.ge @!p0 [sflag:s8], $0x0  }
0x24: {  	s3 =	sadd.s32 $0x88, s3;
	s6 =	simm.s32 @!p1 $0x1082;
	[sflag:s4] =	ssyncset.s32 $0xFFFFF086  }
0x25: {  	[simem:s6], [sflag:s4] =	dma.local [hbm:s3], $0xF7A  }
0x26: {  	[smem:$0x3F9C] =	sst s1;
	(tag) =	ssettag s2;
	_ =	strace s9  }
0x27: {  	s1 =	sld [smem:$0x3FAC]  }
0x28: {  	s2 =	sld [smem:$0x3FAD]  }
0x29: {  	s4 =	sld [smem:$0x3FAF]  }
0x2a: {  	p0 =	seq.s32 s5, $0x0;
	s5 =	sld [smem:$0x3FB0]  }
0x2b: {  	s6 =	sld [smem:$0x3FB1]  }
0x2c: {  	s7 =	sld [smem:$0x3FB2]  }
0x2d: {  	s3 =	simm.s32 $0x108;
	s8 =	sld [smem:$0x3FB3]  }
0x2e: {  	s3 =	simm.s32 @!p0 $0x1082;
	s9 =	sld [smem:$0x3FB4]  }
0x2f: {  	lr =	sadd.s32 s0, s3;
	s0 =	sld [smem:$0x3FAB]  }
0x30: {  	s3 =	sld [smem:$0x3FAE]  }
0x31: {  	[smem:$0x3FB7] =	sst s10  }
0x32: {  	s10 =	sld [smem:$0x3FB5];
	_ =	sdelay $0x3  }
0x33: {  	p0 =	seq.s32 s10, $0x1;
	s10 =	sld [smem:$0x3FB7];
	_ =	sdelay $0x3  }
0x34: {  	[smem:$0x3FB7] =	sst s10  }
0x35: {  	s10 =	sld [smem:$0x3FB6];
	_ =	sdelay $0x3  }
0x36: {  	p1 =	seq.s32 s10, $0x1;
	s10 =	sld [smem:$0x3FB7];
	_ =	sdelay $0x3  }
0x37: {  	[smem:$0x3FB7] =	sst s10  }
0x38: {  	s10 =	sld [smem:$0x3FB8]  }
0x39: {  	_ = 	snop;
	(pc) =	sbr.ind lr, $3  }
0x3a: {  	_ = 	snop  }
0x3b: {  	_ = 	snop  }
0x3c: {  	p2 =	seq.s32 s10, $0x1;
	s10 =	sld [smem:$0x3FB7]  }
0x3d: {  	_ =	shalt  }
0x3e: {  	_ =	shalt  }
0x3f: {  	_ =	shalt  }
0x40: {  	_ =	shalt  }
0x41: {  	_ =	shalt  }
0x42: {  	_ =	shalt  }
0x43: {  	_ =	shalt  }
0x44: {  	_ =	shalt  }
0x45: {  	_ =	shalt  }
0x46: {  	_ =	shalt  }
0x47: {  	_ =	shalt  }
0x48: {  	_ =	shalt  }
0x49: {  	_ =	shalt  }
0x4a: {  	_ =	shalt  }
0x4b: {  	_ =	shalt  }
0x4c: {  	_ =	shalt  }
0x4d: {  	_ =	shalt  }
0x4e: {  	_ =	shalt  }
0x4f: {  	_ =	shalt  }
0x50: {  	_ =	shalt  }
0x51: {  	_ =	shalt  }
0x52: {  	_ =	shalt  }
0x53: {  	_ =	shalt  }
0x54: {  	_ =	shalt  }
0x55: {  	_ =	shalt  }
0x56: {  	_ =	shalt  }
0x57: {  	_ =	shalt  }
0x58: {  	_ =	shalt  }
0x59: {  	_ =	shalt  }
0x5a: {  	_ =	shalt  }
0x5b: {  	_ =	shalt  }
0x5c: {  	_ =	shalt  }
0x5d: {  	_ =	shalt  }
0x5e: {  	_ =	shalt  }
0x5f: {  	_ =	shalt  }
0x60: {  	_ =	shalt  }
0x61: {  	_ =	shalt  }
0x62: {  	_ =	shalt  }
0x63: {  	_ =	shalt  }
0x64: {  	_ =	shalt  }
0x65: {  	_ =	shalt  }
0x66: {  	_ =	shalt  }
0x67: {  	_ =	shalt  }
0x68: {  	_ =	shalt  }
0x69: {  	_ =	shalt  }
0x6a: {  	_ =	shalt  }
0x6b: {  	_ =	shalt  }
0x6c: {  	_ =	shalt  }
0x6d: {  	_ =	shalt  }
0x6e: {  	_ =	shalt  }
0x6f: {  	_ =	shalt  }
0x70: {  	_ =	shalt  }
0x71: {  	_ =	shalt  }
0x72: {  	_ =	shalt  }
0x73: {  	_ =	shalt  }
0x74: {  	_ =	shalt  }
0x75: {  	_ =	shalt  }
0x76: {  	_ =	shalt  }
0x77: {  	_ =	shalt  }
0x78: {  	_ =	shalt  }
0x79: {  	_ =	shalt  }
0x7a: {  	_ =	shalt  }
0x7b: {  	_ =	shalt  }
0x7c: {  	_ =	shalt  }
0x7d: {  	_ =	shalt  }
0x7e: {  	_ =	shalt  }
0x7f: {  	_ =	shalt  }
0x80: {  	_ =	shalt  }
0x81: {  	_ =	shalt  }
0x82: {  	_ =	shalt  }
0x83: {  	_ =	shalt  }
0x84: {  	_ =	shalt  }
0x85: {  	_ =	shalt  }
0x86: {  	_ =	shalt  }
0x87: {  	_ =	shalt  }
.Lfunc_end0:
.L_simem_size_0:
called_computation.2_lowered:
.L_overlay_start_0:
0x88: {  	s2 =	sld [smem:$0x3FD9]  }
0x89: {  	s3 =	sld [smem:$0x3FFE];
	_ =	sdelay $0x1  }
0x8a: {  	s1 =	srdreg.scid  }
0x8b: {  	s0 =	sand.u32 $0x1, s1  }
0x8c: {  	s17 =	sshll.u32 s0, $0xA;
	s2 =	sadd.s32 s3, s2  }
0x8d: {  	s2 =	sadd.s32 s2, s17  }
0x8e: {  	[smem:$0x3FC3] =	sst s2  }
0x8f: {  	_ = 	snop  }
0x90: {  	s18 =	sld [smem:$0x3FC9];
	(tm) =	ssettm $0x1  }
0x91: {  	s19 =	sld [smem:$0x3FFB];
	_ =	sdelay $0x3  }
0x92: {  	_ =	strace s19  }
0x93: {  	s2 =	sld [smem:$0x3FFC];
	_ =	sdelay $0x3  }
0x94: {  	_ =	strace s2  }
0x95: {  	s2 =	sld [smem:$0x3FFD];
	_ =	sdelay $0x3  }
0x96: {  	_ =	strace s2  }
0x97: {  	_ =	strace $0x8FFFFFFF  }
0x98: {  	s20 =	sld [smem:$0x3FDB];
	_ =	sdelay $0x1  }
0x99: {  	s4 =	simm.s32 $_scs_section_size  }
0x9a: {  	s5 =	simm.s32 $_size__tile_overlayer_lowered;
	s6 =	simm.s32 $_tile_overlayer_lowered  }
0x9b: {  	s7 =	simm.s32 $0x1BFF;
	s21 =	sshll.u32 s6, $0x1;
	s4 =	sadd.s32 s4, s20  }
0x9c: {  	s22 =	simm.s32 $0x0;
	s5 =	sshll.u32 s5, $0x1;
	s6 =	sadd.s32 s21, s4  }
0x9d: {  	[timem:s22], [sflag:s7] =	dma.local [hbm:s6], s5  }
0x9e: {  	_ =	swait.ge [sflag:s7], s5  }
0x9f: {  	s5 =	ssub.s32 $0x0, s5;
	[sflag:s7] =	ssyncset.done $0x0  }
0xa0: {  	[sflag:s7] =	ssyncadd.s32 s5;
	_ =	sdelay $0x1  }
0xa1: {  	s23 =	simm.s32 $0x1B8B  }
0xa2: {  	_ =	swait.ge [sflag:s23], $0x1  }
0xa3: {  	[sflag:s23] =	ssyncset.done $0x0  }
0xa4: {  	[sflag:s23] =	ssyncadd.s32 $0xFFFFFFFF  }
0xa5: {  	s5 =	sld [smem:$0x0]  }
0xa6: {  	s6 =	sand.u32 $0xFFFFFFFE, s1  }
0xa7: {  	p0 =	sne.s32 s1, s6  }
0xa8: {  	s6 =	sshll.u32 @p0 s6, $0xE  }
0xa9: {  	s6 =	sadd.s32 @p0 $0x11B8D, s6;
	s7 =	sshll.u32 @p0 s5, $0x11  }
0xaa: {  	s6 =	sor.u32 @p0 s7, s6  }
0xab: {  	[sflag:s6] =	ssyncadd.remote.s32 @p0 $0x1;
	_ =	sdelay $0x1  }
0xac: {  	s6 =	simm.s32 @p0 $0x1B8D  }
0xad: {  	_ =	swait.eq @p0 [sflag:s6], $0x1  }
0xae: {  	[sflag:s6] =	ssyncadd.s32 @p0 $0xFFFFFFFF  }
0xaf: {  	s7 =	sshll.u32 @!p0 s1, $0xE  }
0xb0: {  	s7 =	sor.u32 @!p0 $0x4000, s7;
	s6 =	simm.s32 @!p0 $0x1B8D  }
0xb1: {  	s5 =	sshll.u32 @!p0 s5, $0x11;
	s7 =	sadd.s32 @!p0 $0x11B8D, s7;
	_ =	swait.eq @!p0 [sflag:s6], $0x1  }
0xb2: {  	s5 =	sor.u32 @!p0 s5, s7;
	[sflag:s6] =	ssyncadd.s32 @!p0 $0xFFFFFFFF  }
0xb3: {  	s25 =	simm.s32 $0x1B8E;
	s24 =	sld [smem:$0x3FFE];
	[sflag:s5] =	ssyncadd.remote.s32 @!p0 $0x1  }
0xb4: {  	s26 =	simm.s32 $execute0_lowered;
	[smem:$0x3FD2] =	sst s25  }
0xb5: {  	s6 =	sshll.u32 s26, $0x1;
	_ =	strace $0x8000004C;
	[dreg:$0x1] =	wrdreg $0xFFFFFFFF  }
0xb6: {  	s28 =	simm.s32 $_size_execute0_lowered;
	s4 =	sadd.s32 s4, s6;
	[dreg:$0x0] =	wrdreg $0x0  }
0xb7: {  	s6 =	sshll.u32 s28, $0x1;
	[dreg:$0x2] =	wrdreg s4  }
0xb8: {  	[dreg:$0x3] =	wrdreg s6  }
0xb9: {  	[dreg:$0x4] =	wrdreg $0xC0  }
0xba: {  	_ =	task [dreg:s22], $0x5FFFF  }
0xbb: {  	[dreg:$0x1] =	wrdreg $0xFFFFFFFF  }
0xbc: {  	[dreg:$0x0] =	wrdreg $0x60  }
0xbd: {  	[dreg:$0x2] =	wrdreg s18  }
0xbe: {  	[dreg:$0x3] =	wrdreg s24  }
0xbf: {  	[dreg:$0x4] =	wrdreg $0xB  }
0xc0: {  	_ =	task.clear_ibuf [dreg:s22], $0x5FFFF;
	_ =	strace $0x9000004C  }
0xc1: {  	s29 =	simm.s32 $0xB;
	_ =	strace $0x8000004E  }
0xc2: {  	_ =	swait.ge [sflag:s29], $0x1  }
0xc3: {  	[sflag:s29] =	ssyncadd.s32 $0xFFFFFFFF  }
0xc4: {  	_ =	strace $0x9000004E  }
0xc5: {  	_ =	sfence  }
0xc6: {  	s30 =	sld [smem:$0x0];
	_ =	sdelay $0x2  }
0xc7: {  	s31 =	sshll.u32 s1, $0xD;
	s1 =	sshrl.u32 s1, $0x2  }
0xc8: {  	s4 =	sand.u32 $0x4000, s31;
	s1 =	sadd.s32 s1, s30  }
0xc9: {  	s0 =	sor.u32 s4, s0;
	s1 =	sshll.u32 s1, $0x11  }
0xca: {  	s0 =	sor.u32 s1, s0  }
0xcb: {  	s0 =	sadd.s32 $0x8F2B, s0  }
0xcc: {  	[sflag:s0] =	ssyncadd.remote.s32 $0x1  }
0xcd: {  	_ =	sfence.sel $0xFFFF  }
0xce: {  	[dreg:$0x0] =	wrdreg $0xFFFFFFFF;
	(pc) =	sbr.abs _section_cstart, $3  }
0xcf: {  	[dreg:$0x1] =	wrdreg $0xFFFFFFFF  }
0xd0: {  	_ =	task.clear_ibuf [dreg:s22], $0x2FFFF;
	_ =	strace $0x9FFFFFFF  }
0xd1: {  	(tm) =	ssettm $0x7FFFFFFF  }
tec
execute0_lowered:
.L_overlay_start_1:
0x0: {  	(tag) =	ssettag $0x1  }
0x1: {  	s4 =	rddreg [dreg:$0x0]  }
0x2: {  	s5 =	rddreg [dreg:$0x1]  }
0x3: {  	s0 =	rddreg [dreg:$0x2];
	s2 =	simm.s32 $0x0  }
0x4: {  	s3 =	srdreg.scid;
	s1 =	stileid.u32;
	s10 =	simm.s32 $0x200  }
0x5: {  	s11 =	simm.s32 $0x280;
	s12 =	simm.s32 $0xB00;
	s13 =	simm.s32 $0x480  }
0x6: {  	s14 =	simm.s32 $0xD00;
	s15 =	simm.s32 $0x680;
	s16 =	simm.s32 $0xF00  }
0x7: {  	s17 =	simm.s32 $0x1;
	s18 =	simm.s32 $0x2;
	s19 =	simm.s32 $0x0  }
0x8: {  	[smem:$0x7FF] =	sst s2;
	s6 =	sand.u32 $0x1, s3;
	s7 =	sshll.u32 s1, $0x1  }
0x9: {  	s3 =	sadd.s32 $0xC5A00, s5;
	s7 =	sor.u32 s6, s7;
	s6 =	ssub.s32 $0x2, s6  }
0xa: {  	_ =	strace $0x8000004D;
	s8 =	sshll.u32 s7, $0x8;
	s9 =	sshrl.u32 s6, $0x1  }
0xb: {  	s7 =	sshll.u32 s7, $0x4;
	s5 =	sadd.s32 s8, s5;
	s6 =	ssub.s32 s6, s9  }
0xc: {  	v0 =	vlaneseq.u32;
	s4 =	sadd.s32 s4, s7;
	s7 =	simm.s32 $0x3;
	s8 =	simm.s32 $0x80  }
0xd: {  	v1 =	vmul.u32 $0x186A0, v0;
	s9 =	simm.s32 $0x900;
	s5 =	sadd.s32 $0xF6800, s5;
	s6 =	smax.u32 s6, $0x1  }
.LBB2_1:
0xe: {  	v2 =	vmov s2  }
0xf: {  	[tilespmem:s2], [sflag:$0x3] =	stream.linear.gather [hbm4b:s4+s2], $0x80, $0x38;
	[tilespmem:$0x1100] =	vst v63  }
0x10: {  	_ =	swait.ge [sflag:s7], $0x80  }
0x11: {  	[sflag:s7] =	ssyncset.done $0x0  }
0x12: {  	[sflag:s7] =	ssyncadd.s32 $0xFFFFFF80  }
0x13: {  	v2 =	vld.idx.msk [tilespmem:v2+s2+$0x0], $0xffff  }
0x14: {  	s20 =	simm.s32 $0x1;
	v3 =	vor.u32 s2, v0  }
0x15: {  	s21 =	simm.s32 $0x2;
	v4 =	vmov s20;
	s20 =	simm.s32 $0x0  }
.LBB2_2:
0x16: {  	p0 =	sne.s32 s21, $0x1F;
	_ =	sdelay $0x1  }
0x17: {  	v2 =	vadd.s32 v1, v2  }
.Ltmp0:
0x18: {  	[tilespmem:v3+s8+$0x0] =	vst.idx.msk $0xffff, v2;
	(pc) =	sbr.rel @p0 .LBB2_2-.Ltmp0, $4  }
0x19: {  	v2 =	vld.idx.msk [tilespmem:v4+s2+$0x0], $0xffff  }
0x1a: {  	s20 =	sadd.s32 $0x10, s20  }
0x1b: {  	v3 =	vor.u32 s20, v0  }
0x1c: {  	v4 =	vmov s21;
	s21 =	sadd.s32 $0x1, s21  }
0x1d: {  	_ =	sdelay $0x2  }
0x1e: {  	v2 =	vadd.s32 v1, v2  }
0x1f: {  	[tilespmem:v3+s8+$0x0] =	vst.idx.msk $0xffff, v2  }
0x20: {  	s20 =	sadd.s32 $0x10, s20;
	v2 =	vld.idx.msk [tilespmem:v4+s2+$0x0], $0xffff  }
0x21: {  	v3 =	vor.u32 s20, v0  }
0x22: {  	s31 =	simm.s32 $0x20  }
0x23: {  	v4 =	vmov s31;
	_ =	sdelay $0x1  }
0x24: {  	v2 =	vadd.s32 v1, v2  }
0x25: {  	s20 =	simm.s32 $0x200;
	[tilespmem:v3+s8+$0x0] =	vst.idx.msk $0xffff, v2  }
0x26: {  	[tilespmem:s9], [sflag:$0x1] =	stream.indirect.gather [hbm4b:s3+s20], $0x1, s8, s20, $0xb8;
	[tilespmem:$0x1100] =	vst v63  }
0x27: {  	v2 =	vld.idx.msk [tilespmem:v4+s2+$0x0], $0xffff  }
0x28: {  	s21 =	simm.s32 $0x21;
	v3 =	vor.u32 s20, v0  }
0x29: {  	v4 =	vmov s21;
	s21 =	simm.s32 $0x22  }
.LBB2_4:
0x2a: {  	p0 =	sne.s32 s21, $0x3F;
	_ =	sdelay $0x1  }
0x2b: {  	v2 =	vadd.s32 v1, v2  }
.Ltmp1:
0x2c: {  	[tilespmem:v3+s8+$0x0] =	vst.idx.msk $0xffff, v2;
	(pc) =	sbr.rel @p0 .LBB2_4-.Ltmp1, $4  }
0x2d: {  	v2 =	vld.idx.msk [tilespmem:v4+s2+$0x0], $0xffff  }
0x2e: {  	s20 =	sadd.s32 $0x10, s20  }
0x2f: {  	v3 =	vor.u32 s20, v0  }
0x30: {  	v4 =	vmov s21;
	s21 =	sadd.s32 $0x1, s21  }
0x31: {  	_ =	sdelay $0x2  }
0x32: {  	v2 =	vadd.s32 v1, v2  }
0x33: {  	[tilespmem:v3+s8+$0x0] =	vst.idx.msk $0xffff, v2  }
0x34: {  	s20 =	sadd.s32 $0x10, s20;
	v2 =	vld.idx.msk [tilespmem:v4+s2+$0x0], $0xffff  }
0x35: {  	v3 =	vor.u32 s20, v0  }
0x36: {  	s31 =	simm.s32 $0x40  }
0x37: {  	v4 =	vmov s31;
	_ =	sdelay $0x1  }
0x38: {  	v2 =	vadd.s32 v1, v2  }
0x39: {  	[tilespmem:v3+s8+$0x0] =	vst.idx.msk $0xffff, v2  }
0x3a: {  	[tilespmem:s12], [sflag:$0x1] =	stream.indirect.gather [hbm4b:s3+s10], $0x1, s11, s10, $0xb8;
	[tilespmem:$0x1100] =	vst v63  }
0x3b: {  	s20 =	simm.s32 $0x400;
	v2 =	vld.idx.msk [tilespmem:v4+s2+$0x0], $0xffff  }
0x3c: {  	s21 =	simm.s32 $0x41;
	v3 =	vor.u32 s20, v0  }
0x3d: {  	v4 =	vmov s21;
	s21 =	simm.s32 $0x42  }
.LBB2_6:
0x3e: {  	p0 =	sne.s32 s21, $0x5F;
	_ =	sdelay $0x1  }
0x3f: {  	v2 =	vadd.s32 v1, v2  }
.Ltmp2:
0x40: {  	[tilespmem:v3+s8+$0x0] =	vst.idx.msk $0xffff, v2;
	(pc) =	sbr.rel @p0 .LBB2_6-.Ltmp2, $4  }
0x41: {  	v2 =	vld.idx.msk [tilespmem:v4+s2+$0x0], $0xffff  }
0x42: {  	s20 =	sadd.s32 $0x10, s20  }
0x43: {  	v3 =	vor.u32 s20, v0  }
0x44: {  	v4 =	vmov s21;
	s21 =	sadd.s32 $0x1, s21  }
0x45: {  	_ =	sdelay $0x2  }
0x46: {  	v2 =	vadd.s32 v1, v2  }
0x47: {  	[tilespmem:v3+s8+$0x0] =	vst.idx.msk $0xffff, v2  }
0x48: {  	s20 =	sadd.s32 $0x10, s20;
	v2 =	vld.idx.msk [tilespmem:v4+s2+$0x0], $0xffff  }
0x49: {  	v3 =	vor.u32 s20, v0  }
0x4a: {  	s31 =	simm.s32 $0x60  }
0x4b: {  	v4 =	vmov s31;
	_ =	sdelay $0x1  }
0x4c: {  	v2 =	vadd.s32 v1, v2  }
0x4d: {  	[tilespmem:v3+s8+$0x0] =	vst.idx.msk $0xffff, v2  }
0x4e: {  	[tilespmem:s14], [sflag:$0x1] =	stream.indirect.gather [hbm4b:s3+s10], $0x1, s13, s10, $0xb8;
	[tilespmem:$0x1100] =	vst v63  }
0x4f: {  	s20 =	simm.s32 $0x600;
	v2 =	vld.idx.msk [tilespmem:v4+s2+$0x0], $0xffff  }
0x50: {  	s21 =	simm.s32 $0x61;
	v3 =	vor.u32 s20, v0  }
0x51: {  	v4 =	vmov s21;
	s21 =	simm.s32 $0x62  }
.LBB2_8:
0x52: {  	p0 =	sne.s32 s21, $0x7F;
	_ =	sdelay $0x1  }
0x53: {  	v2 =	vadd.s32 v1, v2  }
.Ltmp3:
0x54: {  	[tilespmem:v3+s8+$0x0] =	vst.idx.msk $0xffff, v2;
	(pc) =	sbr.rel @p0 .LBB2_8-.Ltmp3, $4  }
0x55: {  	v2 =	vld.idx.msk [tilespmem:v4+s2+$0x0], $0xffff  }
0x56: {  	s20 =	sadd.s32 $0x10, s20  }
0x57: {  	v3 =	vor.u32 s20, v0  }
0x58: {  	v4 =	vmov s21;
	s21 =	sadd.s32 $0x1, s21  }
0x59: {  	_ =	sdelay $0x2  }
0x5a: {  	v2 =	vadd.s32 v1, v2  }
0x5b: {  	[tilespmem:v3+s8+$0x0] =	vst.idx.msk $0xffff, v2  }
0x5c: {  	s20 =	sadd.s32 $0x10, s20;
	v2 =	vld.idx.msk [tilespmem:v4+s2+$0x0], $0xffff  }
0x5d: {  	v3 =	vor.u32 s20, v0;
	_ =	sdelay $0x3  }
0x5e: {  	v2 =	vadd.s32 v1, v2  }
0x5f: {  	[tilespmem:v3+s8+$0x0] =	vst.idx.msk $0xffff, v2  }
0x60: {  	[tilespmem:s16], [sflag:$0x1] =	stream.indirect.gather [hbm4b:s3+s10], $0x1, s15, s10, $0xb8;
	[tilespmem:$0x1100] =	vst v63  }
0x61: {  	_ =	swait.ge [sflag:s17], $0x200  }
0x62: {  	[sflag:s17] =	ssyncset.done $0x0  }
0x63: {  	[sflag:s17] =	ssyncadd.s32 $0xFFFFFE00  }
0x64: {  	_ =	swait.ge [sflag:s17], $0x200  }
0x65: {  	[sflag:s17] =	ssyncset.done $0x0  }
0x66: {  	[sflag:s17] =	ssyncadd.s32 $0xFFFFFE00  }
0x67: {  	_ =	swait.ge [sflag:s17], $0x200  }
0x68: {  	[sflag:s17] =	ssyncset.done $0x0  }
0x69: {  	[sflag:s17] =	ssyncadd.s32 $0xFFFFFE00  }
0x6a: {  	s19 =	sadd.s32 $0x1, s19;
	_ =	swait.ge [sflag:s17], $0x200  }
0x6b: {  	p0 =	sne.s32 s19, s6;
	[sflag:s17] =	ssyncset.done $0x0  }
.Ltmp4:
0x6c: {  	[sflag:s17] =	ssyncadd.s32 $0xFFFFFE00;
	(pc) =	sbr.rel @p0 .LBB2_1-.Ltmp4, $4  }
0x6d: {  	[hbm4b:s5+s2] =	stream.linear.scatter [tilespmem:s9], [sflag:$0x2], $0x800, $0x38;
	[tilespmem:$0x1100] =	vst v63  }
0x6e: {  	_ =	swait.ge [sflag:s18], $0x800  }
0x6f: {  	[sflag:s18] =	ssyncset.done $0x0  }
0x70: {  	[sflag:s18] =	ssyncadd.s32 $0xFFFFF800  }
0x71: {  	_ =	sfence.sel $0x180000  }
0x72: {  	[bflag:$0x0] =	sbarrier.arrive $0xFFFF  }
0x73: {  	p0 =	sne.s32 s1, $0x0;
	_ =	strace $0x9000004D  }
0x74: {  	s0 =	sadd.s32 @!p0 $0x100000, s0;
	[bflag:$0x2] =	sbarrier.arrive $0xFFFF  }
0x75: {  	[sflag:s0] =	ssyncadd.tile.s32 @!p0 $0x1;
	_ =	shalt  }
.Lfunc_end2:
_tile_overlayer_lowered:
.L_overlay_start_2:
0x76: {  	(tag) =	ssettag $0x2  }
0x77: {  	s0 =	rddreg [dreg:$0x0];
	s2 =	stileid.u32  }
0x78: {  	s1 =	rddreg [dreg:$0x1];
	p0 =	sne.s32 s2, $0x0  }
0x79: {  	s3 =	rddreg [dreg:$0x2];
	[bflag:$0x3] =	sbarrier.arrive $0xFFFF;
	s2 =	simm.s32 @!p0 $0x1C03  }
0x7a: {  	[timem:s3], [sflag:s2] =	dma.local @!p0 [hbm:s0], s1  }
0x7b: {  	s0 =	simm.s32 @!p0 $0x3  }
0x7c: {  	_ =	swait.ge @!p0 [sflag:s0], s1  }
0x7d: {  	s1 =	ssub.s32 @!p0 $0x0, s1;
	[sflag:s0] =	ssyncset.done @!p0 $0x0  }
0x7e: {  	[sflag:s0] =	ssyncadd.s32 @!p0 s1  }
0x7f: {  	[bflag:$0x3] =	sbarrier.arrive $0xFFFF  }
0x80: {  	_ =	shalt  }

// kernel: kernel.5.cloned.1.call-start
scs
__scs_entry_jumppad:
0x0: {  	(pc) =	sbr.rel $0x88, $3  }
0x1: {  	(tag) =	ssettag $0x0;
	lr =	simm.s32 $0x1  }
0x2: {  	[smem:$0x3F9C] =	sst lr;
	_ =	strace $0xD0000000  }
0x3: {  	_ = 	snop  }
0x4: {  	_ = 	snop  }
0x5: {  	_ = 	snop  }
0x6: {  	_ = 	snop  }
0x7: {  	_ = 	snop  }
__scs_overlays_trampoline_lowered:
0x8: {  	[smem:$0x3FAB] =	sst s0  }
0x9: {  	[smem:$0x3FAC] =	sst s1  }
0xa: {  	[smem:$0x3FAD] =	sst s2  }
0xb: {  	[smem:$0x3FAE] =	sst s3  }
0xc: {  	[smem:$0x3FAF] =	sst s4  }
0xd: {  	[smem:$0x3FB0] =	sst s5  }
0xe: {  	[smem:$0x3FB1] =	sst s6  }
0xf: {  	[smem:$0x3FB2] =	sst s7  }
0x10: {  	[smem:$0x3FB3] =	sst s8  }
0x11: {  	[smem:$0x3FB4] =	sst s9;
	s0 =	simm.s32 @!p0 $0x0  }
0x12: {  	s1 =	sld [smem:$0x3F9A];
	s0 =	simm.s32 @p0 $0x1  }
0x13: {  	[smem:$0x3FB5] =	sst s0;
	s0 =	simm.s32 @!p1 $0x0  }
0x14: {  	s2 =	sld [smem:$0x3F99];
	s0 =	simm.s32 @p1 $0x1  }
0x15: {  	[smem:$0x3FB6] =	sst s0;
	s0 =	simm.s32 @!p2 $0x0  }
0x16: {  	s3 =	sld [smem:$0x3FDB];
	s0 =	simm.s32 @p2 $0x1  }
0x17: {  	s4 =	simm.s32 $0x1BF5;
	[smem:$0x3FB8] =	sst s0  }
0x18: {  	s0 =	sld [smem:$0x3F9B];
	_ =	swait.ge [sflag:s4], $0x0  }
0x19: {  	s7 =	sld [smem:$0x3F9C]  }
0x1a: {  	s8 =	sadd.s32 $0xFFFFE003, lr  }
0x1b: {  	s9 =	sadd.s32 $0xFFFFFEF7, lr;
	s5 =	simm.s32 $0xFFFFFFFF;
	p2 =	slt.u32 s8, $0xFFFFF086  }
0x1c: {  	p1 =	slt.u32 s9, $0xF7A;
	s5 =	simm.s32 @!p2 $0x0  }
0x1d: {  	s5 =	simm.s32 @p1 $0x1;
	p0 =	seq.s32 s7, s2  }
0x1e: {  	s7 =	smul.u32 @!p0 $0xF7A, s2;
	p2 =	seq.s32 @!p0 s5, $0x0  }
0x1f: {  	s9 =	smul.u32 $0xF7A, s1;
	s8 =	simm.s32 @!p0 $0x1BF5;
	p2 =	por !p2, p0  }
0x20: {  	[sflag:s8] =	ssyncset.s32 @!p0 $0xFFFFF086;
	s6 =	sadd.s32 @!p0 s3, s7;
	s7 =	simm.s32 @!p0 $0x108  }
0x21: {  	s3 =	sadd.s32 s3, s9;
	s6 =	sadd.s32 @!p0 $0x88, s6;
	s7 =	simm.s32 @p2 $0x1082  }
0x22: {  	[simem:s7], [sflag:s8] =	dma.local @!p0 [hbm:s6], $0xF7A  }
0x23: {  	s9 =	sor.u32 $0xD0000000, s2;
	s6 =	simm.s32 $0x108;
	_ =	swait.ge @!p0 [sflag:s8], $0x0  }
0x24: {  	s3 =	sadd.s32 $0x88, s3;
	s6 =	simm.s32 @!p1 $0x1082;
	[sflag:s4] =	ssyncset.s32 $0xFFFFF086  }
0x25: {  	[simem:s6], [sflag:s4] =	dma.local [hbm:s3], $0xF7A  }
0x26: {  	[smem:$0x3F9C] =	sst s1;
	(tag) =	ssettag s2;
	_ =	strace s9  }
0x27: {  	s1 =	sld [smem:$0x3FAC]  }
0x28: {  	s2 =	sld [smem:$0x3FAD]  }
0x29: {  	s4 =	sld [smem:$0x3FAF]  }
0x2a: {  	p0 =	seq.s32 s5, $0x0;
	s5 =	sld [smem:$0x3FB0]  }
0x2b: {  	s6 =	sld [smem:$0x3FB1]  }
0x2c: {  	s7 =	sld [smem:$0x3FB2]  }
0x2d: {  	s3 =	simm.s32 $0x108;
	s8 =	sld [smem:$0x3FB3]  }
0x2e: {  	s3 =	simm.s32 @!p0 $0x1082;
	s9 =	sld [smem:$0x3FB4]  }
0x2f: {  	lr =	sadd.s32 s0, s3;
	s0 =	sld [smem:$0x3FAB]  }
0x30: {  	s3 =	sld [smem:$0x3FAE]  }
0x31: {  	[smem:$0x3FB7] =	sst s10  }
0x32: {  	s10 =	sld [smem:$0x3FB5];
	_ =	sdelay $0x3  }
0x33: {  	p0 =	seq.s32 s10, $0x1;
	s10 =	sld [smem:$0x3FB7];
	_ =	sdelay $0x3  }
0x34: {  	[smem:$0x3FB7] =	sst s10  }
0x35: {  	s10 =	sld [smem:$0x3FB6];
	_ =	sdelay $0x3  }
0x36: {  	p1 =	seq.s32 s10, $0x1;
	s10 =	sld [smem:$0x3FB7];
	_ =	sdelay $0x3  }
0x37: {  	[smem:$0x3FB7] =	sst s10  }
0x38: {  	s10 =	sld [smem:$0x3FB8]  }
0x39: {  	_ = 	snop;
	(pc) =	sbr.ind lr, $3  }
0x3a: {  	_ = 	snop  }
0x3b: {  	_ = 	snop  }
0x3c: {  	p2 =	seq.s32 s10, $0x1;
	s10 =	sld [smem:$0x3FB7]  }
0x3d: {  	_ =	shalt  }
0x3e: {  	_ =	shalt  }
0x3f: {  	_ =	shalt  }
0x40: {  	_ =	shalt  }
0x41: {  	_ =	shalt  }
0x42: {  	_ =	shalt  }
0x43: {  	_ =	shalt  }
0x44: {  	_ =	shalt  }
0x45: {  	_ =	shalt  }
0x46: {  	_ =	shalt  }
0x47: {  	_ =	shalt  }
0x48: {  	_ =	shalt  }
0x49: {  	_ =	shalt  }
0x4a: {  	_ =	shalt  }
0x4b: {  	_ =	shalt  }
0x4c: {  	_ =	shalt  }
0x4d: {  	_ =	shalt  }
0x4e: {  	_ =	shalt  }
0x4f: {  	_ =	shalt  }
0x50: {  	_ =	shalt  }
0x51: {  	_ =	shalt  }
0x52: {  	_ =	shalt  }
0x53: {  	_ =	shalt  }
0x54: {  	_ =	shalt  }
0x55: {  	_ =	shalt  }
0x56: {  	_ =	shalt  }
0x57: {  	_ =	shalt  }
0x58: {  	_ =	shalt  }
0x59: {  	_ =	shalt  }
0x5a: {  	_ =	shalt  }
0x5b: {  	_ =	shalt  }
0x5c: {  	_ =	shalt  }
0x5d: {  	_ =	shalt  }
0x5e: {  	_ =	shalt  }
0x5f: {  	_ =	shalt  }
0x60: {  	_ =	shalt  }
0x61: {  	_ =	shalt  }
0x62: {  	_ =	shalt  }
0x63: {  	_ =	shalt  }
0x64: {  	_ =	shalt  }
0x65: {  	_ =	shalt  }
0x66: {  	_ =	shalt  }
0x67: {  	_ =	shalt  }
0x68: {  	_ =	shalt  }
0x69: {  	_ =	shalt  }
0x6a: {  	_ =	shalt  }
0x6b: {  	_ =	shalt  }
0x6c: {  	_ =	shalt  }
0x6d: {  	_ =	shalt  }
0x6e: {  	_ =	shalt  }
0x6f: {  	_ =	shalt  }
0x70: {  	_ =	shalt  }
0x71: {  	_ =	shalt  }
0x72: {  	_ =	shalt  }
0x73: {  	_ =	shalt  }
0x74: {  	_ =	shalt  }
0x75: {  	_ =	shalt  }
0x76: {  	_ =	shalt  }
0x77: {  	_ =	shalt  }
0x78: {  	_ =	shalt  }
0x79: {  	_ =	shalt  }
0x7a: {  	_ =	shalt  }
0x7b: {  	_ =	shalt  }
0x7c: {  	_ =	shalt  }
0x7d: {  	_ =	shalt  }
0x7e: {  	_ =	shalt  }
0x7f: {  	_ =	shalt  }
0x80: {  	_ =	shalt  }
0x81: {  	_ =	shalt  }
0x82: {  	_ =	shalt  }
0x83: {  	_ =	shalt  }
0x84: {  	_ =	shalt  }
0x85: {  	_ =	shalt  }
0x86: {  	_ =	shalt  }
0x87: {  	_ =	shalt  }
.Lfunc_end0:
.L_simem_size_0:
called_computation_lowered:
.L_overlay_start_0:
0x88: {  	s2 =	sld [smem:$0x3FD9]  }
0x89: {  	s3 =	sld [smem:$0x3FFE];
	_ =	sdelay $0x1  }
0x8a: {  	s1 =	srdreg.scid  }
0x8b: {  	s0 =	sand.u32 $0x1, s1  }
0x8c: {  	s14 =	sshll.u32 s0, $0xA;
	s2 =	sadd.s32 s3, s2  }
0x8d: {  	s2 =	sadd.s32 s2, s14  }
0x8e: {  	[smem:$0x3FC3] =	sst s2  }
0x8f: {  	_ = 	snop  }
0x90: {  	s2 =	sld [smem:$0x3FD0];
	_ =	sdelay $0x1  }
0x91: {  	s15 =	sld [smem:$0x3FC9]  }
0x92: {  	s5 =	simm.s32 $0xC;
	s6 =	simm.s32 $0x10;
	s4 =	sld [smem:$0x3FC8]  }
0x93: {  	[smem:s6], [sflag:s5] =	dma.local [hbm:s2], $0x1  }
0x94: {  	_ =	swait.eq [sflag:s5], $0x1  }
0x95: {  	[sflag:s5] =	ssyncset.done $0x0  }
0x96: {  	s16 =	sld [smem:$0x10];
	[sflag:s5] =	ssyncadd.s32 $0xFFFFFFFF  }
0x97: {  	s17 =	sld [smem:$0x13];
	(tm) =	ssettm $0x1  }
0x98: {  	s18 =	sld [smem:$0x3FFB];
	_ =	sdelay $0x3  }
0x99: {  	_ =	strace s18  }
0x9a: {  	s6 =	sld [smem:$0x3FFC];
	_ =	sdelay $0x3  }
0x9b: {  	_ =	strace s6  }
0x9c: {  	s6 =	sld [smem:$0x3FFD];
	_ =	sdelay $0x3  }
0x9d: {  	_ =	strace s6  }
0x9e: {  	_ =	strace $0x8FFFFFFF  }
0x9f: {  	s19 =	sld [smem:$0x3FDB];
	_ =	sdelay $0x1  }
0xa0: {  	s7 =	simm.s32 $_scs_section_size  }
0xa1: {  	s8 =	simm.s32 $_size__tile_overlayer_lowered;
	s9 =	simm.s32 $_tile_overlayer_lowered  }
0xa2: {  	s22 =	simm.s32 $0x1BFF;
	s21 =	sshll.u32 s9, $0x1;
	s6 =	sadd.s32 s7, s19  }
0xa3: {  	s10 =	simm.s32 $0x0;
	s20 =	sshll.u32 s8, $0x1;
	s8 =	sadd.s32 s21, s6  }
0xa4: {  	[timem:s10], [sflag:s22] =	dma.local [hbm:s8], s20  }
0xa5: {  	_ =	swait.ge [sflag:s22], s20  }
0xa6: {  	s7 =	ssub.s32 $0x0, s20;
	[sflag:s22] =	ssyncset.done $0x0  }
0xa7: {  	[sflag:s22] =	ssyncadd.s32 s7;
	_ =	sdelay $0x1  }
0xa8: {  	s23 =	simm.s32 $0x1B8B  }
0xa9: {  	_ =	swait.ge [sflag:s23], $0x1  }
0xaa: {  	[sflag:s23] =	ssyncset.done $0x0  }
0xab: {  	s25 =	simm.s32 $0x1B8E;
	s24 =	sld [smem:$0x3FFE];
	[sflag:s23] =	ssyncadd.s32 $0xFFFFFFFF  }
0xac: {  	s26 =	simm.s32 $execute0_lowered;
	[smem:$0x3FD2] =	sst s25  }
0xad: {  	s8 =	sshll.u32 s26, $0x1;
	_ =	strace $0x80000046;
	[dreg:$0x1] =	wrdreg $0xFFFFFFFF  }
0xae: {  	s28 =	simm.s32 $_size_execute0_lowered;
	s6 =	sadd.s32 s6, s8;
	[dreg:$0x0] =	wrdreg $0x0  }
0xaf: {  	s8 =	sshll.u32 s28, $0x1;
	[dreg:$0x2] =	wrdreg s6  }
0xb0: {  	[dreg:$0x3] =	wrdreg s8  }
0xb1: {  	[dreg:$0x4] =	wrdreg $0xC0  }
0xb2: {  	_ =	task [dreg:s10], $0x5FFFF  }
0xb3: {  	[dreg:$0x1] =	wrdreg $0xFFFFFFFF  }
0xb4: {  	[dreg:$0x0] =	wrdreg $0x60  }
0xb5: {  	[dreg:$0x2] =	wrdreg s15  }
0xb6: {  	[dreg:$0x3] =	wrdreg s4  }
0xb7: {  	[dreg:$0x4] =	wrdreg s24  }
0xb8: {  	[dreg:$0x5] =	wrdreg s17  }
0xb9: {  	[dreg:$0x6] =	wrdreg s16  }
0xba: {  	[dreg:$0x7] =	wrdreg $0x9  }
0xbb: {  	_ =	task.clear_ibuf [dreg:s10], $0x8FFFF;
	_ =	strace $0x90000046  }
0xbc: {  	s29 =	simm.s32 $0x9;
	_ =	strace $0x80000048  }
0xbd: {  	_ =	swait.ge [sflag:s29], $0x1  }
0xbe: {  	[sflag:s29] =	ssyncadd.s32 $0xFFFFFFFF  }
0xbf: {  	_ =	strace $0x90000048  }
0xc0: {  	_ =	sfence  }
0xc1: {  	s30 =	sld [smem:$0x0];
	_ =	sdelay $0x2  }
0xc2: {  	s31 =	sshll.u32 s1, $0xD;
	s1 =	sshrl.u32 s1, $0x2  }
0xc3: {  	s3 =	sand.u32 $0x4000, s31;
	s1 =	sadd.s32 s1, s30  }
0xc4: {  	s0 =	sor.u32 s3, s0;
	s1 =	sshll.u32 s1, $0x11  }
0xc5: {  	s0 =	sor.u32 s1, s0  }
0xc6: {  	s0 =	sadd.s32 $0x8F2B, s0  }
0xc7: {  	[sflag:s0] =	ssyncadd.remote.s32 $0x1  }
0xc8: {  	_ =	sfence.sel $0xFFFF  }
0xc9: {  	[dreg:$0x0] =	wrdreg $0xFFFFFFFF;
	(pc) =	sbr.abs _section_cstart, $3  }
0xca: {  	[dreg:$0x1] =	wrdreg $0xFFFFFFFF  }
0xcb: {  	_ =	task.clear_ibuf [dreg:s10], $0x2FFFF;
	_ =	strace $0x9FFFFFFF  }
0xcc: {  	(tm) =	ssettm $0x7FFFFFFF  }
0xcd: {  	_ =	shalt  }
tec
execute0_lowered:
.L_overlay_start_1:
0x0: {  	(tag) =	ssettag $0x1  }
0x1: {  	v0 =	vimm.s32 $0x76543210  }
0x2: {  	v0 =	vunpack.c.l.s4.s8 v0;
	_ =	sdelay $0x1  }
0x3: {  	v2 =	vimm.s32 $0x85848382;
	v3 =	vunpack.c.0.s8.s32 v0;
	v0 =	vimm.s32 $0x81800908  }
0x4: {  	v2 =	vunpack.c.0.s8.s32 v2;
	v0 =	vunpack.c.0.s8.s32 v0  }
0x5: {  	vm0 =	vcmask $0x1F10  }
0x6: {  	v0 =	vsel vm0, v2, v0;
	v2 =	vand.u32 $0xF, v3  }
0x7: {  	v0 =	vcombine.low v2, v0;
	_ =	sdelay $0x1  }
0x8: {  	vm7 =	vcmask $0x300;
	[tilespmem:$0x1F900] =	vst v0;
	v0 =	vimm.s32 $0x885  }
0x9: {  	v6 =	vsel vm7, $0x800, v0;
	v0 =	vimm.s32 $0x1085  }
0xa: {  	v9 =	vsel vm7, $0x1000, v0;
	v0 =	vimm.s32 $0x1485  }
0xb: {  	v10 =	vsel vm7, $0x1400, v0;
	v0 =	vimm.s32 $0x1C85  }
0xc: {  	v13 =	vsel vm7, $0x1C00, v0;
	v0 =	vimm.s32 $0x2085  }
0xd: {  	v15 =	vsel vm7, $0x2000, v0;
	v0 =	vimm.s32 $0x2885  }
0xe: {  	v17 =	vsel vm7, $0x2800, v0;
	v0 =	vimm.s32 $0x2C85  }
0xf: {  	v2 =	vimm.s32 $0xC85;
	v18 =	vsel vm7, $0x2C00, v0;
	v0 =	vimm.s32 $0x89888786  }
0x10: {  	v7 =	vsel vm7, $0xC00, v2;
	v2 =	vimm.s32 $0x1885;
	v0 =	vunpack.c.0.s8.s32 v0  }
0x11: {  	vm8 =	vcmask $0xF00;
	v12 =	vsel vm7, $0x1800, v2;
	v2 =	vimm.s32 $0x2485  }
0x12: {  	v16 =	vsel vm7, $0x2400, v2;
	v2 =	vimm.s32 $0x3085;
	v0 =	vand.u32 $0xFF, v0  }
0x13: {  	v19 =	vsel vm7, $0x3000, v2;
	v2 =	vimm.s32 $0x3485;
	v0 =	vnsel vm8, $0x181, v0  }
0x14: {  	v20 =	vsel vm7, $0x3400, v2;
	v2 =	vimm.s32 $0x3C85;
	[tilespmem:$0x1F200] =	vst v0;
	v0 =	vimm.s32 $0x581  }
0x15: {  	v22 =	vsel vm7, $0x3C00, v2;
	v2 =	vimm.s32 $0x981;
	v0 =	vsel vm7, $0x486, v0  }
0x16: {  	[tilespmem:$0x1EC50] =	vst v0;
	v0 =	vsel vm7, $0x886, v2  }
0x17: {  	[tilespmem:$0x1EC60] =	vst v0;
	v0 =	vimm.s32 $0xD81  }
0x18: {  	v0 =	vsel vm7, $0xC86, v0  }
0x19: {  	[tilespmem:$0x1EC70] =	vst v0;
	v0 =	vimm.s32 $0x1181  }
0x1a: {  	v2 =	vimm.s32 $0x1581;
	v0 =	vsel vm7, $0x1086, v0  }
0x1b: {  	[tilespmem:$0x1EC80] =	vst v0;
	v0 =	vsel vm7, $0x1486, v2  }
0x1c: {  	[tilespmem:$0x1EC90] =	vst v0;
	v0 =	vimm.s32 $0x1981  }
0x1d: {  	[tilespmem:$0x1F310] =	vst v3;
	v3 =	vimm.s32 $0x3885;
	v2 =	vimm.s32 $0x1D81;
	v0 =	vsel vm7, $0x1886, v0  }
0x1e: {  	v21 =	vsel vm7, $0x3800, v3;
	v3 =	vimm.s32 $0x2181;
	[tilespmem:$0x1ECA0] =	vst v0;
	v0 =	vsel vm7, $0x1C86, v2  }
0x1f: {  	v24 =	vimm.s32 $0x2581;
	[tilespmem:$0x1ECB0] =	vst v0;
	v0 =	vsel vm7, $0x2086, v3  }
0x20: {  	v25 =	vimm.s32 $0x2981;
	[tilespmem:$0x1ECC0] =	vst v0;
	v0 =	vsel vm7, $0x2486, v24  }
0x21: {  	v26 =	vimm.s32 $0x2D81;
	[tilespmem:$0x1ECD0] =	vst v0;
	v0 =	vsel vm7, $0x2886, v25  }
0x22: {  	v27 =	vimm.s32 $0x3181;
	[tilespmem:$0x1ECE0] =	vst v0;
	v0 =	vsel vm7, $0x2C86, v26  }
0x23: {  	v28 =	vimm.s32 $0x3581;
	[tilespmem:$0x1ECF0] =	vst v0;
	v0 =	vsel vm7, $0x3086, v27  }
0x24: {  	v29 =	vimm.s32 $0x3981;
	[tilespmem:$0x1ED00] =	vst v0;
	v0 =	vsel vm7, $0x3486, v28  }
0x25: {  	v30 =	vimm.s32 $0x3D81;
	[tilespmem:$0x1ED10] =	vst v0;
	v0 =	vsel vm7, $0x3886, v29  }
0x26: {  	v31 =	vimm.s32 $0x207;
	[tilespmem:$0x1ED20] =	vst v0;
	v0 =	vsel vm7, $0x3C86, v30  }
0x27: {  	v32 =	vimm.s32 $0x607;
	[tilespmem:$0x1ED30] =	vst v0;
	v0 =	vsel vm7, $0x182, v31  }
0x28: {  	v33 =	vimm.s32 $0xA07;
	[tilespmem:$0x1ED40] =	vst v0;
	v0 =	vsel vm7, $0x582, v32  }
0x29: {  	v34 =	vimm.s32 $0xE07;
	[tilespmem:$0x1ED50] =	vst v0;
	v0 =	vsel vm7, $0x982, v33  }
0x2a: {  	v35 =	vimm.s32 $0x1207;
	[tilespmem:$0x1ED60] =	vst v0;
	v0 =	vsel vm7, $0xD82, v34  }
0x2b: {  	vm3 =	vcmask $0x704;
	v36 =	vimm.s32 $0x1607;
	[tilespmem:$0x1ED70] =	vst v0;
	v0 =	vsel vm7, $0x1182, v35  }
0x2c: {  	v37 =	vimm.s32 $0x1A07;
	v38 =	vimm.s32 $0x1E07;
	[tilespmem:$0x1ED80] =	vst v0;
	v0 =	vsel vm7, $0x1582, v36  }
0x2d: {  	v39 =	vimm.s32 $0x2207;
	v3 =	vsel vm3, $0xC01, v7;
	[tilespmem:$0x1ED90] =	vst v0;
	v0 =	vsel vm7, $0x1982, v37  }
0x2e: {  	v7 =	vsel vm3, $0x1C01, v13;
	v13 =	vsel vm3, $0x3401, v20;
	v20 =	vld [tilespmem:$0x1EC90];
	[tilespmem:$0x1EDA0] =	vst v0;
	v0 =	vsel vm7, $0x1D82, v38  }
0x2f: {  	v40 =	vimm.s32 $0x2607;
	v24 =	vld [tilespmem:$0x1ECC0];
	[tilespmem:$0x1EDB0] =	vst v0;
	v0 =	vsel vm7, $0x2182, v39  }
0x30: {  	v41 =	vimm.s32 $0x2A07;
	v25 =	vld [tilespmem:$0x1ECD0];
	[tilespmem:$0x1EDC0] =	vst v0;
	v0 =	vsel vm7, $0x2582, v40  }
0x31: {  	v42 =	vimm.s32 $0x2E07;
	v26 =	vld [tilespmem:$0x1ECE0];
	[tilespmem:$0x1EDD0] =	vst v0;
	v0 =	vsel vm7, $0x2982, v41  }
0x32: {  	v43 =	vimm.s32 $0x3207;
	v27 =	vld [tilespmem:$0x1ECF0];
	[tilespmem:$0x1EDE0] =	vst v0;
	v0 =	vsel vm7, $0x2D82, v42  }
0x33: {  	v44 =	vimm.s32 $0x3607;
	v28 =	vld [tilespmem:$0x1ED00];
	[tilespmem:$0x1EDF0] =	vst v0;
	v0 =	vsel vm7, $0x3182, v43  }
0x34: {  	v45 =	vimm.s32 $0x3A07;
	v29 =	vld [tilespmem:$0x1ED10];
	[tilespmem:$0x1EE00] =	vst v0;
	v0 =	vsel vm7, $0x3582, v44  }
0x35: {  	v46 =	vimm.s32 $0x3E07;
	v30 =	vld [tilespmem:$0x1ED20];
	[tilespmem:$0x1EE10] =	vst v0;
	v0 =	vsel vm7, $0x3982, v45  }
0x36: {  	v1 =	vimm.s32 $0x485;
	v47 =	vimm.s32 $0x303;
	v31 =	vld [tilespmem:$0x1ED30];
	[tilespmem:$0x1EE20] =	vst v0;
	v0 =	vsel vm7, $0x3D82, v46  }
0x37: {  	vm6 =	vcmask $0xB08;
	v48 =	vimm.s32 $0x703;
	v36 =	vld [tilespmem:$0x1ED40];
	[tilespmem:$0x1EE30] =	vst v0;
	v0 =	vsel vm7, $0x208, v47  }
0x38: {  	vm5 =	vcmask $0xF0C;
	v49 =	vimm.s32 $0xB03;
	v37 =	vld [tilespmem:$0x1ED50];
	[tilespmem:$0x1EE40] =	vst v0;
	v0 =	vsel vm7, $0x608, v48  }
0x39: {  	vm4 =	vcmask $0x1310;
	v50 =	vimm.s32 $0xF03;
	v38 =	vld [tilespmem:$0x1ED60];
	[tilespmem:$0x1EE50] =	vst v0;
	v0 =	vsel vm7, $0xA08, v49  }
0x3a: {  	vm1 =	vcmask $0x1714;
	v51 =	vimm.s32 $0x1303;
	v39 =	vld [tilespmem:$0x1ED70];
	[tilespmem:$0x1EE60] =	vst v0;
	v0 =	vsel vm7, $0xE08, v50  }
0x3b: {  	vm2 =	vcmask $0x1B18;
	v52 =	vimm.s32 $0x1703;
	v40 =	vld [tilespmem:$0x1ED80];
	[tilespmem:$0x1EE70] =	vst v0;
	v0 =	vsel vm7, $0x1208, v51  }
0x3c: {  	vm15 =	vcmask $0x1F1C;
	v53 =	vimm.s32 $0x1B03;
	v41 =	vld [tilespmem:$0x1ED90];
	[tilespmem:$0x1EE80] =	vst v0;
	v0 =	vsel vm7, $0x1608, v52  }
0x3d: {  	v54 =	vimm.s32 $0x1F03;
	v55 =	vimm.s32 $0x2303;
	v42 =	vld [tilespmem:$0x1EDA0];
	[tilespmem:$0x1EE90] =	vst v0;
	v0 =	vsel vm7, $0x1A08, v53  }
0x3e: {  	v56 =	vimm.s32 $0x2703;
	v57 =	vimm.s32 $0x2B03;
	v43 =	vld [tilespmem:$0x1EDB0];
	[tilespmem:$0x1EEA0] =	vst v0;
	v0 =	vsel vm7, $0x1E08, v54  }
0x3f: {  	v58 =	vimm.s32 $0x2F03;
	v59 =	vimm.s32 $0x3303;
	v44 =	vld [tilespmem:$0x1EDC0];
	[tilespmem:$0x1EEB0] =	vst v0;
	v0 =	vsel vm7, $0x2208, v55  }
0x40: {  	v60 =	vimm.s32 $0x3703;
	v61 =	vimm.s32 $0x3B03;
	v45 =	vld [tilespmem:$0x1EDD0];
	[tilespmem:$0x1EEC0] =	vst v0;
	v0 =	vsel vm7, $0x2608, v56  }
0x41: {  	v62 =	vimm.s32 $0x3F03;
	v1 =	vsel vm7, $0x400, v1;
	v46 =	vld [tilespmem:$0x1EDE0];
	[tilespmem:$0x1EED0] =	vst v0;
	v0 =	vsel vm7, $0x2A08, v57  }
0x42: {  	v63 =	vimm.s32 $0x389;
	v1 =	vsel vm3, $0x401, v1;
	v47 =	vld [tilespmem:$0x1EDF0];
	[tilespmem:$0x1EEE0] =	vst v0;
	v0 =	vsel vm7, $0x2E08, v58  }
0x43: {  	v5 =	vimm.s32 $0xF89;
	v1 =	vsel vm6, $0x402, v1;
	v48 =	vld [tilespmem:$0x1EE00];
	[tilespmem:$0x1EEF0] =	vst v0;
	v0 =	vsel vm7, $0x3208, v59  }
0x44: {  	v8 =	vimm.s32 $0x1B89;
	v1 =	vsel vm5, $0x403, v1;
	v49 =	vld [tilespmem:$0x1EE10];
	[tilespmem:$0x1EF00] =	vst v0;
	v0 =	vsel vm7, $0x3608, v60  }
0x45: {  	v11 =	vimm.s32 $0x2789;
	v1 =	vsel vm4, $0x404, v1;
	v50 =	vld [tilespmem:$0x1EE20];
	[tilespmem:$0x1EF10] =	vst v0;
	v0 =	vsel vm7, $0x3A08, v61  }
0x46: {  	v14 =	vimm.s32 $0x3389;
	v1 =	vsel vm1, $0x405, v1;
	v51 =	vld [tilespmem:$0x1EE30];
	[tilespmem:$0x1EF20] =	vst v0;
	v0 =	vsel vm7, $0x3E08, v62  }
0x47: {  	v4 =	vsel vm2, $0x406, v1;
	v1 =	vimm.s32 $0xB89;
	v52 =	vld [tilespmem:$0x1EE40];
	[tilespmem:$0x1EF30] =	vst v0;
	v0 =	vsel vm7, $0x304, v63  }
0x48: {  	v32 =	vsel vm3, $0x183, v36;
	v33 =	vsel vm3, $0x583, v37;
	v53 =	vld [tilespmem:$0x1EE50];
	[tilespmem:$0x1EF40] =	vst v0;
	v0 =	vimm.s32 $0x789  }
0x49: {  	v34 =	vsel vm3, $0x983, v38;
	v35 =	vsel vm3, $0xD83, v39;
	v54 =	vld [tilespmem:$0x1EE60];
	v0 =	vsel vm7, $0x704, v0  }
0x4a: {  	v36 =	vsel vm3, $0x1183, v40;
	v37 =	vsel vm3, $0x1583, v41;
	v55 =	vld [tilespmem:$0x1EE70];
	[tilespmem:$0x1EF50] =	vst v0;
	v0 =	vsel vm7, $0xB04, v1  }
0x4b: {  	v38 =	vsel vm3, $0x1983, v42;
	v39 =	vsel vm3, $0x1D83, v43;
	v56 =	vld [tilespmem:$0x1EE80];
	[tilespmem:$0x1EF60] =	vst v0;
	v0 =	vsel vm7, $0xF04, v5  }
0x4c: {  	v40 =	vsel vm3, $0x2183, v44;
	v41 =	vsel vm3, $0x2583, v45;
	v57 =	vld [tilespmem:$0x1EE90];
	[tilespmem:$0x1EF70] =	vst v0;
	v0 =	vimm.s32 $0x1389  }
0x4d: {  	v42 =	vsel vm3, $0x2983, v46;
	v58 =	vld [tilespmem:$0x1EEA0];
	v1 =	vimm.s32 $0x1789;
	v0 =	vsel vm7, $0x1304, v0  }
0x4e: {  	v43 =	vsel vm3, $0x2D83, v47;
	v44 =	vsel vm3, $0x3183, v48;
	v60 =	vld [tilespmem:$0x1EEC0];
	[tilespmem:$0x1EF80] =	vst v0;
	v0 =	vsel vm7, $0x1704, v1  }
0x4f: {  	v45 =	vsel vm3, $0x3583, v49;
	v46 =	vsel vm3, $0x3983, v50;
	v61 =	vld [tilespmem:$0x1EED0];
	[tilespmem:$0x1EF90] =	vst v0;
	v0 =	vsel vm7, $0x1B04, v8  }
0x50: {  	v47 =	vsel vm3, $0x3D83, v51;
	v48 =	vsel vm3, $0x209, v52;
	v59 =	vld [tilespmem:$0x1EEB0];
	[tilespmem:$0x1EFA0] =	vst v0;
	v0 =	vimm.s32 $0x1F89  }
0x51: {  	v49 =	vsel vm3, $0x609, v53;
	v62 =	vld [tilespmem:$0x1EEE0];
	v1 =	vimm.s32 $0x2389;
	v0 =	vsel vm7, $0x1F04, v0  }
0x52: {  	v50 =	vsel vm3, $0xA09, v54;
	v52 =	vsel vm3, $0x1209, v56;
	v63 =	vld [tilespmem:$0x1EEF0];
	[tilespmem:$0x1EFB0] =	vst v0;
	v0 =	vsel vm7, $0x2304, v1  }
0x53: {  	v53 =	vsel vm3, $0x1609, v57;
	v56 =	vsel vm3, $0x2209, v60;
	v60 =	vld [tilespmem:$0x1EF00];
	[tilespmem:$0x1EFC0] =	vst v0;
	v0 =	vsel vm7, $0x2704, v11  }
0x54: {  	v57 =	vsel vm3, $0x2609, v61;
	v61 =	vld [tilespmem:$0x1EF10];
	v5 =	vsel vm3, $0x1401, v10;
	[tilespmem:$0x1EFD0] =	vst v0;
	v0 =	vimm.s32 $0x2B89  }
0x55: {  	v10 =	vsel vm3, $0x2801, v17;
	v17 =	vld [tilespmem:$0x1EC60];
	v1 =	vimm.s32 $0x2F89;
	v0 =	vsel vm7, $0x2B04, v0  }
0x56: {  	v54 =	vsel vm3, $0x1A09, v58;
	v58 =	vsel vm3, $0x2A09, v62;
	v62 =	vld [tilespmem:$0x1EF20];
	[tilespmem:$0x1EFE0] =	vst v0;
	v0 =	vsel vm7, $0x2F04, v1  }
0x57: {  	v8 =	vsel vm3, $0x2001, v15;
	v15 =	vsel vm3, $0x3C01, v22;
	v22 =	vld [tilespmem:$0x1ECB0];
	[tilespmem:$0x1EFF0] =	vst v0;
	v0 =	vsel vm7, $0x3304, v14  }
0x58: {  	v11 =	vsel vm3, $0x2C01, v18;
	v18 =	vld [tilespmem:$0x1EC70];
	v1 =	vimm.s32 $0x3B89;
	[tilespmem:$0x1F000] =	vst v0;
	v0 =	vimm.s32 $0x3789  }
0x59: {  	v14 =	vsel vm3, $0x3801, v21;
	v21 =	vld [tilespmem:$0x1ECA0];
	v2 =	vsel vm7, $0x3704, v0;
	v0 =	vsel vm7, $0x3B04, v1  }
0x5a: {  	[tilespmem:$0x1F010] =	vst v0;
	v0 =	vsel vm15, $0x407, v4;
	v4 =	vsel vm3, $0x1001, v9;
	v9 =	vsel vm3, $0x2401, v16;
	v16 =	vld [tilespmem:$0x1EC50]  }
0x5b: {  	[tilespmem:$0x1F0F0] =	vst v0;
	v0 =	vsel vm3, $0x801, v6;
	v6 =	vsel vm3, $0x1801, v12;
	v12 =	vsel vm3, $0x3001, v19;
	v19 =	vld [tilespmem:$0x1EC80]  }
0x5c: {  	v51 =	vsel vm3, $0xE09, v55;
	v55 =	vsel vm3, $0x1E09, v59;
	v59 =	vsel vm3, $0x2E09, v63;
	v63 =	vld [tilespmem:$0x1EF30]  }
0x5d: {  	v1 =	vld [tilespmem:$0x1EF40];
	_ =	sdelay $0x4  }
0x5e: {  	v0 =	vsel vm6, $0x802, v0;
	v1 =	vsel vm3, $0x305, v1  }
0x5f: {  	v0 =	vsel vm5, $0x803, v0;
	[tilespmem:$0x1F020] =	vst v1;
	v1 =	vld [tilespmem:$0x1EF50]  }
0x60: {  	[tilespmem:$0x1F100] =	vst v0;
	v0 =	vld [tilespmem:$0x1F020];
	_ =	sdelay $0x3  }
0x61: {  	v1 =	vsel vm3, $0x705, v1  }
0x62: {  	[tilespmem:$0x1F030] =	vst v1;
	v1 =	vld [tilespmem:$0x1EF60];
	v0 =	vsel vm6, $0x306, v0  }
0x63: {  	[tilespmem:$0x1F110] =	vst v0;
	v0 =	vld [tilespmem:$0x1F030];
	_ =	sdelay $0x3  }
0x64: {  	v1 =	vsel vm3, $0xB05, v1  }
0x65: {  	[tilespmem:$0x1F040] =	vst v1;
	v1 =	vld [tilespmem:$0x1EF70];
	v0 =	vsel vm6, $0x706, v0  }
0x66: {  	[tilespmem:$0x1F120] =	vst v0;
	v0 =	vld [tilespmem:$0x1F040];
	_ =	sdelay $0x3  }
0x67: {  	v1 =	vsel vm3, $0xF05, v1  }
0x68: {  	[tilespmem:$0x1F050] =	vst v1;
	v1 =	vld [tilespmem:$0x1EF80];
	v0 =	vsel vm6, $0xB06, v0  }
0x69: {  	[tilespmem:$0x1F130] =	vst v0;
	v0 =	vld [tilespmem:$0x1F050];
	_ =	sdelay $0x3  }
0x6a: {  	v1 =	vsel vm3, $0x1305, v1  }
0x6b: {  	[tilespmem:$0x1F060] =	vst v1;
	v1 =	vld [tilespmem:$0x1EF90];
	v0 =	vsel vm6, $0xF06, v0  }
0x6c: {  	[tilespmem:$0x1F140] =	vst v0;
	v0 =	vld [tilespmem:$0x1F060];
	_ =	sdelay $0x3  }
0x6d: {  	v1 =	vsel vm3, $0x1705, v1  }
0x6e: {  	[tilespmem:$0x1F070] =	vst v1;
	v1 =	vld [tilespmem:$0x1EFA0];
	v0 =	vsel vm6, $0x1306, v0  }
0x6f: {  	[tilespmem:$0x1F150] =	vst v0;
	v0 =	vld [tilespmem:$0x1F070];
	_ =	sdelay $0x3  }
0x70: {  	v1 =	vsel vm3, $0x1B05, v1  }
0x71: {  	[tilespmem:$0x1F080] =	vst v1;
	v1 =	vld [tilespmem:$0x1EFB0];
	v0 =	vsel vm6, $0x1706, v0  }
0x72: {  	[tilespmem:$0x1F160] =	vst v0;
	v0 =	vld [tilespmem:$0x1F080];
	_ =	sdelay $0x3  }
0x73: {  	v1 =	vsel vm3, $0x1F05, v1  }
0x74: {  	[tilespmem:$0x1F090] =	vst v1;
	v1 =	vld [tilespmem:$0x1EFC0];
	v0 =	vsel vm6, $0x1B06, v0  }
0x75: {  	[tilespmem:$0x1F170] =	vst v0;
	v0 =	vld [tilespmem:$0x1F090];
	_ =	sdelay $0x3  }
0x76: {  	v1 =	vsel vm3, $0x2305, v1  }
0x77: {  	[tilespmem:$0x1F0A0] =	vst v1;
	v1 =	vld [tilespmem:$0x1EFD0];
	v0 =	vsel vm6, $0x1F06, v0  }
0x78: {  	[tilespmem:$0x1F180] =	vst v0;
	v0 =	vld [tilespmem:$0x1F0A0];
	_ =	sdelay $0x3  }
0x79: {  	vm9 =	vcmask $0x2320;
	v1 =	vsel vm3, $0x2705, v1  }
0x7a: {  	vm10 =	vcmask $0x2724;
	v3 =	vsel vm6, $0xC02, v3;
	[tilespmem:$0x1F0B0] =	vst v1;
	v1 =	vld [tilespmem:$0x1EFE0];
	v0 =	vsel vm6, $0x2306, v0  }
0x7b: {  	v7 =	vsel vm6, $0x1C02, v7;
	v13 =	vsel vm6, $0x3402, v13;
	v20 =	vsel vm3, $0x1487, v20;
	[tilespmem:$0x1F190] =	vst v0;
	v0 =	vld [tilespmem:$0x1F0B0]  }
0x7c: {  	v3 =	vsel vm5, $0xC03, v3;
	v7 =	vsel vm5, $0x1C03, v7;
	v20 =	vsel vm6, $0x1488, v20  }
0x7d: {  	v13 =	vsel vm5, $0x3403, v13;
	v24 =	vsel vm3, $0x2087, v24;
	v20 =	vsel vm5, $0x1489, v20  }
0x7e: {  	v25 =	vsel vm3, $0x2487, v25;
	v24 =	vsel vm6, $0x2088, v24;
	v26 =	vsel vm3, $0x2887, v26  }
0x7f: {  	v25 =	vsel vm6, $0x2488, v25;
	v24 =	vsel vm5, $0x2089, v24;
	v1 =	vsel vm3, $0x2B05, v1  }
0x80: {  	v27 =	vsel vm3, $0x2C87, v27;
	v26 =	vsel vm6, $0x2888, v26;
	[tilespmem:$0x1F0C0] =	vst v1;
	v1 =	vld [tilespmem:$0x1EFF0];
	v0 =	vsel vm6, $0x2706, v0  }
0x81: {  	v25 =	vsel vm5, $0x2489, v25;
	v28 =	vsel vm3, $0x3087, v28;
	v27 =	vsel vm6, $0x2C88, v27;
	[tilespmem:$0x1F1A0] =	vst v0;
	v0 =	vld [tilespmem:$0x1F0C0]  }
0x82: {  	v26 =	vsel vm5, $0x2889, v26;
	v29 =	vsel vm3, $0x3487, v29;
	v30 =	vsel vm3, $0x3887, v30  }
0x83: {  	v28 =	vsel vm6, $0x3088, v28;
	v31 =	vsel vm3, $0x3C87, v31;
	v30 =	vsel vm6, $0x3888, v30  }
0x84: {  	v31 =	vsel vm6, $0x3C88, v31;
	v30 =	vsel vm5, $0x3889, v30;
	v32 =	vsel vm6, $0x184, v32  }
0x85: {  	v33 =	vsel vm6, $0x584, v33;
	v34 =	vsel vm6, $0x984, v34;
	v1 =	vsel vm3, $0x2F05, v1  }
0x86: {  	v35 =	vsel vm6, $0xD84, v35;
	v36 =	vsel vm6, $0x1184, v36;
	[tilespmem:$0x1F0D0] =	vst v1;
	v1 =	vld [tilespmem:$0x1F000];
	v0 =	vsel vm6, $0x2B06, v0  }
0x87: {  	v37 =	vsel vm6, $0x1584, v37;
	v38 =	vsel vm6, $0x1984, v38;
	v39 =	vsel vm6, $0x1D84, v39;
	[tilespmem:$0x1F1B0] =	vst v0;
	v0 =	vld [tilespmem:$0x1F0D0]  }
0x88: {  	v40 =	vsel vm6, $0x2184, v40;
	v41 =	vsel vm6, $0x2584, v41;
	v42 =	vsel vm6, $0x2984, v42  }
0x89: {  	v43 =	vsel vm6, $0x2D84, v43;
	v44 =	vsel vm6, $0x3184, v44;
	v45 =	vsel vm6, $0x3584, v45  }
0x8a: {  	v46 =	vsel vm6, $0x3984, v46;
	v47 =	vsel vm6, $0x3D84, v47;
	v48 =	vsel vm6, $0x280, v48  }
0x8b: {  	v49 =	vsel vm6, $0x680, v49;
	v50 =	vsel vm6, $0xA80, v50;
	v1 =	vsel vm3, $0x3305, v1  }
0x8c: {  	v51 =	vsel vm6, $0xE80, v51;
	v52 =	vsel vm6, $0x1280, v52;
	[tilespmem:$0x1F0E0] =	vst v1;
	v0 =	vsel vm6, $0x2F06, v0  }
0x8d: {  	v53 =	vsel vm6, $0x1680, v53;
	v54 =	vsel vm6, $0x1A80, v54;
	v55 =	vsel vm6, $0x1E80, v55;
	[tilespmem:$0x1F1C0] =	vst v0;
	v0 =	vld [tilespmem:$0x1F0E0]  }
0x8e: {  	v56 =	vsel vm6, $0x2280, v56;
	v57 =	vsel vm6, $0x2680, v57;
	v5 =	vsel vm6, $0x1402, v5  }
0x8f: {  	v10 =	vsel vm6, $0x2802, v10;
	v58 =	vsel vm6, $0x2A80, v58;
	v59 =	vsel vm6, $0x2E80, v59  }
0x90: {  	v5 =	vsel vm5, $0x1403, v5;
	v10 =	vsel vm5, $0x2803, v10;
	v60 =	vsel vm3, $0x3209, v60  }
0x91: {  	v61 =	vsel vm3, $0x3609, v61;
	v60 =	vsel vm6, $0x3280, v60;
	v17 =	vsel vm3, $0x887, v17  }
0x92: {  	v62 =	vsel vm3, $0x3A09, v62;
	v8 =	vsel vm6, $0x2002, v8;
	[tilespmem:$0x1F210] =	vst v30;
	v0 =	vsel vm6, $0x3306, v0  }
0x93: {  	v15 =	vsel vm6, $0x3C02, v15;
	v30 =	vsel vm5, $0x3C89, v31;
	[tilespmem:$0x1F1D0] =	vst v0;
	v0 =	vimm.s32 $0x54321098  }
0x94: {  	v61 =	vsel vm6, $0x3680, v61;
	[tilespmem:$0x1F220] =	vst v30;
	v30 =	vsel vm5, $0x185, v32;
	v0 =	vunpack.c.l.s4.s8 v0  }
0x95: {  	v17 =	vsel vm6, $0x888, v17;
	v62 =	vsel vm6, $0x3A80, v62;
	[tilespmem:$0x1F230] =	vst v30;
	v63 =	vsel vm3, $0x3E09, v63  }
0x96: {  	v8 =	vsel vm5, $0x2003, v8;
	v30 =	vsel vm5, $0x585, v33;
	v63 =	vsel vm6, $0x3E80, v63;
	[tilespmem:$0x1F1E0] =	vst v0;
	v0 =	vld [tilespmem:$0x1F0F0]  }
0x97: {  	v15 =	vsel vm5, $0x3C03, v15;
	v22 =	vsel vm3, $0x1C87, v22;
	[tilespmem:$0x1F240] =	vst v30;
	v30 =	vsel vm5, $0x3E81, v63  }
0x98: {  	v17 =	vsel vm5, $0x889, v17;
	v11 =	vsel vm6, $0x2C02, v11;
	v22 =	vsel vm6, $0x1C88, v22;
	[tilespmem:$0x1F250] =	vst v30;
	v30 =	vld [tilespmem:$0x1F110]  }
0x99: {  	v11 =	vsel vm5, $0x2C03, v11;
	v18 =	vsel vm3, $0xC87, v18;
	v14 =	vsel vm6, $0x3802, v14  }
0x9a: {  	v22 =	vsel vm5, $0x1C89, v22;
	v18 =	vsel vm6, $0xC88, v18;
	v14 =	vsel vm5, $0x3803, v14  }
0x9b: {  	v18 =	vsel vm5, $0xC89, v18;
	v4 =	vsel vm6, $0x1002, v4;
	v1 =	vld [tilespmem:$0x1F010];
	v0 =	vsel vm9, $0x408, v0  }
0x9c: {  	v9 =	vsel vm6, $0x2402, v9;
	v21 =	vsel vm3, $0x1887, v21;
	v6 =	vsel vm6, $0x1802, v6;
	[tilespmem:$0x1F1F0] =	vst v0;
	v0 =	vld [tilespmem:$0x1F100]  }
0x9d: {  	v12 =	vsel vm6, $0x3002, v12;
	v4 =	vsel vm5, $0x1003, v4;
	v30 =	vsel vm5, $0x307, v30  }
0x9e: {  	v9 =	vsel vm5, $0x2403, v9;
	v21 =	vsel vm6, $0x1888, v21;
	v6 =	vsel vm5, $0x1803, v6;
	[tilespmem:$0x1F260] =	vst v30;
	v30 =	vld [tilespmem:$0x1F120]  }
0x9f: {  	v12 =	vsel vm5, $0x3003, v12;
	v32 =	vsel vm5, $0x985, v34;
	v34 =	vsel vm5, $0x1185, v36  }
0xa0: {  	v36 =	vsel vm5, $0x1985, v38;
	v38 =	vsel vm5, $0x2185, v40;
	v1 =	vsel vm3, $0x3B05, v1  }
0xa1: {  	v40 =	vsel vm5, $0x2985, v42;
	v1 =	vsel vm6, $0x3B06, v1;
	v0 =	vsel vm4, $0x804, v0  }
0xa2: {  	v42 =	vsel vm5, $0x3185, v44;
	v1 =	vsel vm5, $0x3B07, v1;
	v0 =	vsel vm1, $0x805, v0  }
0xa3: {  	v44 =	vsel vm5, $0x3985, v46;
	v63 =	vsel vm5, $0x707, v30;
	v30 =	vld [tilespmem:$0x1F130];
	[tilespmem:$0x1F2F0] =	vst v1;
	v0 =	vsel vm2, $0x806, v0  }
0xa4: {  	v46 =	vsel vm5, $0x281, v48;
	v48 =	vsel vm5, $0xA81, v50;
	v1 =	vld [tilespmem:$0x1F1E0];
	[tilespmem:$0x1F340] =	vst v0;
	v0 =	vsel vm4, $0xC04, v3  }
0xa5: {  	v50 =	vsel vm5, $0x1281, v52;
	v3 =	vsel vm4, $0x1004, v4;
	v0 =	vsel vm1, $0xC05, v0  }
0xa6: {  	v4 =	vsel vm4, $0x1404, v5;
	v3 =	vsel vm1, $0x1005, v3;
	v0 =	vsel vm2, $0xC06, v0  }
0xa7: {  	v21 =	vsel vm5, $0x1889, v21;
	v4 =	vsel vm1, $0x1405, v4;
	[tilespmem:$0x1F350] =	vst v0;
	v0 =	vsel vm2, $0x1006, v3  }
0xa8: {  	v33 =	vsel vm5, $0xD85, v35;
	v30 =	vsel vm5, $0xB07, v30;
	[tilespmem:$0x1F360] =	vst v0;
	v0 =	vsel vm2, $0x1406, v4  }
0xa9: {  	v1 =	vunpack.c.0.s8.s32 v1;
	v4 =	vsel vm4, $0x2004, v8;
	[tilespmem:$0x1F370] =	vst v0;
	v0 =	vsel vm4, $0x1804, v6  }
0xaa: {  	v3 =	vsel vm4, $0x1C04, v7;
	v4 =	vsel vm1, $0x2005, v4;
	v0 =	vsel vm1, $0x1805, v0  }
0xab: {  	[tilespmem:$0x1FDA0] =	vst v1;
	v1 =	vld [tilespmem:$0x1F1F0];
	v3 =	vsel vm1, $0x1C05, v3;
	v6 =	vsel vm2, $0x1806, v0;
	v0 =	vsel vm2, $0x2006, v4  }
0xac: {  	v7 =	vsel vm2, $0x1C06, v3;
	v3 =	vsel vm4, $0x2804, v10;
	[tilespmem:$0x1F380] =	vst v0;
	v0 =	vsel vm4, $0x2404, v9  }
0xad: {  	v3 =	vsel vm1, $0x2805, v3;
	v4 =	vsel vm4, $0x2C04, v11;
	v0 =	vsel vm1, $0x2405, v0  }
0xae: {  	[tilespmem:$0x1F270] =	vst v30;
	v4 =	vsel vm1, $0x2C05, v4;
	v10 =	vsel vm2, $0x2406, v0;
	v0 =	vsel vm2, $0x2806, v3  }
0xaf: {  	v35 =	vsel vm5, $0x1585, v37;
	v37 =	vsel vm5, $0x1D85, v39;
	[tilespmem:$0x1F390] =	vst v0;
	v0 =	vsel vm2, $0x2C06, v4  }
0xb0: {  	v39 =	vsel vm5, $0x2585, v41;
	v30 =	vld [tilespmem:$0x1F140];
	v1 =	vsel vm10, $0x409, v1;
	[tilespmem:$0x1F3A0] =	vst v0;
	v0 =	vsel vm4, $0x3004, v12  }
0xb1: {  	v41 =	vsel vm5, $0x2D85, v43;
	[tilespmem:$0x1F330] =	vst v1;
	v1 =	vld [tilespmem:$0x1F200];
	v3 =	vsel vm4, $0x3404, v13;
	v0 =	vsel vm1, $0x3005, v0  }
0xb2: {  	v4 =	vsel vm4, $0x3804, v14;
	v3 =	vsel vm1, $0x3405, v3;
	v0 =	vsel vm2, $0x3006, v0  }
0xb3: {  	v16 =	vsel vm3, $0x487, v16;
	v4 =	vsel vm1, $0x3805, v4;
	[tilespmem:$0x1F3B0] =	vst v0;
	v0 =	vsel vm2, $0x3406, v3  }
0xb4: {  	v43 =	vsel vm5, $0x3585, v45;
	v16 =	vsel vm6, $0x488, v16;
	[tilespmem:$0x1F3C0] =	vst v0;
	v0 =	vsel vm2, $0x3806, v4  }
0xb5: {  	v45 =	vsel vm5, $0x3D85, v47;
	v16 =	vsel vm5, $0x489, v16;
	[tilespmem:$0x1F3D0] =	vst v0;
	v0 =	vsel vm4, $0x3C04, v15  }
0xb6: {  	v30 =	vsel vm5, $0xF07, v30;
	v3 =	vsel vm4, $0x100, v1;
	v0 =	vsel vm1, $0x3C05, v0  }
0xb7: {  	[tilespmem:$0x1F280] =	vst v30;
	v4 =	vsel vm4, $0x500, v16;
	v3 =	vsel vm1, $0x101, v3;
	v0 =	vsel vm2, $0x3C06, v0  }
0xb8: {  	v47 =	vsel vm5, $0x681, v49;
	v4 =	vsel vm1, $0x501, v4;
	[tilespmem:$0x1F3E0] =	vst v0;
	v0 =	vsel vm2, $0x102, v3  }
0xb9: {  	v49 =	vsel vm5, $0xE81, v51;
	v19 =	vsel vm3, $0x1087, v19;
	[tilespmem:$0x1F3F0] =	vst v0;
	v0 =	vsel vm2, $0x502, v4  }
0xba: {  	v51 =	vsel vm5, $0x1681, v53;
	v19 =	vsel vm6, $0x1088, v19;
	v30 =	vld [tilespmem:$0x1F150];
	[tilespmem:$0x1F400] =	vst v0;
	v0 =	vsel vm4, $0x900, v17  }
0xbb: {  	v19 =	vsel vm5, $0x1089, v19;
	v3 =	vsel vm4, $0xD00, v18;
	v0 =	vsel vm1, $0x901, v0  }
0xbc: {  	v4 =	vsel vm4, $0x1100, v19;
	v3 =	vsel vm1, $0xD01, v3;
	v0 =	vsel vm2, $0x902, v0  }
0xbd: {  	v53 =	vsel vm5, $0x1E81, v55;
	v4 =	vsel vm1, $0x1101, v4;
	[tilespmem:$0x1F410] =	vst v0;
	v0 =	vsel vm2, $0xD02, v3  }
0xbe: {  	v55 =	vsel vm5, $0x2681, v57;
	v57 =	vsel vm5, $0x2E81, v59;
	[tilespmem:$0x1F420] =	vst v0;
	v0 =	vsel vm2, $0x1102, v4  }
0xbf: {  	v59 =	vsel vm5, $0x3681, v61;
	v61 =	vsel vm5, $0x1307, v30;
	v30 =	vld [tilespmem:$0x1F160];
	[tilespmem:$0x1F430] =	vst v0;
	v0 =	vsel vm4, $0x1500, v20  }
0xc0: {  	v52 =	vsel vm5, $0x1A81, v54;
	v3 =	vsel vm4, $0x1900, v21;
	v0 =	vsel vm1, $0x1501, v0  }
0xc1: {  	v4 =	vsel vm4, $0x1D00, v22;
	v3 =	vsel vm1, $0x1901, v3;
	v0 =	vsel vm2, $0x1502, v0  }
0xc2: {  	v54 =	vsel vm5, $0x2281, v56;
	v4 =	vsel vm1, $0x1D01, v4;
	[tilespmem:$0x1F440] =	vst v0;
	v0 =	vsel vm2, $0x1902, v3  }
0xc3: {  	v56 =	vsel vm5, $0x2A81, v58;
	v58 =	vsel vm5, $0x3281, v60;
	[tilespmem:$0x1F450] =	vst v0;
	v0 =	vsel vm2, $0x1D02, v4  }
0xc4: {  	v60 =	vsel vm5, $0x3A81, v62;
	v62 =	vsel vm5, $0x1707, v30;
	v30 =	vld [tilespmem:$0x1F170];
	[tilespmem:$0x1F460] =	vst v0;
	v0 =	vsel vm4, $0x2100, v24  }
0xc5: {  	v27 =	vsel vm5, $0x2C89, v27;
	v3 =	vsel vm4, $0x2500, v25;
	v0 =	vsel vm1, $0x2101, v0  }
0xc6: {  	v1 =	vld [tilespmem:$0x1F220];
	v4 =	vsel vm4, $0x2900, v26;
	v3 =	vsel vm1, $0x2501, v3;
	v0 =	vsel vm2, $0x2102, v0  }
0xc7: {  	v29 =	vsel vm6, $0x3488, v29;
	v5 =	vsel vm1, $0x2901, v4;
	[tilespmem:$0x1F470] =	vst v0;
	v0 =	vsel vm2, $0x2502, v3  }
0xc8: {  	v28 =	vsel vm5, $0x3089, v28;
	v29 =	vsel vm5, $0x3489, v29;
	[tilespmem:$0x1F480] =	vst v0;
	v0 =	vsel vm2, $0x2902, v5  }
0xc9: {  	v30 =	vsel vm5, $0x1B07, v30;
	v3 =	vsel vm4, $0x3100, v28;
	[tilespmem:$0x1F490] =	vst v0;
	v0 =	vsel vm4, $0x2D00, v27  }
0xca: {  	[tilespmem:$0x1F290] =	vst v30;
	v30 =	vld [tilespmem:$0x1F180];
	v8 =	vsel vm4, $0x3500, v29;
	v3 =	vsel vm1, $0x3101, v3;
	v0 =	vsel vm1, $0x2D01, v0  }
0xcb: {  	v29 =	vsel vm2, $0x2D02, v0;
	v0 =	vsel vm2, $0x3102, v3;
	v3 =	vsel vm4, $0x3D00, v1;
	v1 =	vld [tilespmem:$0x1F230];
	_ =	sdelay $0x3  }
0xcc: {  	v31 =	vsel vm5, $0x1F07, v30;
	v30 =	vld [tilespmem:$0x1F190]  }
0xcd: {  	v11 =	vsel vm4, $0x186, v1;
	v1 =	vld [tilespmem:$0x1F240];
	_ =	sdelay $0x4  }
0xce: {  	v30 =	vsel vm5, $0x2307, v30;
	v12 =	vsel vm4, $0x586, v1;
	v1 =	vld [tilespmem:$0x1F250]  }
0xcf: {  	[tilespmem:$0x1F2A0] =	vst v30;
	v30 =	vld [tilespmem:$0x1F1A0];
	_ =	sdelay $0x3  }
0xd0: {  	v28 =	vsel vm4, $0x282, v46;
	v46 =	vsel vm4, $0x3E82, v1;
	v1 =	vld [tilespmem:$0x1F260]  }
0xd1: {  	v30 =	vsel vm5, $0x2707, v30  }
0xd2: {  	[tilespmem:$0x1F2B0] =	vst v30;
	v30 =	vld [tilespmem:$0x1F1B0];
	_ =	sdelay $0x2  }
0xd3: {  	v13 =	vsel vm4, $0x986, v32;
	v32 =	vsel vm4, $0x682, v47;
	v47 =	vsel vm4, $0x308, v1;
	v1 =	vld [tilespmem:$0x1F270];
	_ =	sdelay $0x1  }
0xd4: {  	v30 =	vsel vm5, $0x2B07, v30  }
0xd5: {  	[tilespmem:$0x1F2C0] =	vst v30;
	v30 =	vld [tilespmem:$0x1F1C0];
	_ =	sdelay $0x1  }
0xd6: {  	v15 =	vsel vm4, $0x1186, v34;
	v34 =	vsel vm4, $0xE82, v49;
	v49 =	vsel vm4, $0xB08, v1;
	v1 =	vld [tilespmem:$0x1F280];
	_ =	sdelay $0x2  }
0xd7: {  	v30 =	vsel vm5, $0x2F07, v30  }
0xd8: {  	[tilespmem:$0x1F2D0] =	vst v30;
	v30 =	vld [tilespmem:$0x1F1D0]  }
0xd9: {  	v16 =	vsel vm4, $0x1586, v35;
	v35 =	vsel vm4, $0x1282, v50;
	v50 =	vsel vm4, $0xF08, v1;
	v1 =	vld [tilespmem:$0x1F290];
	_ =	sdelay $0x3  }
0xda: {  	v30 =	vsel vm5, $0x3307, v30  }
0xdb: {  	[tilespmem:$0x1F2E0] =	vst v30;
	v30 =	vsel vm4, $0x1B08, v1;
	v1 =	vld [tilespmem:$0x1F2A0];
	_ =	sdelay $0x4  }
0xdc: {  	v19 =	vsel vm4, $0x2186, v38;
	v38 =	vsel vm4, $0x1E82, v53;
	v53 =	vsel vm4, $0x2308, v1;
	v1 =	vld [tilespmem:$0x1F2B0];
	_ =	sdelay $0x4  }
0xdd: {  	v20 =	vsel vm4, $0x2586, v39;
	v39 =	vsel vm4, $0x2282, v54;
	v54 =	vsel vm4, $0x2708, v1;
	v1 =	vld [tilespmem:$0x1F2C0];
	_ =	sdelay $0x4  }
0xde: {  	v21 =	vsel vm4, $0x2986, v40;
	v40 =	vsel vm4, $0x2682, v55;
	v55 =	vsel vm4, $0x2B08, v1;
	v1 =	vld [tilespmem:$0x1F2D0];
	_ =	sdelay $0x4  }
0xdf: {  	v22 =	vsel vm4, $0x2D86, v41;
	v41 =	vsel vm4, $0x2A82, v56;
	v56 =	vsel vm4, $0x2F08, v1;
	v1 =	vld [tilespmem:$0x1F2E0];
	_ =	sdelay $0x1  }
0xe0: {  	v9 =	vsel vm1, $0x3501, v8  }
0xe1: {  	[tilespmem:$0x1F4A0] =	vst v0;
	v0 =	vsel vm2, $0x3502, v9  }
0xe2: {  	v2 =	vsel vm3, $0x3705, v2;
	[tilespmem:$0x1F4B0] =	vst v0;
	v0 =	vld [tilespmem:$0x1F210]  }
0xe3: {  	v24 =	vsel vm4, $0x3186, v42;
	v42 =	vsel vm4, $0x2E82, v57;
	v57 =	vsel vm4, $0x3308, v1;
	v1 =	vld [tilespmem:$0x1F2F0]  }
0xe4: {  	v2 =	vsel vm6, $0x3706, v2  }
0xe5: {  	v2 =	vsel vm5, $0x3707, v2  }
0xe6: {  	v25 =	vsel vm4, $0x3586, v43;
	v43 =	vsel vm4, $0x3282, v58;
	v58 =	vsel vm4, $0x3708, v2  }
0xe7: {  	v26 =	vsel vm4, $0x3986, v44;
	v44 =	vsel vm4, $0x3682, v59;
	v0 =	vsel vm4, $0x3900, v0  }
0xe8: {  	v0 =	vsel vm1, $0x3901, v0;
	v59 =	vsel vm4, $0x3B08, v1;
	v1 =	vimm.s32 $0x98765432  }
0xe9: {  	v2 =	vsel vm1, $0x3D01, v3;
	v0 =	vsel vm2, $0x3902, v0;
	v3 =	vunpack.c.l.s4.s8 v1  }
0xea: {  	[tilespmem:$0x1F4C0] =	vst v0;
	v0 =	vsel vm2, $0x3D02, v2;
	v2 =	vsel vm1, $0x187, v11  }
0xeb: {  	[tilespmem:$0x1F4D0] =	vst v0;
	v1 =	vsel vm2, $0x188, v2;
	v0 =	vunpack.c.0.s8.s32 v3;
	v3 =	vsel vm1, $0x587, v12  }
0xec: {  	v14 =	vsel vm4, $0xD86, v33;
	v11 =	vsel vm1, $0x987, v13;
	[tilespmem:$0x1F4E0] =	vst v1;
	v1 =	vsel vm2, $0x588, v3  }
0xed: {  	v12 =	vsel vm1, $0xD87, v14;
	[tilespmem:$0x1F4F0] =	vst v1;
	v1 =	vsel vm2, $0x988, v11  }
0xee: {  	v13 =	vsel vm1, $0x1187, v15;
	[tilespmem:$0x1F500] =	vst v1;
	v1 =	vsel vm2, $0xD88, v12  }
0xef: {  	v17 =	vsel vm4, $0x1986, v36;
	v14 =	vsel vm1, $0x1587, v16;
	[tilespmem:$0x1F510] =	vst v1;
	v1 =	vsel vm2, $0x1188, v13  }
0xf0: {  	v18 =	vsel vm4, $0x1D86, v37;
	v15 =	vsel vm1, $0x1987, v17;
	[tilespmem:$0x1F520] =	vst v1;
	v1 =	vsel vm2, $0x1588, v14  }
0xf1: {  	v16 =	vsel vm1, $0x1D87, v18;
	[tilespmem:$0x1F530] =	vst v1;
	v1 =	vsel vm2, $0x1988, v15  }
0xf2: {  	v17 =	vsel vm1, $0x2187, v19;
	[tilespmem:$0x1F540] =	vst v1;
	v1 =	vsel vm2, $0x1D88, v16  }
0xf3: {  	v18 =	vsel vm1, $0x2587, v20;
	[tilespmem:$0x1F550] =	vst v1;
	v1 =	vsel vm2, $0x2188, v17  }
0xf4: {  	v19 =	vsel vm1, $0x2987, v21;
	[tilespmem:$0x1F560] =	vst v1;
	v1 =	vsel vm2, $0x2588, v18  }
0xf5: {  	v20 =	vsel vm1, $0x2D87, v22;
	[tilespmem:$0x1F570] =	vst v1;
	v1 =	vsel vm2, $0x2988, v19  }
0xf6: {  	v21 =	vsel vm1, $0x3187, v24;
	[tilespmem:$0x1F580] =	vst v1;
	v1 =	vsel vm2, $0x2D88, v20  }
0xf7: {  	v22 =	vsel vm1, $0x3587, v25;
	[tilespmem:$0x1F590] =	vst v1;
	v1 =	vsel vm2, $0x3188, v21  }
0xf8: {  	v27 =	vsel vm4, $0x3D86, v45;
	v24 =	vsel vm1, $0x3987, v26;
	[tilespmem:$0x1F5A0] =	vst v1;
	v1 =	vsel vm2, $0x3588, v22  }
0xf9: {  	v25 =	vsel vm1, $0x3D87, v27;
	[tilespmem:$0x1F5B0] =	vst v1;
	v1 =	vsel vm2, $0x3988, v24  }
0xfa: {  	v33 =	vsel vm4, $0xA82, v48;
	v26 =	vsel vm1, $0x283, v28;
	[tilespmem:$0x1F5C0] =	vst v1;
	v1 =	vsel vm2, $0x3D88, v25  }
0xfb: {  	v37 =	vsel vm4, $0x1A82, v52;
	v27 =	vsel vm1, $0x683, v32;
	[tilespmem:$0x1F5D0] =	vst v1;
	v1 =	vsel vm2, $0x284, v26  }
0xfc: {  	v36 =	vsel vm4, $0x1682, v51;
	v28 =	vsel vm1, $0xA83, v33;
	[tilespmem:$0x1F5E0] =	vst v1;
	v1 =	vsel vm2, $0x684, v27  }
0xfd: {  	v45 =	vsel vm4, $0x3A82, v60;
	v60 =	vsel vm1, $0xE83, v34;
	[tilespmem:$0x1F5F0] =	vst v1;
	v1 =	vsel vm2, $0xA84, v28  }
0xfe: {  	v51 =	vsel vm4, $0x1308, v61;
	v61 =	vsel vm1, $0x1283, v35;
	[tilespmem:$0x1F600] =	vst v1;
	v1 =	vsel vm2, $0xE84, v60  }
0xff: {  	v52 =	vsel vm4, $0x1708, v62;
	v62 =	vsel vm1, $0x1683, v36;
	[tilespmem:$0x1F610] =	vst v1;
	v1 =	vsel vm2, $0x1284, v61  }
0x100: {  	v48 =	vsel vm4, $0x708, v63;
	v63 =	vsel vm1, $0x1A83, v37;
	[tilespmem:$0x1F620] =	vst v1;
	v1 =	vsel vm2, $0x1684, v62  }
0x101: {  	v32 =	vsel vm1, $0x1E83, v38;
	[tilespmem:$0x1F630] =	vst v1;
	v1 =	vsel vm2, $0x1A84, v63  }
0x102: {  	v33 =	vsel vm1, $0x2283, v39;
	[tilespmem:$0x1F640] =	vst v1;
	v1 =	vsel vm2, $0x1E84, v32  }
0x103: {  	v34 =	vsel vm1, $0x2683, v40;
	[tilespmem:$0x1F650] =	vst v1;
	v1 =	vsel vm2, $0x2284, v33  }
0x104: {  	v35 =	vsel vm1, $0x2A83, v41;
	[tilespmem:$0x1F660] =	vst v1;
	v1 =	vsel vm2, $0x2684, v34  }
0x105: {  	v36 =	vsel vm1, $0x2E83, v42;
	[tilespmem:$0x1F670] =	vst v1;
	v1 =	vsel vm2, $0x2A84, v35  }
0x106: {  	v37 =	vsel vm1, $0x3283, v43;
	[tilespmem:$0x1F680] =	vst v1;
	v1 =	vsel vm2, $0x2E84, v36  }
0x107: {  	v38 =	vsel vm1, $0x3683, v44;
	[tilespmem:$0x1F690] =	vst v1;
	v1 =	vsel vm2, $0x3284, v37  }
0x108: {  	v39 =	vsel vm1, $0x3A83, v45;
	[tilespmem:$0x1F6A0] =	vst v1;
	v1 =	vsel vm2, $0x3684, v38  }
0x109: {  	v40 =	vsel vm1, $0x3E83, v46;
	[tilespmem:$0x1F6B0] =	vst v1;
	v1 =	vsel vm2, $0x3A84, v39  }
0x10a: {  	v41 =	vsel vm1, $0x309, v47;
	[tilespmem:$0x1F6C0] =	vst v1;
	v1 =	vsel vm2, $0x3E84, v40  }
0x10b: {  	v42 =	vsel vm1, $0x709, v48;
	[tilespmem:$0x1F6D0] =	vst v1;
	v1 =	vsel vm2, $0x380, v41  }
0x10c: {  	v43 =	vsel vm1, $0xB09, v49;
	[tilespmem:$0x1F6E0] =	vst v1;
	v1 =	vsel vm2, $0x780, v42  }
0x10d: {  	v46 =	vsel vm1, $0xF09, v50;
	[tilespmem:$0x1F6F0] =	vst v1;
	v1 =	vsel vm2, $0xB80, v43  }
0x10e: {  	v47 =	vsel vm1, $0x1309, v51;
	[tilespmem:$0x1F700] =	vst v1;
	v1 =	vsel vm2, $0xF80, v46  }
0x10f: {  	v60 =	vsel vm1, $0x1709, v52;
	[tilespmem:$0x1F710] =	vst v1;
	v1 =	vsel vm2, $0x1380, v47  }
0x110: {  	v31 =	vsel vm4, $0x1F08, v31;
	v30 =	vsel vm1, $0x1B09, v30;
	[tilespmem:$0x1F720] =	vst v1;
	v1 =	vsel vm2, $0x1780, v60  }
0x111: {  	v31 =	vsel vm1, $0x1F09, v31;
	[tilespmem:$0x1F730] =	vst v1;
	v1 =	vsel vm2, $0x1B80, v30  }
0x112: {  	v61 =	vsel vm1, $0x2309, v53;
	[tilespmem:$0x1F740] =	vst v1;
	v1 =	vsel vm2, $0x1F80, v31  }
0x113: {  	v62 =	vsel vm1, $0x2709, v54;
	[tilespmem:$0x1F750] =	vst v1;
	v1 =	vsel vm2, $0x2380, v61  }
0x114: {  	v63 =	vsel vm1, $0x2B09, v55;
	[tilespmem:$0x1F760] =	vst v1;
	v1 =	vsel vm2, $0x2780, v62  }
0x115: {  	v32 =	vsel vm1, $0x2F09, v56;
	[tilespmem:$0x1F770] =	vst v1;
	v1 =	vsel vm2, $0x2B80, v63  }
0x116: {  	v33 =	vsel vm1, $0x3309, v57;
	[tilespmem:$0x1F780] =	vst v1;
	v1 =	vsel vm2, $0x2F80, v32  }
0x117: {  	v23 =	vimm.s32 $0x3F89;
	v34 =	vsel vm1, $0x3709, v58;
	[tilespmem:$0x1F790] =	vst v1;
	v1 =	vsel vm2, $0x3380, v33  }
0x118: {  	v23 =	vsel vm7, $0x3F04, v23;
	v35 =	vsel vm1, $0x3B09, v59;
	[tilespmem:$0x1F7A0] =	vst v1;
	v1 =	vsel vm2, $0x3780, v34  }
0x119: {  	v23 =	vsel vm3, $0x3F05, v23;
	[tilespmem:$0x1F7B0] =	vst v1;
	v1 =	vsel vm2, $0x3B80, v35  }
0x11a: {  	v23 =	vsel vm6, $0x3F06, v23;
	[tilespmem:$0x1F7C0] =	vst v1;
	v1 =	vld [tilespmem:$0x1F310]  }
0x11b: {  	v23 =	vsel vm5, $0x3F07, v23  }
0x11c: {  	v23 =	vsel vm4, $0x3F08, v23  }
0x11d: {  	v23 =	vsel vm1, $0x3F09, v23  }
0x11e: {  	[tilespmem:$0x1F300] =	vst v0;
	v36 =	vand.u32 $0xF, v0;
	v0 =	vsel vm2, $0x3F80, v23  }
0x11f: {  	[tilespmem:$0x1F7D0] =	vst v0;
	v0 =	vcombine.low v36, v1;
	_ =	sdelay $0x1  }
0x120: {  	[tilespmem:$0x1F320] =	vst v0;
	v0 =	vld [tilespmem:$0x1FDA0];
	_ =	sdelay $0x4  }
0x121: {  	v58 =	vcombine.low v1, v0;
	v0 =	vld [tilespmem:$0x1F330];
	_ =	sdelay $0x3  }
0x122: {  	vm11 =	vcmask $0x2B28  }
0x123: {  	v59 =	vsel vm11, $0x480, v0;
	v0 =	vld [tilespmem:$0x1F340];
	_ =	sdelay $0x4  }
0x124: {  	v60 =	vsel vm15, $0x807, v0;
	v0 =	vld [tilespmem:$0x1F350];
	_ =	sdelay $0x4  }
0x125: {  	v61 =	vsel vm15, $0xC07, v0;
	v0 =	vld [tilespmem:$0x1F360];
	_ =	sdelay $0x4  }
0x126: {  	v62 =	vsel vm15, $0x1007, v0;
	v0 =	vld [tilespmem:$0x1F370];
	_ =	sdelay $0x4  }
0x127: {  	v63 =	vsel vm15, $0x1407, v0;
	v0 =	vsel vm15, $0x1807, v6  }
0x128: {  	[tilespmem:$0x1F7F0] =	vst v0;
	v0 =	vld [tilespmem:$0x1F6E0];
	_ =	sdelay $0x4  }
0x129: {  	v0 =	vsel vm15, $0x381, v0  }
0x12a: {  	[tilespmem:$0x1F800] =	vst v0;
	v0 =	vld [tilespmem:$0x1F6F0];
	_ =	sdelay $0x4  }
0x12b: {  	v0 =	vsel vm15, $0x781, v0  }
0x12c: {  	[tilespmem:$0x1F810] =	vst v0;
	v0 =	vld [tilespmem:$0x1F700];
	_ =	sdelay $0x4  }
0x12d: {  	v0 =	vsel vm15, $0xB81, v0  }
0x12e: {  	[tilespmem:$0x1F820] =	vst v0;
	v0 =	vld [tilespmem:$0x1F710];
	_ =	sdelay $0x4  }
0x12f: {  	v0 =	vsel vm15, $0xF81, v0  }
0x130: {  	[tilespmem:$0x1F830] =	vst v0;
	v0 =	vld [tilespmem:$0x1F720];
	_ =	sdelay $0x4  }
0x131: {  	v0 =	vsel vm15, $0x1381, v0  }
0x132: {  	[tilespmem:$0x1F840] =	vst v0;
	v0 =	vld [tilespmem:$0x1F730];
	_ =	sdelay $0x4  }
0x133: {  	v0 =	vsel vm15, $0x1781, v0  }
0x134: {  	[tilespmem:$0x1F850] =	vst v0;
	v0 =	vld [tilespmem:$0x1F740];
	_ =	sdelay $0x4  }
0x135: {  	v0 =	vsel vm15, $0x1B81, v0  }
0x136: {  	[tilespmem:$0x1F860] =	vst v0;
	v0 =	vld [tilespmem:$0x1F750];
	_ =	sdelay $0x4  }
0x137: {  	v0 =	vsel vm15, $0x1F81, v0  }
0x138: {  	[tilespmem:$0x1F870] =	vst v0;
	v0 =	vld [tilespmem:$0x1F760];
	_ =	sdelay $0x4  }
0x139: {  	v0 =	vsel vm15, $0x2381, v0  }
0x13a: {  	[tilespmem:$0x1F880] =	vst v0;
	v0 =	vld [tilespmem:$0x1F770];
	_ =	sdelay $0x4  }
0x13b: {  	v0 =	vsel vm15, $0x2781, v0  }
0x13c: {  	[tilespmem:$0x1F890] =	vst v0;
	v0 =	vld [tilespmem:$0x1F780];
	_ =	sdelay $0x4  }
0x13d: {  	v0 =	vsel vm15, $0x2B81, v0  }
0x13e: {  	[tilespmem:$0x1F8A0] =	vst v0;
	v0 =	vld [tilespmem:$0x1F790];
	_ =	sdelay $0x4  }
0x13f: {  	v0 =	vsel vm15, $0x2F81, v0  }
0x140: {  	[tilespmem:$0x1F8B0] =	vst v0;
	v0 =	vld [tilespmem:$0x1F7A0];
	_ =	sdelay $0x4  }
0x141: {  	v0 =	vsel vm15, $0x3381, v0  }
0x142: {  	[tilespmem:$0x1F8C0] =	vst v0;
	v0 =	vld [tilespmem:$0x1F7B0];
	_ =	sdelay $0x4  }
0x143: {  	v0 =	vsel vm15, $0x3781, v0  }
0x144: {  	[tilespmem:$0x1F8D0] =	vst v0;
	v0 =	vld [tilespmem:$0x1F7C0];
	_ =	sdelay $0x4  }
0x145: {  	v0 =	vsel vm15, $0x3B81, v0  }
0x146: {  	[tilespmem:$0x1F8E0] =	vst v0;
	v0 =	vld [tilespmem:$0x1F7D0];
	_ =	sdelay $0x4  }
0x147: {  	v0 =	vsel vm15, $0x3F81, v0  }
0x148: {  	[tilespmem:$0x1F8F0] =	vst v0;
	v0 =	vld [tilespmem:$0x1F7F0];
	_ =	sdelay $0x4  }
0x149: {  	v0 =	vsel vm9, $0x1808, v0  }
0x14a: {  	[tilespmem:$0x1F920] =	vst v0;
	v0 =	vld [tilespmem:$0x1F800];
	_ =	sdelay $0x2  }
0x14b: {  	vm12 =	vcmask $0x2F2C;
	v58 =	vand.u32 $0xF, v58  }
0x14c: {  	[tilespmem:$0x1F7E0] =	vst v58;
	v58 =	vsel vm12, $0x481, v59;
	v59 =	vsel vm9, $0x808, v60;
	v60 =	vsel vm9, $0xC08, v61  }
0x14d: {  	v61 =	vsel vm9, $0x1008, v62;
	v62 =	vsel vm9, $0x1408, v63;
	v63 =	vsel vm9, $0x382, v0;
	v0 =	vld [tilespmem:$0x1F810];
	_ =	sdelay $0x4  }
0x14e: {  	v0 =	vsel vm9, $0x782, v0  }
0x14f: {  	[tilespmem:$0x1F930] =	vst v0;
	v0 =	vld [tilespmem:$0x1F820];
	_ =	sdelay $0x4  }
0x150: {  	v0 =	vsel vm9, $0xB82, v0  }
0x151: {  	[tilespmem:$0x1F940] =	vst v0;
	v0 =	vld [tilespmem:$0x1F830];
	_ =	sdelay $0x4  }
0x152: {  	v0 =	vsel vm9, $0xF82, v0  }
0x153: {  	[tilespmem:$0x1F950] =	vst v0;
	v0 =	vld [tilespmem:$0x1F840];
	_ =	sdelay $0x4  }
0x154: {  	v0 =	vsel vm9, $0x1382, v0  }
0x155: {  	[tilespmem:$0x1F960] =	vst v0;
	v0 =	vld [tilespmem:$0x1F850];
	_ =	sdelay $0x4  }
0x156: {  	v0 =	vsel vm9, $0x1782, v0  }
0x157: {  	[tilespmem:$0x1F970] =	vst v0;
	v0 =	vld [tilespmem:$0x1F860];
	_ =	sdelay $0x4  }
0x158: {  	v0 =	vsel vm9, $0x1B82, v0  }
0x159: {  	[tilespmem:$0x1F980] =	vst v0;
	v0 =	vld [tilespmem:$0x1F870];
	_ =	sdelay $0x4  }
0x15a: {  	v0 =	vsel vm9, $0x1F82, v0  }
0x15b: {  	[tilespmem:$0x1F990] =	vst v0;
	v0 =	vld [tilespmem:$0x1F880];
	_ =	sdelay $0x4  }
0x15c: {  	v0 =	vsel vm9, $0x2382, v0  }
0x15d: {  	[tilespmem:$0x1F9A0] =	vst v0;
	v0 =	vld [tilespmem:$0x1F890];
	_ =	sdelay $0x4  }
0x15e: {  	v0 =	vsel vm9, $0x2782, v0  }
0x15f: {  	[tilespmem:$0x1F9B0] =	vst v0;
	v0 =	vld [tilespmem:$0x1F8A0];
	_ =	sdelay $0x4  }
0x160: {  	v0 =	vsel vm9, $0x2B82, v0  }
0x161: {  	[tilespmem:$0x1F9C0] =	vst v0;
	v0 =	vld [tilespmem:$0x1F8B0];
	_ =	sdelay $0x4  }
0x162: {  	v0 =	vsel vm9, $0x2F82, v0  }
0x163: {  	[tilespmem:$0x1F9D0] =	vst v0;
	v0 =	vld [tilespmem:$0x1F8C0];
	_ =	sdelay $0x4  }
0x164: {  	v0 =	vsel vm9, $0x3382, v0  }
0x165: {  	[tilespmem:$0x1F9E0] =	vst v0;
	v0 =	vld [tilespmem:$0x1F8D0];
	_ =	sdelay $0x4  }
0x166: {  	v0 =	vsel vm9, $0x3782, v0  }
0x167: {  	[tilespmem:$0x1F9F0] =	vst v0;
	v0 =	vld [tilespmem:$0x1F8E0];
	_ =	sdelay $0x4  }
0x168: {  	v0 =	vsel vm9, $0x3B82, v0  }
0x169: {  	[tilespmem:$0x1FA00] =	vst v0;
	v0 =	vld [tilespmem:$0x1F8F0];
	_ =	sdelay $0x4  }
0x16a: {  	v0 =	vsel vm9, $0x3F82, v0  }
0x16b: {  	[tilespmem:$0x1FA10] =	vst v0;
	v0 =	vld [tilespmem:$0x1F900];
	_ =	sdelay $0x4  }
0x16c: {  	v0 =	vand.u32 $0xFF, v0  }
0x16d: {  	[tilespmem:$0x1F910] =	vst v0;
	v0 =	vld [tilespmem:$0x1F920];
	_ =	sdelay $0x4  }
0x16e: {  	v0 =	vsel vm10, $0x1809, v0  }
0x16f: {  	[tilespmem:$0x1FA20] =	vst v0;
	v0 =	vld [tilespmem:$0x1F930];
	_ =	sdelay $0x1  }
0x170: {  	v8 =	vld [tilespmem:$0x1F3D0]  }
0x171: {  	v4 =	vld [tilespmem:$0x1F390]  }
0x172: {  	v5 =	vld [tilespmem:$0x1F3A0]  }
0x173: {  	v9 =	vld [tilespmem:$0x1F3E0];
	v0 =	vsel vm10, $0x783, v0  }
0x174: {  	[tilespmem:$0x1FA30] =	vst v0;
	v0 =	vld [tilespmem:$0x1F940]  }
0x175: {  	v2 =	vld [tilespmem:$0x1F380]  }
0x176: {  	v3 =	vsel vm15, $0x2407, v10;
	v10 =	vld [tilespmem:$0x1F3F0]  }
0x177: {  	v11 =	vld [tilespmem:$0x1F400]  }
0x178: {  	v12 =	vld [tilespmem:$0x1F410]  }
0x179: {  	v13 =	vld [tilespmem:$0x1F420];
	v0 =	vsel vm10, $0xB83, v0  }
0x17a: {  	[tilespmem:$0x1FA40] =	vst v0;
	v0 =	vld [tilespmem:$0x1F950]  }
0x17b: {  	v14 =	vld [tilespmem:$0x1F430]  }
0x17c: {  	v15 =	vld [tilespmem:$0x1F440]  }
0x17d: {  	v16 =	vld [tilespmem:$0x1F450]  }
0x17e: {  	v8 =	vsel vm15, $0x3807, v8;
	v17 =	vld [tilespmem:$0x1F460]  }
0x17f: {  	vm13 =	vcmask $0x3330;
	v8 =	vsel vm9, $0x3808, v8;
	v18 =	vld [tilespmem:$0x1F470];
	v0 =	vsel vm10, $0xF83, v0  }
0x180: {  	vm14 =	vcmask $0x3734;
	v8 =	vsel vm10, $0x3809, v8;
	v4 =	vsel vm15, $0x2807, v4;
	[tilespmem:$0x1FA50] =	vst v0;
	v0 =	vld [tilespmem:$0x1F960]  }
0x181: {  	v8 =	vsel vm11, $0x3880, v8;
	v4 =	vsel vm9, $0x2808, v4;
	v5 =	vsel vm15, $0x2C07, v5;
	v19 =	vld [tilespmem:$0x1F480]  }
0x182: {  	v4 =	vsel vm10, $0x2809, v4;
	v5 =	vsel vm9, $0x2C08, v5;
	v9 =	vsel vm15, $0x3C07, v9;
	v20 =	vld [tilespmem:$0x1F490]  }
0x183: {  	v5 =	vsel vm10, $0x2C09, v5;
	v9 =	vsel vm9, $0x3C08, v9;
	v21 =	vsel vm15, $0x2D03, v29;
	v29 =	vld [tilespmem:$0x1F510]  }
0x184: {  	v4 =	vsel vm11, $0x2880, v4;
	v5 =	vsel vm11, $0x2C80, v5;
	v9 =	vsel vm10, $0x3C09, v9;
	v22 =	vld [tilespmem:$0x1F4A0]  }
0x185: {  	v3 =	vsel vm9, $0x2408, v3;
	v2 =	vsel vm15, $0x2007, v2;
	v24 =	vld [tilespmem:$0x1F4C0];
	v0 =	vsel vm10, $0x1383, v0  }
0x186: {  	v9 =	vsel vm11, $0x3C80, v9;
	v3 =	vsel vm10, $0x2409, v3;
	v2 =	vsel vm9, $0x2008, v2;
	[tilespmem:$0x1FA60] =	vst v0;
	v0 =	vld [tilespmem:$0x1F970]  }
0x187: {  	v3 =	vsel vm11, $0x2480, v3;
	v2 =	vsel vm10, $0x2009, v2;
	v10 =	vsel vm15, $0x103, v10;
	v25 =	vld [tilespmem:$0x1F4D0]  }
0x188: {  	v2 =	vsel vm11, $0x2080, v2;
	v11 =	vsel vm15, $0x503, v11;
	v10 =	vsel vm9, $0x104, v10;
	v44 =	vld [tilespmem:$0x1F5B0]  }
0x189: {  	v12 =	vsel vm15, $0x903, v12;
	v11 =	vsel vm9, $0x504, v11;
	v10 =	vsel vm10, $0x105, v10;
	v26 =	vld [tilespmem:$0x1F4E0]  }
0x18a: {  	v13 =	vsel vm15, $0xD03, v13;
	v12 =	vsel vm9, $0x904, v12;
	v11 =	vsel vm10, $0x505, v11;
	v45 =	vld [tilespmem:$0x1F5C0]  }
0x18b: {  	v10 =	vsel vm11, $0x106, v10;
	v14 =	vsel vm15, $0x1103, v14;
	v48 =	vld [tilespmem:$0x1F5F0];
	v0 =	vsel vm10, $0x1783, v0  }
0x18c: {  	v13 =	vsel vm9, $0xD04, v13;
	v12 =	vsel vm10, $0x905, v12;
	v11 =	vsel vm11, $0x506, v11;
	[tilespmem:$0x1FA70] =	vst v0;
	v0 =	vld [tilespmem:$0x1F980]  }
0x18d: {  	v15 =	vsel vm15, $0x1503, v15;
	v14 =	vsel vm9, $0x1104, v14;
	v13 =	vsel vm10, $0xD05, v13;
	v52 =	vld [tilespmem:$0x1F630]  }
0x18e: {  	v12 =	vsel vm11, $0x906, v12;
	v16 =	vsel vm15, $0x1903, v16;
	v15 =	vsel vm9, $0x1504, v15;
	v53 =	vld [tilespmem:$0x1F640]  }
0x18f: {  	v14 =	vsel vm10, $0x1105, v14;
	v13 =	vsel vm11, $0xD06, v13;
	v17 =	vsel vm15, $0x1D03, v17;
	v37 =	vld [tilespmem:$0x1F540]  }
0x190: {  	v16 =	vsel vm9, $0x1904, v16;
	v21 =	vsel vm9, $0x2D04, v21;
	v15 =	vsel vm10, $0x1505, v15;
	v57 =	vld [tilespmem:$0x1F680]  }
0x191: {  	v14 =	vsel vm11, $0x1106, v14;
	v18 =	vsel vm15, $0x2103, v18;
	v38 =	vld [tilespmem:$0x1F550];
	v0 =	vsel vm10, $0x1B83, v0  }
0x192: {  	v17 =	vsel vm9, $0x1D04, v17;
	v16 =	vsel vm10, $0x1905, v16;
	v21 =	vsel vm10, $0x2D05, v21;
	[tilespmem:$0x1FA80] =	vst v0;
	v0 =	vld [tilespmem:$0x1F990]  }
0x193: {  	v15 =	vsel vm11, $0x1506, v15;
	v19 =	vsel vm15, $0x2503, v19;
	v18 =	vsel vm9, $0x2104, v18;
	v42 =	vld [tilespmem:$0x1F590]  }
0x194: {  	v16 =	vsel vm11, $0x1906, v16;
	v21 =	vsel vm11, $0x2D06, v21;
	v18 =	vsel vm10, $0x2105, v18;
	v30 =	vld [tilespmem:$0x1F520]  }
0x195: {  	v20 =	vsel vm15, $0x2903, v20;
	v29 =	vsel vm15, $0xD89, v29;
	v18 =	vsel vm11, $0x2106, v18;
	v47 =	vld [tilespmem:$0x1F5E0]  }
0x196: {  	v22 =	vsel vm15, $0x3103, v22;
	v29 =	vsel vm9, $0xE00, v29;
	v24 =	vsel vm15, $0x3903, v24;
	v31 =	vld [tilespmem:$0x1F530]  }
0x197: {  	v29 =	vsel vm10, $0xE01, v29;
	v25 =	vsel vm15, $0x3D03, v25;
	v43 =	vld [tilespmem:$0x1F5A0];
	v0 =	vsel vm10, $0x1F83, v0  }
0x198: {  	v24 =	vsel vm9, $0x3904, v24;
	v29 =	vsel vm11, $0xE02, v29;
	v26 =	vsel vm15, $0x189, v26;
	[tilespmem:$0x1FA90] =	vst v0;
	v0 =	vld [tilespmem:$0x1F9A0]  }
0x199: {  	v49 =	vld [tilespmem:$0x1F600];
	v24 =	vsel vm10, $0x3905, v24;
	v30 =	vsel vm15, $0x1189, v30;
	v32 =	vsel vm15, $0x1989, v37  }
0x19a: {  	v39 =	vld [tilespmem:$0x1F560];
	v37 =	vsel vm15, $0x2D89, v42;
	v42 =	vsel vm15, $0x285, v47;
	v47 =	vsel vm15, $0x1685, v52  }
0x19b: {  	v54 =	vld [tilespmem:$0x1F650];
	v52 =	vsel vm15, $0x2A85, v57;
	v31 =	vsel vm15, $0x1589, v31;
	v33 =	vsel vm15, $0x1D89, v38  }
0x19c: {  	v50 =	vld [tilespmem:$0x1F610];
	v38 =	vsel vm15, $0x3189, v43;
	v43 =	vsel vm15, $0x685, v48;
	v48 =	vsel vm15, $0x1A85, v53  }
0x19d: {  	v40 =	vld [tilespmem:$0x1F570];
	v30 =	vsel vm9, $0x1200, v30;
	v37 =	vsel vm9, $0x2E00, v37;
	v0 =	vsel vm10, $0x2383, v0  }
0x19e: {  	v42 =	vsel vm9, $0x286, v42;
	v47 =	vsel vm9, $0x1686, v47;
	v52 =	vsel vm9, $0x2A86, v52;
	[tilespmem:$0x1FAA0] =	vst v0;
	v0 =	vld [tilespmem:$0x1F9B0]  }
0x19f: {  	v55 =	vld [tilespmem:$0x1F660];
	v34 =	vsel vm15, $0x2189, v39;
	v39 =	vsel vm15, $0x3589, v44;
	v44 =	vsel vm15, $0xA85, v49  }
0x1a0: {  	v49 =	vsel vm15, $0x1E85, v54;
	v31 =	vsel vm9, $0x1600, v31;
	v33 =	vsel vm9, $0x1E00, v33  }
0x1a1: {  	v43 =	vsel vm9, $0x686, v43;
	v48 =	vsel vm9, $0x1A86, v48;
	v30 =	vsel vm10, $0x1201, v30  }
0x1a2: {  	v37 =	vsel vm10, $0x2E01, v37;
	v42 =	vsel vm10, $0x287, v42;
	v47 =	vsel vm10, $0x1687, v47  }
0x1a3: {  	v52 =	vsel vm10, $0x2A87, v52;
	v35 =	vsel vm15, $0x2589, v40;
	v0 =	vsel vm10, $0x2783, v0  }
0x1a4: {  	v40 =	vsel vm15, $0x3989, v45;
	v45 =	vsel vm15, $0xE85, v50;
	v50 =	vsel vm15, $0x2285, v55;
	[tilespmem:$0x1FAB0] =	vst v0;
	v0 =	vld [tilespmem:$0x1F9C0]  }
0x1a5: {  	v51 =	vld [tilespmem:$0x1F620];
	v34 =	vsel vm9, $0x2200, v34;
	v39 =	vsel vm9, $0x3600, v39;
	v44 =	vsel vm9, $0xA86, v44  }
0x1a6: {  	v56 =	vld [tilespmem:$0x1F670];
	v49 =	vsel vm9, $0x1E86, v49;
	v31 =	vsel vm10, $0x1601, v31;
	v33 =	vsel vm10, $0x1E01, v33  }
0x1a7: {  	[tilespmem:$0x1FBA0] =	vst v29;
	v57 =	vld [tilespmem:$0x1F6A0];
	v43 =	vsel vm10, $0x687, v43;
	v48 =	vsel vm10, $0x1A87, v48;
	v29 =	vsel vm11, $0x1202, v30  }
0x1a8: {  	v41 =	vld [tilespmem:$0x1F580];
	v52 =	vsel vm11, $0x2A88, v52;
	v40 =	vsel vm9, $0x3A00, v40;
	v45 =	vsel vm9, $0xE86, v45  }
0x1a9: {  	v46 =	vld [tilespmem:$0x1F5D0];
	v50 =	vsel vm9, $0x2286, v50;
	v34 =	vsel vm10, $0x2201, v34;
	v0 =	vsel vm10, $0x2B83, v0  }
0x1aa: {  	v39 =	vsel vm10, $0x3601, v39;
	v44 =	vsel vm10, $0xA87, v44;
	v49 =	vsel vm10, $0x1E87, v49;
	[tilespmem:$0x1FAC0] =	vst v0;
	v0 =	vld [tilespmem:$0x1F9D0]  }
0x1ab: {  	v30 =	vsel vm11, $0x1602, v31;
	v31 =	vsel vm11, $0x1E02, v33;
	v48 =	vsel vm11, $0x1A88, v48  }
0x1ac: {  	v54 =	vsel vm15, $0x3285, v57;
	v57 =	vld [tilespmem:$0x1F6B0];
	v40 =	vsel vm10, $0x3A01, v40;
	v45 =	vsel vm10, $0xE87, v45  }
0x1ad: {  	v50 =	vsel vm10, $0x2287, v50;
	v33 =	vsel vm11, $0x2202, v34;
	v54 =	vsel vm9, $0x3286, v54  }
0x1ae: {  	v54 =	vsel vm10, $0x3287, v54;
	v36 =	vsel vm15, $0x2989, v41;
	v41 =	vsel vm15, $0x3D89, v46  }
0x1af: {  	v46 =	vsel vm15, $0x1285, v51;
	v51 =	vsel vm15, $0x2685, v56;
	v56 =	vld [tilespmem:$0x1F690];
	v0 =	vsel vm10, $0x2F83, v0  }
0x1b0: {  	v49 =	vsel vm11, $0x1E88, v49;
	v50 =	vsel vm11, $0x2288, v50;
	v54 =	vsel vm11, $0x3288, v54;
	[tilespmem:$0x1FAD0] =	vst v0;
	v0 =	vld [tilespmem:$0x1F9E0]  }
0x1b1: {  	v27 =	vld [tilespmem:$0x1F4F0];
	v55 =	vsel vm15, $0x3685, v57;
	v36 =	vsel vm9, $0x2A00, v36;
	v46 =	vsel vm9, $0x1286, v46  }
0x1b2: {  	v28 =	vld [tilespmem:$0x1F500];
	[tilespmem:$0x1FC00] =	vst v52;
	v51 =	vsel vm9, $0x2686, v51;
	v55 =	vsel vm9, $0x3686, v55;
	v36 =	vsel vm10, $0x2A01, v36  }
0x1b3: {  	v23 =	vld [tilespmem:$0x1F4B0];
	[tilespmem:$0x1FBC0] =	vst v48;
	v46 =	vsel vm10, $0x1287, v46;
	v51 =	vsel vm10, $0x2687, v51;
	v34 =	vsel vm11, $0x2A02, v36  }
0x1b4: {  	[tilespmem:$0x1FBD0] =	vst v49;
	v57 =	vld [tilespmem:$0x1F6D0];
	v36 =	vsel vm11, $0x2E02, v37;
	v37 =	vsel vm11, $0x3602, v39;
	v39 =	vsel vm11, $0x3A02, v40  }
0x1b5: {  	[tilespmem:$0x1FBE0] =	vst v50;
	v40 =	vsel vm11, $0x288, v42;
	v53 =	vsel vm15, $0x2E85, v56;
	v56 =	vld [tilespmem:$0x1F6C0];
	v0 =	vsel vm10, $0x3383, v0  }
0x1b6: {  	v42 =	vsel vm11, $0x688, v43;
	v43 =	vsel vm11, $0xA88, v44;
	v44 =	vsel vm11, $0xE88, v45;
	[tilespmem:$0x1FAE0] =	vst v0;
	v0 =	vld [tilespmem:$0x1F9F0]  }
0x1b7: {  	[tilespmem:$0x1FC20] =	vst v54;
	v45 =	vsel vm11, $0x1288, v46;
	v46 =	vsel vm11, $0x1688, v47;
	v1 =	vsel vm15, $0x1C07, v7;
	v7 =	vld [tilespmem:$0x1F3C0]  }
0x1b8: {  	v55 =	vsel vm10, $0x3687, v55;
	v51 =	vsel vm11, $0x2688, v51;
	[tilespmem:$0x1FBB0] =	vst v46;
	v53 =	vsel vm9, $0x2E86, v53;
	v6 =	vld [tilespmem:$0x1F3B0]  }
0x1b9: {  	[tilespmem:$0x1FBF0] =	vst v51;
	v55 =	vsel vm11, $0x3688, v55;
	v57 =	vsel vm15, $0x3E85, v57;
	v53 =	vsel vm10, $0x2E87, v53;
	v50 =	vld [tilespmem:$0x1FA30]  }
0x1ba: {  	[tilespmem:$0x1FC30] =	vst v55;
	v57 =	vsel vm9, $0x3E86, v57;
	v53 =	vsel vm11, $0x2E88, v53;
	v56 =	vsel vm15, $0x3A85, v56;
	v51 =	vld [tilespmem:$0x1FA40]  }
0x1bb: {  	v57 =	vsel vm10, $0x3E87, v57;
	[tilespmem:$0x1FC10] =	vst v53;
	v56 =	vsel vm9, $0x3A86, v56;
	v52 =	vld [tilespmem:$0x1FA50];
	v0 =	vsel vm10, $0x3783, v0  }
0x1bc: {  	v27 =	vsel vm15, $0x589, v27;
	v48 =	vsel vm11, $0x3E88, v57;
	v56 =	vsel vm10, $0x3A87, v56;
	[tilespmem:$0x1FAF0] =	vst v0;
	v0 =	vld [tilespmem:$0x1FA00]  }
0x1bd: {  	v24 =	vsel vm11, $0x3906, v24;
	[tilespmem:$0x1FC50] =	vst v48;
	v56 =	vsel vm11, $0x3A88, v56;
	v63 =	vsel vm10, $0x383, v63;
	v53 =	vld [tilespmem:$0x1FA60]  }
0x1be: {  	v28 =	vsel vm15, $0x989, v28;
	v1 =	vsel vm9, $0x1C08, v1;
	[tilespmem:$0x1FC40] =	vst v56;
	v49 =	vsel vm11, $0x384, v63;
	v54 =	vld [tilespmem:$0x1FA70]  }
0x1bf: {  	v27 =	vsel vm9, $0x600, v27;
	v1 =	vsel vm10, $0x1C09, v1;
	[tilespmem:$0x1FC60] =	vst v49;
	v46 =	vsel vm11, $0x784, v50;
	v55 =	vld [tilespmem:$0x1FA80]  }
0x1c0: {  	v23 =	vsel vm15, $0x3503, v23;
	v1 =	vsel vm11, $0x1C80, v1;
	[tilespmem:$0x1FC70] =	vst v46;
	v46 =	vsel vm11, $0xB84, v51;
	v56 =	vld [tilespmem:$0x1FA90]  }
0x1c1: {  	v1 =	vsel vm12, $0x1C81, v1;
	v7 =	vsel vm15, $0x3407, v7;
	[tilespmem:$0x1FC80] =	vst v46;
	v57 =	vld [tilespmem:$0x1FAA0];
	v0 =	vsel vm10, $0x3B83, v0  }
0x1c2: {  	v1 =	vsel vm13, $0x1C82, v1;
	v7 =	vsel vm9, $0x3408, v7;
	v46 =	vsel vm11, $0xF84, v52;
	[tilespmem:$0x1FB00] =	vst v0;
	v0 =	vld [tilespmem:$0x1FA10]  }
0x1c3: {  	v58 =	vsel vm13, $0x482, v58;
	v7 =	vsel vm10, $0x3409, v7;
	[tilespmem:$0x1FC90] =	vst v46;
	v46 =	vsel vm11, $0x1384, v53;
	v63 =	vld [tilespmem:$0x1FAB0]  }
0x1c4: {  	v58 =	vsel vm14, $0x483, v58;
	v7 =	vsel vm11, $0x3480, v7;
	[tilespmem:$0x1FCA0] =	vst v46;
	v46 =	vsel vm11, $0x1784, v54;
	v48 =	vld [tilespmem:$0x1FAC0]  }
0x1c5: {  	v59 =	vsel vm10, $0x809, v59;
	v60 =	vsel vm10, $0xC09, v60;
	[tilespmem:$0x1FCB0] =	vst v46;
	v46 =	vsel vm11, $0x1B84, v55;
	v49 =	vld [tilespmem:$0x1FAD0]  }
0x1c6: {  	v59 =	vsel vm11, $0x880, v59;
	v60 =	vsel vm11, $0xC80, v60;
	[tilespmem:$0x1FCC0] =	vst v46;
	v46 =	vsel vm11, $0x1F84, v56;
	v50 =	vld [tilespmem:$0x1FAE0]  }
0x1c7: {  	v61 =	vsel vm10, $0x1009, v61;
	v6 =	vsel vm15, $0x3007, v6;
	[tilespmem:$0x1FCD0] =	vst v46;
	v51 =	vld [tilespmem:$0x1FAF0];
	v0 =	vsel vm10, $0x3F83, v0  }
0x1c8: {  	v61 =	vsel vm11, $0x1080, v61;
	v6 =	vsel vm9, $0x3008, v6;
	v46 =	vsel vm11, $0x2384, v57;
	[tilespmem:$0x1FB10] =	vst v0;
	v0 =	vld [tilespmem:$0x1FA20]  }
0x1c9: {  	v62 =	vsel vm10, $0x1409, v62;
	v6 =	vsel vm10, $0x3009, v6;
	[tilespmem:$0x1FCE0] =	vst v46;
	v46 =	vsel vm11, $0x2784, v63;
	v52 =	vld [tilespmem:$0x1FB00]  }
0x1ca: {  	v62 =	vsel vm11, $0x1480, v62;
	v6 =	vsel vm11, $0x3080, v6;
	[tilespmem:$0x1FCF0] =	vst v46;
	v46 =	vsel vm11, $0x2B84, v48;
	v53 =	vld [tilespmem:$0x1FB10]  }
0x1cb: {  	vm15 =	vcmask $0x3B38;
	v54 =	vsel vm12, $0x881, v59;
	[tilespmem:$0x1FD00] =	vst v46;
	v46 =	vsel vm11, $0x2F84, v49  }
0x1cc: {  	v55 =	vsel vm15, $0x484, v58;
	v56 =	vsel vm12, $0xC81, v60;
	[tilespmem:$0x1FD10] =	vst v46;
	v46 =	vsel vm11, $0x3384, v50  }
0x1cd: {  	v47 =	vsel vm13, $0xC82, v56;
	[tilespmem:$0x1FD20] =	vst v46;
	v46 =	vsel vm11, $0x3784, v51;
	v0 =	vsel vm11, $0x1880, v0  }
0x1ce: {  	v58 =	vsel vm14, $0xC83, v47;
	[tilespmem:$0x1FD30] =	vst v46;
	v46 =	vsel vm11, $0x3B84, v52;
	v0 =	vsel vm12, $0x1881, v0  }
0x1cf: {  	v57 =	vsel vm12, $0x1081, v61;
	[tilespmem:$0x1FD40] =	vst v46;
	v46 =	vsel vm11, $0x3F84, v53;
	v0 =	vsel vm13, $0x1882, v0  }
0x1d0: {  	v61 =	vsel vm12, $0x1481, v62;
	[tilespmem:$0x1FD50] =	vst v46;
	v46 =	vsel vm13, $0x882, v54;
	v0 =	vsel vm14, $0x1883, v0  }
0x1d1: {  	v59 =	vsel vm13, $0x1082, v57;
	v46 =	vsel vm14, $0x883, v46;
	v0 =	vsel vm15, $0x1884, v0  }
0x1d2: {  	v62 =	vsel vm13, $0x1482, v61;
	v46 =	vsel vm15, $0x884, v46;
	[tilespmem:$0x1FB70] =	vst v0;
	v0 =	vsel vm14, $0x1C83, v1  }
0x1d3: {  	v60 =	vsel vm14, $0x1083, v59;
	[tilespmem:$0x1FB30] =	vst v46;
	v1 =	vsel vm12, $0x2081, v2;
	v0 =	vsel vm15, $0x1C84, v0  }
0x1d4: {  	v46 =	vsel vm15, $0xC84, v58;
	v2 =	vsel vm12, $0x2881, v4;
	[tilespmem:$0x1FB80] =	vst v0;
	v0 =	vsel vm13, $0x2082, v1  }
0x1d5: {  	[tilespmem:$0x1FB40] =	vst v46;
	v46 =	vsel vm15, $0x1084, v60;
	v1 =	vsel vm12, $0x2481, v3;
	v0 =	vsel vm14, $0x2083, v0  }
0x1d6: {  	[tilespmem:$0x1FB50] =	vst v46;
	v46 =	vsel vm14, $0x1483, v62;
	v1 =	vsel vm13, $0x2482, v1;
	v0 =	vsel vm15, $0x2084, v0  }
0x1d7: {  	v46 =	vsel vm15, $0x1484, v46;
	[tilespmem:$0x1FB90] =	vst v0;
	v0 =	vsel vm14, $0x2483, v1;
	v1 =	vsel vm13, $0x2882, v2  }
0x1d8: {  	v2 =	vsel vm12, $0x3081, v6;
	v63 =	vsel vm14, $0x2883, v1;
	v1 =	vsel vm12, $0x2C81, v5  }
0x1d9: {  	v54 =	vsel vm13, $0x3082, v2;
	v47 =	vsel vm13, $0x2C82, v1;
	v1 =	vsel vm12, $0x3481, v7  }
0x1da: {  	v2 =	vsel vm12, $0x3C81, v9;
	v57 =	vsel vm13, $0x3482, v1;
	v1 =	vsel vm12, $0x3881, v8  }
0x1db: {  	v51 =	vsel vm13, $0x3C82, v2;
	v48 =	vsel vm13, $0x3882, v1;
	v1 =	vsel vm12, $0x107, v10  }
0x1dc: {  	v2 =	vsel vm12, $0x907, v12;
	v3 =	vsel vm13, $0x108, v1;
	v1 =	vsel vm12, $0x507, v11  }
0x1dd: {  	[tilespmem:$0x1FB60] =	vst v46;
	v7 =	vsel vm13, $0x908, v2;
	v46 =	vsel vm13, $0x508, v1;
	v1 =	vsel vm12, $0xD07, v13  }
0x1de: {  	v2 =	vsel vm12, $0x1507, v15;
	v6 =	vsel vm13, $0xD08, v1;
	v1 =	vsel vm12, $0x1107, v14  }
0x1df: {  	v49 =	vsel vm13, $0x1108, v1;
	v1 =	vsel vm13, $0x1508, v2;
	v2 =	vsel vm12, $0x2107, v18  }
0x1e0: {  	v27 =	vsel vm10, $0x601, v27;
	v60 =	vsel vm13, $0x2108, v2;
	v2 =	vsel vm12, $0x2D07, v21  }
0x1e1: {  	v27 =	vsel vm11, $0x602, v27;
	v14 =	vsel vm13, $0x2D08, v2;
	v2 =	vsel vm12, $0x3907, v24  }
0x1e2: {  	[tilespmem:$0x1FE50] =	vst v1;
	v1 =	vsel vm12, $0x1907, v16;
	v16 =	vsel vm13, $0x3908, v2;
	v2 =	vsel vm12, $0x603, v27;
	v27 =	vld [tilespmem:$0x1FC20]  }
0x1e3: {  	v17 =	vsel vm10, $0x1D05, v17;
	v19 =	vsel vm9, $0x2504, v19  }
0x1e4: {  	v17 =	vsel vm11, $0x1D06, v17;
	v20 =	vsel vm9, $0x2904, v20;
	v19 =	vsel vm10, $0x2505, v19  }
0x1e5: {  	v20 =	vsel vm10, $0x2905, v20;
	v19 =	vsel vm11, $0x2506, v19;
	v22 =	vsel vm9, $0x3104, v22  }
0x1e6: {  	v20 =	vsel vm11, $0x2906, v20;
	v22 =	vsel vm10, $0x3105, v22;
	v25 =	vsel vm9, $0x3D04, v25  }
0x1e7: {  	v22 =	vsel vm11, $0x3106, v22;
	v1 =	vsel vm13, $0x1908, v1;
	v27 =	vsel vm12, $0x3289, v27  }
0x1e8: {  	v26 =	vsel vm9, $0x200, v26;
	v25 =	vsel vm10, $0x3D05, v25;
	[tilespmem:$0x1FE70] =	vst v1;
	v27 =	vsel vm13, $0x3300, v27  }
0x1e9: {  	v26 =	vsel vm10, $0x201, v26;
	v25 =	vsel vm11, $0x3D06, v25;
	v1 =	vsel vm12, $0x1D07, v17;
	[tilespmem:$0x1FEC0] =	vst v27;
	v27 =	vld [tilespmem:$0x1FC30]  }
0x1ea: {  	v28 =	vsel vm9, $0xA00, v28;
	v52 =	vsel vm13, $0x1D08, v1;
	v1 =	vsel vm12, $0x2507, v19  }
0x1eb: {  	v26 =	vsel vm11, $0x202, v26;
	v23 =	vsel vm9, $0x3504, v23;
	v1 =	vsel vm13, $0x2508, v1  }
0x1ec: {  	v28 =	vsel vm10, $0xA01, v28;
	v23 =	vsel vm10, $0x3505, v23;
	[tilespmem:$0x1FE80] =	vst v1;
	v1 =	vsel vm12, $0x2907, v20  }
0x1ed: {  	v23 =	vsel vm11, $0x3506, v23;
	v53 =	vsel vm13, $0x2908, v1;
	v1 =	vsel vm12, $0x3107, v22  }
0x1ee: {  	v15 =	vsel vm13, $0x3108, v1;
	v1 =	vsel vm12, $0x3507, v23;
	v27 =	vsel vm12, $0x3689, v27  }
0x1ef: {  	v56 =	vsel vm13, $0x3508, v1;
	v1 =	vsel vm12, $0x3D07, v25;
	v27 =	vsel vm13, $0x3700, v27  }
0x1f0: {  	v28 =	vsel vm11, $0xA02, v28;
	v17 =	vsel vm13, $0x3D08, v1;
	v1 =	vsel vm12, $0x203, v26;
	[tilespmem:$0x1FED0] =	vst v27;
	v27 =	vld [tilespmem:$0x1FC40]  }
0x1f1: {  	v59 =	vsel vm13, $0x204, v1;
	v1 =	vsel vm12, $0xA03, v28;
	v28 =	vld [tilespmem:$0x1FC50];
	_ =	sdelay $0x3  }
0x1f2: {  	v27 =	vsel vm12, $0x3A89, v27  }
0x1f3: {  	v28 =	vsel vm12, $0x3E89, v28;
	v27 =	vsel vm13, $0x3B00, v27  }
0x1f4: {  	[tilespmem:$0x1FEE0] =	vst v27;
	v27 =	vsel vm13, $0x3F00, v28  }
0x1f5: {  	[tilespmem:$0x1FEF0] =	vst v27;
	v27 =	vld [tilespmem:$0x1FC60];
	_ =	sdelay $0x4  }
0x1f6: {  	v27 =	vsel vm12, $0x385, v27  }
0x1f7: {  	v27 =	vsel vm13, $0x386, v27  }
0x1f8: {  	[tilespmem:$0x1FF00] =	vst v27;
	v27 =	vld [tilespmem:$0x1FC70]  }
0x1f9: {  	v28 =	vld [tilespmem:$0x1FC80];
	_ =	sdelay $0x3  }
0x1fa: {  	v27 =	vsel vm12, $0x785, v27  }
0x1fb: {  	v28 =	vsel vm12, $0xB85, v28;
	v27 =	vsel vm13, $0x786, v27  }
0x1fc: {  	[tilespmem:$0x1FF10] =	vst v27;
	v27 =	vsel vm13, $0xB86, v28  }
0x1fd: {  	[tilespmem:$0x1FF20] =	vst v27;
	v27 =	vld [tilespmem:$0x1FC90];
	_ =	sdelay $0x4  }
0x1fe: {  	v27 =	vsel vm12, $0xF85, v27  }
0x1ff: {  	v27 =	vsel vm13, $0xF86, v27  }
0x200: {  	[tilespmem:$0x1FF30] =	vst v27;
	v27 =	vld [tilespmem:$0x1FCA0]  }
0x201: {  	v28 =	vld [tilespmem:$0x1FCB0];
	_ =	sdelay $0x3  }
0x202: {  	v27 =	vsel vm12, $0x1385, v27  }
0x203: {  	v28 =	vsel vm12, $0x1785, v28;
	v27 =	vsel vm13, $0x1386, v27  }
0x204: {  	[tilespmem:$0x1FF40] =	vst v27;
	v27 =	vsel vm13, $0x1786, v28  }
0x205: {  	[tilespmem:$0x1FF50] =	vst v27;
	v27 =	vld [tilespmem:$0x1FCC0];
	_ =	sdelay $0x4  }
0x206: {  	v27 =	vsel vm12, $0x1B85, v27  }
0x207: {  	v27 =	vsel vm13, $0x1B86, v27  }
0x208: {  	[tilespmem:$0x1FF60] =	vst v27;
	v27 =	vld [tilespmem:$0x1FCD0]  }
0x209: {  	v28 =	vld [tilespmem:$0x1FCE0];
	_ =	sdelay $0x3  }
0x20a: {  	v27 =	vsel vm12, $0x1F85, v27  }
0x20b: {  	v28 =	vsel vm12, $0x2385, v28;
	v27 =	vsel vm13, $0x1F86, v27  }
0x20c: {  	[tilespmem:$0x1FF70] =	vst v27;
	v27 =	vsel vm13, $0x2386, v28  }
0x20d: {  	[tilespmem:$0x1FF80] =	vst v27;
	v27 =	vld [tilespmem:$0x1FCF0];
	_ =	sdelay $0x4  }
0x20e: {  	v27 =	vsel vm12, $0x2785, v27  }
0x20f: {  	v27 =	vsel vm13, $0x2786, v27  }
0x210: {  	[tilespmem:$0x1FF90] =	vst v27;
	v27 =	vld [tilespmem:$0x1FD00]  }
0x211: {  	v28 =	vld [tilespmem:$0x1FD10];
	_ =	sdelay $0x3  }
0x212: {  	v27 =	vsel vm12, $0x2B85, v27  }
0x213: {  	v28 =	vsel vm12, $0x2F85, v28;
	v27 =	vsel vm13, $0x2B86, v27  }
0x214: {  	[tilespmem:$0x1FFA0] =	vst v27;
	v27 =	vsel vm13, $0x2F86, v28  }
0x215: {  	[tilespmem:$0x1FFB0] =	vst v27;
	v27 =	vld [tilespmem:$0x1FD20];
	_ =	sdelay $0x4  }
0x216: {  	v27 =	vsel vm12, $0x3385, v27  }
0x217: {  	v27 =	vsel vm13, $0x3386, v27  }
0x218: {  	[tilespmem:$0x1FFC0] =	vst v27;
	v27 =	vld [tilespmem:$0x1FD30]  }
0x219: {  	v28 =	vld [tilespmem:$0x1FD40];
	_ =	sdelay $0x3  }
0x21a: {  	v27 =	vsel vm12, $0x3785, v27  }
0x21b: {  	v28 =	vsel vm12, $0x3B85, v28;
	v27 =	vsel vm13, $0x3786, v27  }
0x21c: {  	v19 =	vsel vm13, $0xA04, v1;
	v1 =	vld [tilespmem:$0x1FBA0];
	[tilespmem:$0x1FFD0] =	vst v27;
	v27 =	vsel vm13, $0x3B86, v28  }
0x21d: {  	[tilespmem:$0x1FFE0] =	vst v27;
	v27 =	vld [tilespmem:$0x1FD50];
	_ =	sdelay $0x1  }
0x21e: {  	v0 =	vsel vm15, $0x2484, v0  }
0x21f: {  	[tilespmem:$0x1FD60] =	vst v0;
	v0 =	vsel vm15, $0x2884, v63  }
0x220: {  	v18 =	vsel vm13, $0x604, v2;
	v2 =	vsel vm12, $0x1203, v29;
	v29 =	vsel vm14, $0x2C83, v47  }
0x221: {  	[tilespmem:$0x1FD70] =	vst v0;
	v0 =	vsel vm15, $0x2C84, v29;
	v1 =	vsel vm12, $0xE03, v1;
	v27 =	vsel vm12, $0x3F85, v27  }
0x222: {  	v62 =	vsel vm13, $0xE04, v1;
	v1 =	vsel vm12, $0x1603, v30;
	v27 =	vsel vm13, $0x3F86, v27  }
0x223: {  	v30 =	vld [tilespmem:$0x1FDA0];
	v28 =	vimm.s32 $0x10987654;
	[tilespmem:$0x1FFF0] =	vst v27;
	v27 =	vimm.s32 $0x32109876  }
0x224: {  	[tilespmem:$0x1FD80] =	vst v0;
	v0 =	vsel vm14, $0x3083, v54;
	v28 =	vunpack.c.l.s4.s8 v28;
	v27 =	vunpack.c.l.s4.s8 v27  }
0x225: {  	v20 =	vsel vm13, $0x1204, v2;
	v2 =	vsel vm12, $0x1E03, v31;
	v0 =	vsel vm15, $0x3084, v0  }
0x226: {  	[tilespmem:$0x1FD90] =	vst v0;
	v0 =	vsel vm14, $0x3483, v57;
	v31 =	vunpack.c.0.s8.s32 v28;
	v27 =	vunpack.c.0.s8.s32 v27  }
0x227: {  	v29 =	vsel vm14, $0x3C83, v51;
	v0 =	vsel vm15, $0x3484, v0;
	v28 =	vsel vm14, $0x3883, v48  }
0x228: {  	[tilespmem:$0x1FDC0] =	vst v0;
	v0 =	vsel vm15, $0x3884, v28;
	v63 =	vcombine.low v30, v27;
	v27 =	vcombine.low v27, v31  }
0x229: {  	[tilespmem:$0x1FDD0] =	vst v0;
	v0 =	vsel vm15, $0x3C84, v29  }
0x22a: {  	[tilespmem:$0x1FDE0] =	vst v0;
	v0 =	vand.u32 $0xF, v27  }
0x22b: {  	[tilespmem:$0x1FDF0] =	vst v0;
	v0 =	vsel vm14, $0x109, v3  }
0x22c: {  	v3 =	vsel vm14, $0x509, v46;
	v0 =	vsel vm15, $0x180, v0  }
0x22d: {  	[tilespmem:$0x1FE00] =	vst v0;
	v0 =	vsel vm15, $0x580, v3  }
0x22e: {  	[tilespmem:$0x1FE10] =	vst v0;
	v0 =	vsel vm14, $0x909, v7  }
0x22f: {  	v0 =	vsel vm15, $0x980, v0  }
0x230: {  	[tilespmem:$0x1FE20] =	vst v0;
	v0 =	vsel vm14, $0xD09, v6  }
0x231: {  	v3 =	vsel vm14, $0x1109, v49;
	v0 =	vsel vm15, $0xD80, v0  }
0x232: {  	[tilespmem:$0x1FE30] =	vst v0;
	v0 =	vsel vm15, $0x1180, v3  }
0x233: {  	[tilespmem:$0x1FE40] =	vst v0;
	v0 =	vld [tilespmem:$0x1FE50];
	_ =	sdelay $0x2  }
0x234: {  	v32 =	vsel vm9, $0x1A00, v32  }
0x235: {  	v38 =	vsel vm9, $0x3200, v38;
	v32 =	vsel vm10, $0x1A01, v32  }
0x236: {  	v38 =	vsel vm10, $0x3201, v38;
	v32 =	vsel vm11, $0x1A02, v32;
	v13 =	vld [tilespmem:$0x1FBF0];
	v0 =	vsel vm14, $0x1509, v0  }
0x237: {  	v35 =	vsel vm9, $0x2600, v35;
	v41 =	vsel vm9, $0x3E00, v41;
	v0 =	vsel vm15, $0x1580, v0  }
0x238: {  	v38 =	vsel vm11, $0x3202, v38;
	v35 =	vsel vm10, $0x2601, v35;
	v41 =	vsel vm10, $0x3E01, v41;
	[tilespmem:$0x1FE60] =	vst v0;
	v0 =	vld [tilespmem:$0x1FE70]  }
0x239: {  	v35 =	vsel vm11, $0x2602, v35;
	v41 =	vsel vm11, $0x3E02, v41;
	v4 =	vsel vm12, $0x3603, v37  }
0x23a: {  	v50 =	vsel vm13, $0x3604, v4;
	v4 =	vsel vm12, $0x3E03, v41;
	v5 =	vsel vm12, $0x289, v40  }
0x23b: {  	v12 =	vsel vm13, $0x3E04, v4;
	v4 =	vsel vm12, $0x689, v42;
	v10 =	vld [tilespmem:$0x1FBC0];
	v13 =	vsel vm12, $0x2689, v13  }
0x23c: {  	[tilespmem:$0x1FB20] =	vst v55;
	v55 =	vsel vm13, $0x700, v4;
	v4 =	vsel vm12, $0xA89, v43;
	v13 =	vsel vm13, $0x2700, v13  }
0x23d: {  	v4 =	vsel vm13, $0xB00, v4;
	[tilespmem:$0x1FEA0] =	vst v13;
	v13 =	vld [tilespmem:$0x1FC00];
	v22 =	vsel vm13, $0x1E04, v2;
	v0 =	vsel vm14, $0x1909, v0  }
0x23e: {  	v2 =	vsel vm12, $0x2A03, v34;
	v27 =	vsel vm15, $0x1980, v0;
	v0 =	vsel vm14, $0x2109, v60  }
0x23f: {  	v24 =	vsel vm13, $0x2A04, v2;
	v2 =	vsel vm12, $0x3203, v38;
	v29 =	vsel vm15, $0x2180, v0;
	v0 =	vld [tilespmem:$0x1FE80]  }
0x240: {  	v10 =	vsel vm12, $0x1A89, v10;
	v11 =	vsel vm13, $0x3204, v2;
	v2 =	vsel vm12, $0x3A03, v39  }
0x241: {  	v25 =	vsel vm13, $0x1B00, v10;
	v26 =	vsel vm13, $0x300, v5;
	v5 =	vsel vm12, $0xE89, v44  }
0x242: {  	v2 =	vsel vm13, $0x3A04, v2;
	v13 =	vsel vm12, $0x2A89, v13;
	v5 =	vsel vm13, $0xF00, v5  }
0x243: {  	[tilespmem:$0x1FE90] =	vst v5;
	v5 =	vsel vm12, $0x1289, v45;
	v21 =	vsel vm13, $0x1604, v1;
	v1 =	vsel vm12, $0x1A03, v32  }
0x244: {  	v58 =	vsel vm13, $0x1300, v5;
	v8 =	vsel vm13, $0x1A04, v1;
	v0 =	vsel vm14, $0x2509, v0  }
0x245: {  	v10 =	vld [tilespmem:$0x1FBD0];
	v1 =	vsel vm12, $0x2203, v33;
	v30 =	vsel vm15, $0x2580, v0;
	v0 =	vsel vm14, $0x2D09, v14  }
0x246: {  	v23 =	vsel vm13, $0x2204, v1;
	v32 =	vsel vm15, $0x2D80, v0;
	v0 =	vsel vm14, $0x3109, v15  }
0x247: {  	v1 =	vsel vm12, $0x2603, v35;
	v33 =	vsel vm15, $0x3180, v0;
	v0 =	vsel vm14, $0x3909, v16  }
0x248: {  	v5 =	vld [tilespmem:$0x1FBB0];
	v9 =	vsel vm13, $0x2604, v1;
	v35 =	vsel vm15, $0x3980, v0;
	v0 =	vsel vm14, $0x3D09, v17  }
0x249: {  	v1 =	vsel vm12, $0x2E03, v36;
	v36 =	vsel vm15, $0x3D80, v0;
	v0 =	vsel vm14, $0x605, v18  }
0x24a: {  	v10 =	vsel vm12, $0x1E89, v10;
	v38 =	vsel vm15, $0x606, v0;
	v0 =	vsel vm14, $0xA05, v19  }
0x24b: {  	v61 =	vsel vm13, $0x1F00, v10;
	v10 =	vld [tilespmem:$0x1FBE0];
	v39 =	vsel vm15, $0xA06, v0;
	v0 =	vsel vm14, $0x1205, v20  }
0x24c: {  	v13 =	vsel vm13, $0x2B00, v13;
	v41 =	vsel vm15, $0x1206, v0;
	v0 =	vsel vm14, $0x1605, v21  }
0x24d: {  	v5 =	vsel vm12, $0x1689, v5;
	v42 =	vsel vm15, $0x1606, v0;
	v0 =	vsel vm14, $0x1E05, v22  }
0x24e: {  	v5 =	vsel vm13, $0x1700, v5;
	v44 =	vsel vm15, $0x1E06, v0;
	v0 =	vsel vm14, $0x2205, v23  }
0x24f: {  	v1 =	vsel vm13, $0x2E04, v1;
	v45 =	vsel vm15, $0x2206, v0;
	v0 =	vsel vm14, $0x2A05, v24  }
0x250: {  	v10 =	vsel vm12, $0x2289, v10;
	v47 =	vsel vm15, $0x2A06, v0;
	v0 =	vsel vm14, $0x2E05, v1  }
0x251: {  	v3 =	vsel vm14, $0x1D09, v52;
	v48 =	vsel vm15, $0x2E06, v0;
	v0 =	vsel vm14, $0x3605, v50  }
0x252: {  	v28 =	vsel vm15, $0x1D80, v3;
	v50 =	vsel vm15, $0x3606, v0;
	v0 =	vsel vm14, $0x3A05, v2  }
0x253: {  	v3 =	vsel vm14, $0x2909, v53;
	v51 =	vsel vm15, $0x3A06, v0;
	v0 =	vsel vm14, $0x301, v26  }
0x254: {  	[tilespmem:$0x1FDB0] =	vst v31;
	v31 =	vsel vm15, $0x2980, v3;
	v3 =	vsel vm14, $0x3509, v56;
	v54 =	vsel vm15, $0x302, v0;
	v0 =	vld [tilespmem:$0x1FE90]  }
0x255: {  	v10 =	vsel vm13, $0x2300, v10;
	v34 =	vsel vm15, $0x3580, v3;
	v1 =	vsel vm14, $0x3205, v11  }
0x256: {  	v3 =	vsel vm14, $0x205, v59;
	v49 =	vsel vm15, $0x3206, v1;
	v1 =	vsel vm14, $0x3E05, v12  }
0x257: {  	v37 =	vsel vm15, $0x206, v3;
	v52 =	vsel vm15, $0x3E06, v1;
	v1 =	vsel vm14, $0x701, v55  }
0x258: {  	v3 =	vsel vm14, $0xE05, v62;
	v55 =	vsel vm15, $0x702, v1;
	v1 =	vsel vm14, $0x1301, v58  }
0x259: {  	[tilespmem:$0x1FEB0] =	vst v13;
	v13 =	vld [tilespmem:$0x1FC10];
	v58 =	vsel vm15, $0x1302, v1;
	v1 =	vsel vm14, $0x1F01, v61;
	v0 =	vsel vm14, $0xF01, v0  }
0x25a: {  	v61 =	vsel vm15, $0x1F02, v1;
	v1 =	vld [tilespmem:$0x1FEB0];
	v57 =	vsel vm15, $0xF02, v0;
	v0 =	vsel vm14, $0x1B01, v25  }
0x25b: {  	v40 =	vsel vm15, $0xE06, v3;
	v3 =	vsel vm14, $0x1A05, v8;
	v60 =	vsel vm15, $0x1B02, v0;
	v0 =	vld [tilespmem:$0x1FEA0]  }
0x25c: {  	v43 =	vsel vm15, $0x1A06, v3;
	v3 =	vsel vm14, $0x2605, v9;
	v2 =	vsel vm14, $0xB01, v4  }
0x25d: {  	v46 =	vsel vm15, $0x2606, v3;
	v3 =	vld [tilespmem:$0x1FED0];
	v56 =	vsel vm15, $0xB02, v2;
	v2 =	vsel vm14, $0x1701, v5  }
0x25e: {  	v13 =	vsel vm12, $0x2E89, v13;
	v59 =	vsel vm15, $0x1702, v2;
	v2 =	vsel vm14, $0x2301, v10  }
0x25f: {  	v13 =	vsel vm13, $0x2F00, v13;
	v53 =	vand.u32 $0xF, v63;
	v62 =	vsel vm15, $0x2302, v2  }
0x260: {  	v2 =	vsel vm14, $0x2F01, v13;
	v1 =	vsel vm14, $0x2B01, v1;
	v0 =	vsel vm14, $0x2701, v0  }
0x261: {  	v63 =	vsel vm15, $0x2702, v0;
	v0 =	vsel vm15, $0x2B02, v1;
	v1 =	vsel vm15, $0x2F02, v2;
	v2 =	vld [tilespmem:$0x1FEC0]  }
0x262: {  	s6 =	rddreg [dreg:$0x0];
	v4 =	vsel vm14, $0x3701, v3;
	v3 =	vld [tilespmem:$0x1FEE0]  }
0x263: {  	s0 =	rddreg [dreg:$0x1];
	v6 =	vld [tilespmem:$0x1FF00]  }
0x264: {  	s7 =	rddreg [dreg:$0x2]  }
0x265: {  	s8 =	rddreg [dreg:$0x3]  }
0x266: {  	s2 =	simm.s32 $0x0;
	s9 =	rddreg [dreg:$0x4];
	v2 =	vsel vm14, $0x3301, v2  }
0x267: {  	[smem:$0x7FF] =	sst s2;
	v5 =	vsel vm14, $0x3B01, v3;
	v3 =	vsel vm15, $0x3302, v2;
	v2 =	vsel vm15, $0x3702, v4;
	v4 =	vld [tilespmem:$0x1FEF0]  }
0x268: {  	s1 =	rddreg [dreg:$0x5];
	v7 =	vsel vm14, $0x387, v6;
	v6 =	vld [tilespmem:$0x1FF10];
	_ =	strace $0x80000047  }
0x269: {  	v9 =	vld [tilespmem:$0x1FF30];
	_ =	sdelay $0x2  }
0x26a: {  	v4 =	vsel vm14, $0x3F01, v4  }
0x26b: {  	v8 =	vsel vm14, $0x787, v6;
	v6 =	vsel vm15, $0x3F02, v4;
	v4 =	vld [tilespmem:$0x1FF20]  }
0x26c: {  	v10 =	vsel vm14, $0xF87, v9;
	v9 =	vld [tilespmem:$0x1FF40]  }
0x26d: {  	v12 =	vld [tilespmem:$0x1FF60];
	_ =	sdelay $0x2  }
0x26e: {  	v15 =	vld [tilespmem:$0x1FF90];
	v4 =	vsel vm14, $0xB87, v4  }
0x26f: {  	v11 =	vsel vm14, $0x1387, v9;
	v9 =	vsel vm15, $0xB88, v4;
	v4 =	vld [tilespmem:$0x1FF50]  }
0x270: {  	v13 =	vsel vm14, $0x1B87, v12;
	v12 =	vld [tilespmem:$0x1FF70];
	_ =	sdelay $0x3  }
0x271: {  	v16 =	vsel vm14, $0x2787, v15;
	v15 =	vld [tilespmem:$0x1FFA0];
	v4 =	vsel vm14, $0x1787, v4  }
0x272: {  	v14 =	vsel vm14, $0x1F87, v12;
	v12 =	vsel vm15, $0x1788, v4;
	v4 =	vld [tilespmem:$0x1FF80];
	_ =	sdelay $0x4  }
0x273: {  	v18 =	vsel vm14, $0x2B87, v15;
	v4 =	vsel vm14, $0x2387, v4  }
0x274: {  	v15 =	vsel vm15, $0x2388, v4;
	v4 =	vsel vm15, $0x2B88, v18;
	v18 =	vld [tilespmem:$0x1FFC0];
	_ =	sdelay $0x3  }
0x275: {  	v17 =	vsel vm15, $0x2788, v16;
	v16 =	vld [tilespmem:$0x1FFB0]  }
0x276: {  	v19 =	vsel vm14, $0x3387, v18;
	v18 =	vld [tilespmem:$0x1FFD0];
	_ =	sdelay $0x3  }
0x277: {  	v16 =	vsel vm14, $0x2F87, v16  }
0x278: {  	v20 =	vsel vm14, $0x3787, v18;
	v18 =	vsel vm15, $0x2F88, v16;
	v16 =	vld [tilespmem:$0x1FFE0];
	_ =	sdelay $0x1  }
0x279: {  	s5 =	srdreg.scid;
	s3 =	stileid.u32  }
0x27a: {  	s15 =	simm.s32 $0x4300;
	s16 =	simm.s32 $0x4480;
	s17 =	simm.s32 $0x300  }
0x27b: {  	s18 =	simm.s32 $0x1;
	s10 =	sand.u32 $0x1, s5;
	s11 =	sshll.u32 s3, $0x1  }
0x27c: {  	s19 =	simm.s32 $0x2;
	s11 =	sor.u32 s10, s11;
	s10 =	ssub.s32 $0x2, s10;
	v21 =	vsel vm14, $0x3B87, v16;
	v16 =	vld [tilespmem:$0x1FFF0]  }
0x27d: {  	s20 =	simm.s32 $0x0;
	s12 =	sshll.u32 s11, $0xB;
	s13 =	sshrl.u32 s10, $0x1  }
0x27e: {  	s14 =	smul.u32 $0x30, s11;
	s31 =	sshll.u32 s11, $0x4;
	s10 =	ssub.s32 s10, s13;
	v7 =	vsel vm15, $0x388, v7;
	v8 =	vsel vm15, $0x788, v8  }
0x27f: {  	s11 =	simm.s32 $0x3;
	s13 =	simm.s32 $0x80;
	s10 =	smax.u32 s10, $0x1;
	v5 =	vsel vm15, $0x3B02, v5;
	v10 =	vsel vm15, $0xF88, v10;
	v13 =	vsel vm15, $0x1B88, v13  }
0x280: {  	s4 =	sadd.s32 $0x1600, s7;
	s5 =	sadd.s32 $0xAA00, s7;
	s12 =	sadd.s32 s12, s7;
	v11 =	vsel vm15, $0x1388, v11;
	v14 =	vsel vm15, $0x1F88, v14;
	v19 =	vsel vm15, $0x3388, v19  }
0x281: {  	s6 =	sadd.s32 s6, s31;
	s7 =	sadd.s32 s8, s14;
	s8 =	sadd.s32 s9, s14;
	v20 =	vsel vm15, $0x3788, v20;
	v22 =	vsel vm14, $0x3F87, v16;
	v16 =	vlaneseq.u32  }
0x282: {  	s14 =	simm.s32 $0x180;
	s9 =	sadd.s32 $0x13E00, s12;
	s12 =	simm.s32 $0x280;
	v21 =	vsel vm15, $0x3B88, v21;
	v22 =	vsel vm15, $0x3F88, v22;
	v23 =	vmul.u32 $0x186A0, v16  }
.LBB2_1:
0x283: {  	[tilespmem:s2], [sflag:$0x3] =	stream.linear.gather [hbm4b:s6+s2], $0x80, $0x38;
	[tilespmem:$0x4600] =	vst v63  }
0x284: {  	_ =	swait.ge [sflag:s11], $0x80  }
0x285: {  	[sflag:s11] =	ssyncset.done $0x0  }
0x286: {  	v24 =	vmov s2;
	[sflag:s11] =	ssyncadd.s32 $0xFFFFFF80  }
0x287: {  	[tilespmem:s12], [sflag:$0x3] =	stream.linear.gather [hbm4b:s0+s2], $0x80, $0x38;
	[tilespmem:$0x4600] =	vst v63  }
0x288: {  	_ =	swait.ge [sflag:s11], $0x80  }
0x289: {  	[sflag:s11] =	ssyncset.done $0x0  }
0x28a: {  	[sflag:s11] =	ssyncadd.s32 $0xFFFFFF80  }
0x28b: {  	v24 =	vld.idx.msk [tilespmem:v24+s2+$0x0], $0xffff  }
0x28c: {  	s21 =	simm.s32 $0x1;
	v25 =	vadd.s32 s2, v16  }
0x28d: {  	s22 =	simm.s32 $0x2;
	v26 =	vmov s21;
	s21 =	simm.s32 $0x0  }
.LBB2_2:
0x28e: {  	p0 =	sne.s32 s22, $0x7F;
	_ =	sdelay $0x1  }
0x28f: {  	v24 =	vadd.s32 v23, v24  }
.Ltmp0:
0x290: {  	[tilespmem:v25+s13+$0x0] =	vst.idx.msk $0xffff, v24;
	(pc) =	sbr.rel @p0 .LBB2_2-.Ltmp0, $4  }
0x291: {  	v24 =	vld.idx.msk [tilespmem:v26+s2+$0x0], $0xffff  }
0x292: {  	s21 =	sadd.s32 $0x3, s21  }
0x293: {  	v25 =	vadd.s32 s21, v16  }
0x294: {  	v26 =	vmov s22;
	s22 =	sadd.s32 $0x1, s22  }
0x295: {  	_ =	sdelay $0x2  }
0x296: {  	v24 =	vadd.s32 v23, v24  }
0x297: {  	[tilespmem:v25+s13+$0x0] =	vst.idx.msk $0xffff, v24  }
0x298: {  	s21 =	sadd.s32 $0x3, s21;
	v24 =	vld.idx.msk [tilespmem:v26+s2+$0x0], $0xffff  }
0x299: {  	v25 =	vadd.s32 s21, v16;
	_ =	sdelay $0x3  }
0x29a: {  	v24 =	vadd.s32 v23, v24  }
0x29b: {  	[tilespmem:v25+s13+$0x0] =	vst.idx.msk $0xffff, v24;
	v24 =	vld [tilespmem:$0x1F7E0];
	_ =	sdelay $0x4  }
0x29c: {  	v25 =	vld [tilespmem:$0x1F910];
	[tilespmem:s15], [sflag:$0x1] =	stream.indirect.gather [hbm4b:s4+s14], $0x1, s13, s14, $0xb8  }
0x29d: {  	_ = 	snop  }
0x29e: {  	[tilespmem:s16], [sflag:$0x1] =	stream.indirect.gather [hbm4b:s5+s14], $0x1, s13, s14, $0xb8;
	[tilespmem:$0x4600] =	vst v63  }
0x29f: {  	v24 =	vld.idx.msk [tilespmem:v24+s12+$0x0], $0xffff;
	_ =	sdelay $0x4  }
0x2a0: {  	[tilespmem:v25+s17+$0x0] =	vst.idx.msk $0xffff, v24;
	v25 =	vld [tilespmem:$0x1FB20];
	_ =	sdelay $0x7  }
0x2a1: {  	[tilespmem:v25+s17+$0x0] =	vst.idx.msk $0xffff, v24;
	v25 =	vld [tilespmem:$0x1FB30];
	_ =	sdelay $0x7  }
0x2a2: {  	[tilespmem:v25+s17+$0x0] =	vst.idx.msk $0xffff, v24;
	v25 =	vld [tilespmem:$0x1FB40];
	_ =	sdelay $0x7  }
0x2a3: {  	[tilespmem:v25+s17+$0x0] =	vst.idx.msk $0xffff, v24;
	v25 =	vld [tilespmem:$0x1FB50];
	_ =	sdelay $0x7  }
0x2a4: {  	[tilespmem:v25+s17+$0x0] =	vst.idx.msk $0xffff, v24;
	v25 =	vld [tilespmem:$0x1FB60];
	_ =	sdelay $0x7  }
0x2a5: {  	[tilespmem:v25+s17+$0x0] =	vst.idx.msk $0xffff, v24;
	v25 =	vld [tilespmem:$0x1FB70];
	_ =	sdelay $0x7  }
0x2a6: {  	[tilespmem:v25+s17+$0x0] =	vst.idx.msk $0xffff, v24;
	v25 =	vld [tilespmem:$0x1FB80];
	_ =	sdelay $0x7  }
0x2a7: {  	[tilespmem:v25+s17+$0x0] =	vst.idx.msk $0xffff, v24;
	v25 =	vld [tilespmem:$0x1FB90];
	_ =	sdelay $0x7  }
0x2a8: {  	[tilespmem:v25+s17+$0x0] =	vst.idx.msk $0xffff, v24;
	v25 =	vld [tilespmem:$0x1FD60];
	_ =	sdelay $0x7  }
0x2a9: {  	[tilespmem:v25+s17+$0x0] =	vst.idx.msk $0xffff, v24;
	v25 =	vld [tilespmem:$0x1FD70];
	_ =	sdelay $0x7  }
0x2aa: {  	[tilespmem:v25+s17+$0x0] =	vst.idx.msk $0xffff, v24;
	v25 =	vld [tilespmem:$0x1FD80];
	_ =	sdelay $0x7  }
0x2ab: {  	[tilespmem:v25+s17+$0x0] =	vst.idx.msk $0xffff, v24;
	v25 =	vld [tilespmem:$0x1FD90];
	_ =	sdelay $0x7  }
0x2ac: {  	[tilespmem:v25+s17+$0x0] =	vst.idx.msk $0xffff, v24;
	v25 =	vld [tilespmem:$0x1FDC0];
	_ =	sdelay $0x7  }
0x2ad: {  	[tilespmem:v25+s17+$0x0] =	vst.idx.msk $0xffff, v24;
	v25 =	vld [tilespmem:$0x1FDD0];
	_ =	sdelay $0x7  }
0x2ae: {  	[tilespmem:v25+s17+$0x0] =	vst.idx.msk $0xffff, v24;
	v25 =	vld [tilespmem:$0x1FDE0];
	_ =	sdelay $0x7  }
0x2af: {  	[tilespmem:v25+s17+$0x0] =	vst.idx.msk $0xffff, v24;
	v24 =	vld [tilespmem:$0x1FDF0];
	_ =	sdelay $0x4  }
0x2b0: {  	v25 =	vld [tilespmem:$0x1FE00];
	_ =	sdelay $0x2  }
0x2b1: {  	v24 =	vld.idx.msk [tilespmem:v24+s12+$0x0], $0xffff;
	_ =	sdelay $0x4  }
0x2b2: {  	[tilespmem:v25+s17+$0x0] =	vst.idx.msk $0xffff, v24;
	v25 =	vld [tilespmem:$0x1FE10];
	_ =	sdelay $0x7  }
0x2b3: {  	[tilespmem:v25+s17+$0x0] =	vst.idx.msk $0xffff, v24;
	v25 =	vld [tilespmem:$0x1FE20];
	_ =	sdelay $0x7  }
0x2b4: {  	[tilespmem:v25+s17+$0x0] =	vst.idx.msk $0xffff, v24;
	v25 =	vld [tilespmem:$0x1FE30];
	_ =	sdelay $0x7  }
0x2b5: {  	[tilespmem:v25+s17+$0x0] =	vst.idx.msk $0xffff, v24;
	v25 =	vld [tilespmem:$0x1FE40];
	_ =	sdelay $0x7  }
0x2b6: {  	[tilespmem:v25+s17+$0x0] =	vst.idx.msk $0xffff, v24;
	v25 =	vld [tilespmem:$0x1FE60];
	_ =	sdelay $0x7  }
0x2b7: {  	[tilespmem:v25+s17+$0x0] =	vst.idx.msk $0xffff, v24  }
0x2b8: {  	[tilespmem:v27+s17+$0x0] =	vst.idx.msk $0xffff, v24  }
0x2b9: {  	[tilespmem:v28+s17+$0x0] =	vst.idx.msk $0xffff, v24  }
0x2ba: {  	[tilespmem:v29+s17+$0x0] =	vst.idx.msk $0xffff, v24  }
0x2bb: {  	[tilespmem:v30+s17+$0x0] =	vst.idx.msk $0xffff, v24  }
0x2bc: {  	[tilespmem:v31+s17+$0x0] =	vst.idx.msk $0xffff, v24  }
0x2bd: {  	[tilespmem:v32+s17+$0x0] =	vst.idx.msk $0xffff, v24  }
0x2be: {  	[tilespmem:v33+s17+$0x0] =	vst.idx.msk $0xffff, v24  }
0x2bf: {  	[tilespmem:v34+s17+$0x0] =	vst.idx.msk $0xffff, v24  }
0x2c0: {  	[tilespmem:v35+s17+$0x0] =	vst.idx.msk $0xffff, v24  }
0x2c1: {  	[tilespmem:v36+s17+$0x0] =	vst.idx.msk $0xffff, v24;
	v24 =	vld [tilespmem:$0x1F320];
	_ =	sdelay $0x7  }
0x2c2: {  	v24 =	vld.idx.msk [tilespmem:v24+s12+$0x0], $0xffff;
	_ =	sdelay $0x4  }
0x2c3: {  	[tilespmem:v37+s17+$0x0] =	vst.idx.msk $0xffff, v24  }
0x2c4: {  	[tilespmem:v38+s17+$0x0] =	vst.idx.msk $0xffff, v24  }
0x2c5: {  	[tilespmem:v39+s17+$0x0] =	vst.idx.msk $0xffff, v24  }
0x2c6: {  	[tilespmem:v40+s17+$0x0] =	vst.idx.msk $0xffff, v24  }
0x2c7: {  	[tilespmem:v41+s17+$0x0] =	vst.idx.msk $0xffff, v24  }
0x2c8: {  	[tilespmem:v42+s17+$0x0] =	vst.idx.msk $0xffff, v24  }
0x2c9: {  	[tilespmem:v43+s17+$0x0] =	vst.idx.msk $0xffff, v24  }
0x2ca: {  	[tilespmem:v44+s17+$0x0] =	vst.idx.msk $0xffff, v24  }
0x2cb: {  	[tilespmem:v45+s17+$0x0] =	vst.idx.msk $0xffff, v24  }
0x2cc: {  	[tilespmem:v46+s17+$0x0] =	vst.idx.msk $0xffff, v24  }
0x2cd: {  	[tilespmem:v47+s17+$0x0] =	vst.idx.msk $0xffff, v24  }
0x2ce: {  	[tilespmem:v48+s17+$0x0] =	vst.idx.msk $0xffff, v24  }
0x2cf: {  	[tilespmem:v49+s17+$0x0] =	vst.idx.msk $0xffff, v24  }
0x2d0: {  	[tilespmem:v50+s17+$0x0] =	vst.idx.msk $0xffff, v24  }
0x2d1: {  	[tilespmem:v51+s17+$0x0] =	vst.idx.msk $0xffff, v24  }
0x2d2: {  	[tilespmem:v52+s17+$0x0] =	vst.idx.msk $0xffff, v24  }
0x2d3: {  	v24 =	vld.idx.msk [tilespmem:v53+s12+$0x0], $0xffff;
	_ =	sdelay $0x4  }
0x2d4: {  	[tilespmem:v54+s17+$0x0] =	vst.idx.msk $0xffff, v24  }
0x2d5: {  	[tilespmem:v55+s17+$0x0] =	vst.idx.msk $0xffff, v24  }
0x2d6: {  	[tilespmem:v56+s17+$0x0] =	vst.idx.msk $0xffff, v24  }
0x2d7: {  	v26 =	vld [tilespmem:$0x1FDB0];
	[tilespmem:v57+s17+$0x0] =	vst.idx.msk $0xffff, v24  }
0x2d8: {  	v25 =	vld [tilespmem:$0x1F300];
	[tilespmem:v58+s17+$0x0] =	vst.idx.msk $0xffff, v24  }
0x2d9: {  	[tilespmem:v59+s17+$0x0] =	vst.idx.msk $0xffff, v24  }
0x2da: {  	[tilespmem:v60+s17+$0x0] =	vst.idx.msk $0xffff, v24  }
0x2db: {  	[tilespmem:v61+s17+$0x0] =	vst.idx.msk $0xffff, v24  }
0x2dc: {  	[tilespmem:v62+s17+$0x0] =	vst.idx.msk $0xffff, v24  }
0x2dd: {  	v25 =	vcombine.low v26, v25;
	[tilespmem:v63+s17+$0x0] =	vst.idx.msk $0xffff, v24  }
0x2de: {  	[tilespmem:v0+s17+$0x0] =	vst.idx.msk $0xffff, v24  }
0x2df: {  	v25 =	vand.u32 $0xF, v25;
	[tilespmem:v1+s17+$0x0] =	vst.idx.msk $0xffff, v24  }
0x2e0: {  	[tilespmem:v3+s17+$0x0] =	vst.idx.msk $0xffff, v24  }
0x2e1: {  	[tilespmem:v2+s17+$0x0] =	vst.idx.msk $0xffff, v24  }
0x2e2: {  	[tilespmem:v5+s17+$0x0] =	vst.idx.msk $0xffff, v24  }
0x2e3: {  	[tilespmem:v6+s17+$0x0] =	vst.idx.msk $0xffff, v24  }
0x2e4: {  	v24 =	vld.idx.msk [tilespmem:v25+s12+$0x0], $0xffff;
	_ =	sdelay $0x4  }
0x2e5: {  	[tilespmem:v7+s17+$0x0] =	vst.idx.msk $0xffff, v24  }
0x2e6: {  	[tilespmem:v8+s17+$0x0] =	vst.idx.msk $0xffff, v24  }
0x2e7: {  	[tilespmem:v9+s17+$0x0] =	vst.idx.msk $0xffff, v24  }
0x2e8: {  	[tilespmem:v10+s17+$0x0] =	vst.idx.msk $0xffff, v24  }
0x2e9: {  	[tilespmem:v11+s17+$0x0] =	vst.idx.msk $0xffff, v24  }
0x2ea: {  	[tilespmem:v12+s17+$0x0] =	vst.idx.msk $0xffff, v24  }
0x2eb: {  	[tilespmem:v13+s17+$0x0] =	vst.idx.msk $0xffff, v24  }
0x2ec: {  	[tilespmem:v14+s17+$0x0] =	vst.idx.msk $0xffff, v24  }
0x2ed: {  	[tilespmem:v15+s17+$0x0] =	vst.idx.msk $0xffff, v24  }
0x2ee: {  	[tilespmem:v17+s17+$0x0] =	vst.idx.msk $0xffff, v24  }
0x2ef: {  	[tilespmem:v4+s17+$0x0] =	vst.idx.msk $0xffff, v24  }
0x2f0: {  	[tilespmem:v18+s17+$0x0] =	vst.idx.msk $0xffff, v24  }
0x2f1: {  	[tilespmem:v19+s17+$0x0] =	vst.idx.msk $0xffff, v24  }
0x2f2: {  	[tilespmem:v20+s17+$0x0] =	vst.idx.msk $0xffff, v24  }
0x2f3: {  	[tilespmem:v21+s17+$0x0] =	vst.idx.msk $0xffff, v24  }
0x2f4: {  	[tilespmem:v22+s17+$0x0] =	vst.idx.msk $0xffff, v24  }
0x2f5: {  	_ =	swait.ge [sflag:s18], $0x180  }
0x2f6: {  	[sflag:s18] =	ssyncset.done $0x0  }
0x2f7: {  	[sflag:s18] =	ssyncadd.s32 $0xFFFFFE80  }
0x2f8: {  	_ =	swait.ge [sflag:s18], $0x180  }
0x2f9: {  	[sflag:s18] =	ssyncset.done $0x0  }
0x2fa: {  	[sflag:s18] =	ssyncadd.s32 $0xFFFFFE80  }
0x2fb: {  	[hbm4b:s7+s2] =	stream.linear.scatter [tilespmem:s15], [sflag:$0x2], $0x180, $0x38;
	[tilespmem:$0x4600] =	vst v63  }
0x2fc: {  	_ = 	snop  }
0x2fd: {  	[hbm4b:s8+s2] =	stream.linear.scatter [tilespmem:s16], [sflag:$0x2], $0x180, $0x38;
	[tilespmem:$0x4600] =	vst v63  }
0x2fe: {  	_ = 	snop  }
0x2ff: {  	[hbm4b:s9+s2] =	stream.linear.scatter [tilespmem:s17], [sflag:$0x2], $0x4000, $0x38;
	[tilespmem:$0x4600] =	vst v63  }
0x300: {  	_ =	swait.ge [sflag:s19], $0x180  }
0x301: {  	[sflag:s19] =	ssyncset.done $0x0  }
0x302: {  	s20 =	sadd.s32 $0x1, s20;
	[sflag:s19] =	ssyncadd.s32 $0xFFFFFE80  }
0x303: {  	p0 =	sne.s32 s20, s10;
	_ =	swait.ge [sflag:s19], $0x180  }
.Ltmp1:
0x304: {  	[sflag:s19] =	ssyncset.done $0x0;
	(pc) =	sbr.rel @p0 .LBB2_1-.Ltmp1, $4  }
0x305: {  	[sflag:s19] =	ssyncadd.s32 $0xFFFFFE80  }
0x306: {  	_ =	swait.ge [sflag:s19], $0x4000  }
0x307: {  	[sflag:s19] =	ssyncset.done $0x0  }
0x308: {  	[sflag:s19] =	ssyncadd.s32 $0xFFFFC000  }
0x309: {  	_ =	sfence.sel $0x180000  }
0x30a: {  	[bflag:$0x0] =	sbarrier.arrive $0xFFFF  }
0x30b: {  	p0 =	sne.s32 s3, $0x0;
	_ =	strace $0x90000047  }
0x30c: {  	s0 =	sadd.s32 @!p0 $0x100000, s1;
	[bflag:$0x2] =	sbarrier.arrive $0xFFFF  }
0x30d: {  	[sflag:s0] =	ssyncadd.tile.s32 @!p0 $0x1;
	_ =	shalt  }
.Lfunc_end2:
_tile_overlayer_lowered:
.L_overlay_start_2:
0x30e: {  	(tag) =	ssettag $0x2  }
0x30f: {  	s0 =	rddreg [dreg:$0x0];
	s2 =	stileid.u32  }
0x310: {  	s1 =	rddreg [dreg:$0x1];
	p0 =	sne.s32 s2, $0x0  }
0x311: {  	s3 =	rddreg [dreg:$0x2];
	[bflag:$0x3] =	sbarrier.arrive $0xFFFF;
	s2 =	simm.s32 @!p0 $0x1C03  }
0x312: {  	[timem:s3], [sflag:s2] =	dma.local @!p0 [hbm:s0], s1  }
0x313: {  	s0 =	simm.s32 @!p0 $0x3  }
0x314: {  	_ =	swait.ge @!p0 [sflag:s0], s1  }
0x315: {  	s1 =	ssub.s32 @!p0 $0x0, s1;
	[sflag:s0] =	ssyncset.done @!p0 $0x0  }
0x316: {  	[sflag:s0] =	ssyncadd.s32 @!p0 s1  }
0x317: {  	[bflag:$0x3] =	sbarrier.arrive $0xFFFF  }
0x318: {  	_ =	shalt  }

// kernel: kernel.8.cloned.1.call-start
scs
__scs_entry_jumppad:
0x0: {  	(pc) =	sbr.rel $0x88, $3  }
0x1: {  	(tag) =	ssettag $0x0;
	lr =	simm.s32 $0x1  }
0x2: {  	[smem:$0x3F9C] =	sst lr;
	_ =	strace $0xD0000000  }
0x3: {  	_ = 	snop  }
0x4: {  	_ = 	snop  }
0x5: {  	_ = 	snop  }
0x6: {  	_ = 	snop  }
0x7: {  	_ = 	snop  }
__scs_overlays_trampoline_lowered:
0x8: {  	[smem:$0x3FAB] =	sst s0  }
0x9: {  	[smem:$0x3FAC] =	sst s1  }
0xa: {  	[smem:$0x3FAD] =	sst s2  }
0xb: {  	[smem:$0x3FAE] =	sst s3  }
0xc: {  	[smem:$0x3FAF] =	sst s4  }
0xd: {  	[smem:$0x3FB0] =	sst s5  }
0xe: {  	[smem:$0x3FB1] =	sst s6  }
0xf: {  	[smem:$0x3FB2] =	sst s7  }
0x10: {  	[smem:$0x3FB3] =	sst s8  }
0x11: {  	[smem:$0x3FB4] =	sst s9;
	s0 =	simm.s32 @!p0 $0x0  }
0x12: {  	s1 =	sld [smem:$0x3F9A];
	s0 =	simm.s32 @p0 $0x1  }
0x13: {  	[smem:$0x3FB5] =	sst s0;
	s0 =	simm.s32 @!p1 $0x0  }
0x14: {  	s2 =	sld [smem:$0x3F99];
	s0 =	simm.s32 @p1 $0x1  }
0x15: {  	[smem:$0x3FB6] =	sst s0;
	s0 =	simm.s32 @!p2 $0x0  }
0x16: {  	s3 =	sld [smem:$0x3FDB];
	s0 =	simm.s32 @p2 $0x1  }
0x17: {  	s4 =	simm.s32 $0x1BF5;
	[smem:$0x3FB8] =	sst s0  }
0x18: {  	s0 =	sld [smem:$0x3F9B];
	_ =	swait.ge [sflag:s4], $0x0  }
0x19: {  	s7 =	sld [smem:$0x3F9C]  }
0x1a: {  	s8 =	sadd.s32 $0xFFFFE003, lr  }
0x1b: {  	s9 =	sadd.s32 $0xFFFFFEF7, lr;
	s5 =	simm.s32 $0xFFFFFFFF;
	p2 =	slt.u32 s8, $0xFFFFF086  }
0x1c: {  	p1 =	slt.u32 s9, $0xF7A;
	s5 =	simm.s32 @!p2 $0x0  }
0x1d: {  	s5 =	simm.s32 @p1 $0x1;
	p0 =	seq.s32 s7, s2  }
0x1e: {  	s7 =	smul.u32 @!p0 $0xF7A, s2;
	p2 =	seq.s32 @!p0 s5, $0x0  }
0x1f: {  	s9 =	smul.u32 $0xF7A, s1;
	s8 =	simm.s32 @!p0 $0x1BF5;
	p2 =	por !p2, p0  }
0x20: {  	[sflag:s8] =	ssyncset.s32 @!p0 $0xFFFFF086;
	s6 =	sadd.s32 @!p0 s3, s7;
	s7 =	simm.s32 @!p0 $0x108  }
0x21: {  	s3 =	sadd.s32 s3, s9;
	s6 =	sadd.s32 @!p0 $0x88, s6;
	s7 =	simm.s32 @p2 $0x1082  }
0x22: {  	[simem:s7], [sflag:s8] =	dma.local @!p0 [hbm:s6], $0xF7A  }
0x23: {  	s9 =	sor.u32 $0xD0000000, s2;
	s6 =	simm.s32 $0x108;
	_ =	swait.ge @!p0 [sflag:s8], $0x0  }
0x24: {  	s3 =	sadd.s32 $0x88, s3;
	s6 =	simm.s32 @!p1 $0x1082;
	[sflag:s4] =	ssyncset.s32 $0xFFFFF086  }
0x25: {  	[simem:s6], [sflag:s4] =	dma.local [hbm:s3], $0xF7A  }
0x26: {  	[smem:$0x3F9C] =	sst s1;
	(tag) =	ssettag s2;
	_ =	strace s9  }
0x27: {  	s1 =	sld [smem:$0x3FAC]  }
0x28: {  	s2 =	sld [smem:$0x3FAD]  }
0x29: {  	s4 =	sld [smem:$0x3FAF]  }
0x2a: {  	p0 =	seq.s32 s5, $0x0;
	s5 =	sld [smem:$0x3FB0]  }
0x2b: {  	s6 =	sld [smem:$0x3FB1]  }
0x2c: {  	s7 =	sld [smem:$0x3FB2]  }
0x2d: {  	s3 =	simm.s32 $0x108;
	s8 =	sld [smem:$0x3FB3]  }
0x2e: {  	s3 =	simm.s32 @!p0 $0x1082;
	s9 =	sld [smem:$0x3FB4]  }
0x2f: {  	lr =	sadd.s32 s0, s3;
	s0 =	sld [smem:$0x3FAB]  }
0x30: {  	s3 =	sld [smem:$0x3FAE]  }
0x31: {  	[smem:$0x3FB7] =	sst s10  }
0x32: {  	s10 =	sld [smem:$0x3FB5];
	_ =	sdelay $0x3  }
0x33: {  	p0 =	seq.s32 s10, $0x1;
	s10 =	sld [smem:$0x3FB7];
	_ =	sdelay $0x3  }
0x34: {  	[smem:$0x3FB7] =	sst s10  }
0x35: {  	s10 =	sld [smem:$0x3FB6];
	_ =	sdelay $0x3  }
0x36: {  	p1 =	seq.s32 s10, $0x1;
	s10 =	sld [smem:$0x3FB7];
	_ =	sdelay $0x3  }
0x37: {  	[smem:$0x3FB7] =	sst s10  }
0x38: {  	s10 =	sld [smem:$0x3FB8]  }
0x39: {  	_ = 	snop;
	(pc) =	sbr.ind lr, $3  }
0x3a: {  	_ = 	snop  }
0x3b: {  	_ = 	snop  }
0x3c: {  	p2 =	seq.s32 s10, $0x1;
	s10 =	sld [smem:$0x3FB7]  }
0x3d: {  	_ =	shalt  }
0x3e: {  	_ =	shalt  }
0x3f: {  	_ =	shalt  }
0x40: {  	_ =	shalt  }
0x41: {  	_ =	shalt  }
0x42: {  	_ =	shalt  }
0x43: {  	_ =	shalt  }
0x44: {  	_ =	shalt  }
0x45: {  	_ =	shalt  }
0x46: {  	_ =	shalt  }
0x47: {  	_ =	shalt  }
0x48: {  	_ =	shalt  }
0x49: {  	_ =	shalt  }
0x4a: {  	_ =	shalt  }
0x4b: {  	_ =	shalt  }
0x4c: {  	_ =	shalt  }
0x4d: {  	_ =	shalt  }
0x4e: {  	_ =	shalt  }
0x4f: {  	_ =	shalt  }
0x50: {  	_ =	shalt  }
0x51: {  	_ =	shalt  }
0x52: {  	_ =	shalt  }
0x53: {  	_ =	shalt  }
0x54: {  	_ =	shalt  }
0x55: {  	_ =	shalt  }
0x56: {  	_ =	shalt  }
0x57: {  	_ =	shalt  }
0x58: {  	_ =	shalt  }
0x59: {  	_ =	shalt  }
0x5a: {  	_ =	shalt  }
0x5b: {  	_ =	shalt  }
0x5c: {  	_ =	shalt  }
0x5d: {  	_ =	shalt  }
0x5e: {  	_ =	shalt  }
0x5f: {  	_ =	shalt  }
0x60: {  	_ =	shalt  }
0x61: {  	_ =	shalt  }
0x62: {  	_ =	shalt  }
0x63: {  	_ =	shalt  }
0x64: {  	_ =	shalt  }
0x65: {  	_ =	shalt  }
0x66: {  	_ =	shalt  }
0x67: {  	_ =	shalt  }
0x68: {  	_ =	shalt  }
0x69: {  	_ =	shalt  }
0x6a: {  	_ =	shalt  }
0x6b: {  	_ =	shalt  }
0x6c: {  	_ =	shalt  }
0x6d: {  	_ =	shalt  }
0x6e: {  	_ =	shalt  }
0x6f: {  	_ =	shalt  }
0x70: {  	_ =	shalt  }
0x71: {  	_ =	shalt  }
0x72: {  	_ =	shalt  }
0x73: {  	_ =	shalt  }
0x74: {  	_ =	shalt  }
0x75: {  	_ =	shalt  }
0x76: {  	_ =	shalt  }
0x77: {  	_ =	shalt  }
0x78: {  	_ =	shalt  }
0x79: {  	_ =	shalt  }
0x7a: {  	_ =	shalt  }
0x7b: {  	_ =	shalt  }
0x7c: {  	_ =	shalt  }
0x7d: {  	_ =	shalt  }
0x7e: {  	_ =	shalt  }
0x7f: {  	_ =	shalt  }
0x80: {  	_ =	shalt  }
0x81: {  	_ =	shalt  }
0x82: {  	_ =	shalt  }
0x83: {  	_ =	shalt  }
0x84: {  	_ =	shalt  }
0x85: {  	_ =	shalt  }
0x86: {  	_ =	shalt  }
0x87: {  	_ =	shalt  }
.Lfunc_end0:
.L_simem_size_0:
called_computation.1_lowered:
.L_overlay_start_0:
0x88: {  	s2 =	sld [smem:$0x3FD9]  }
0x89: {  	s3 =	sld [smem:$0x3FFE];
	_ =	sdelay $0x1  }
0x8a: {  	s1 =	srdreg.scid  }
0x8b: {  	s0 =	sand.u32 $0x1, s1  }
0x8c: {  	s15 =	sshll.u32 s0, $0xA;
	s2 =	sadd.s32 s3, s2  }
0x8d: {  	s2 =	sadd.s32 s2, s15  }
0x8e: {  	[smem:$0x3FC3] =	sst s2  }
0x8f: {  	_ = 	snop  }
0x90: {  	s16 =	sld [smem:$0x3FD0];
	_ =	sdelay $0x2  }
0x91: {  	s4 =	simm.s32 $0xC;
	s5 =	simm.s32 $0x10;
	s2 =	sld [smem:$0x3FC9]  }
0x92: {  	[smem:s5], [sflag:s4] =	dma.local [hbm:s16], $0x1  }
0x93: {  	_ =	swait.eq [sflag:s4], $0x1  }
0x94: {  	[sflag:s4] =	ssyncset.done $0x0  }
0x95: {  	[sflag:s4] =	ssyncadd.s32 $0xFFFFFFFF  }
0x96: {  	s17 =	sld [smem:$0x12];
	(tm) =	ssettm $0x1  }
0x97: {  	s18 =	sld [smem:$0x3FFB];
	_ =	sdelay $0x3  }
0x98: {  	_ =	strace s18  }
0x99: {  	s3 =	sld [smem:$0x3FFC];
	_ =	sdelay $0x3  }
0x9a: {  	_ =	strace s3  }
0x9b: {  	s3 =	sld [smem:$0x3FFD];
	_ =	sdelay $0x3  }
0x9c: {  	_ =	strace s3  }
0x9d: {  	_ =	strace $0x8FFFFFFF  }
0x9e: {  	s19 =	sld [smem:$0x3FDB];
	_ =	sdelay $0x1  }
0x9f: {  	s20 =	simm.s32 $_scs_section_size  }
0xa0: {  	s6 =	simm.s32 $_size__tile_overlayer_lowered;
	s7 =	simm.s32 $_tile_overlayer_lowered  }
0xa1: {  	s8 =	simm.s32 $0x1BFF;
	s21 =	sshll.u32 s7, $0x1;
	s5 =	sadd.s32 s20, s19  }
0xa2: {  	s22 =	simm.s32 $0x0;
	s6 =	sshll.u32 s6, $0x1;
	s7 =	sadd.s32 s21, s5  }
0xa3: {  	[timem:s22], [sflag:s8] =	dma.local [hbm:s7], s6  }
0xa4: {  	_ =	swait.ge [sflag:s8], s6  }
0xa5: {  	s6 =	ssub.s32 $0x0, s6;
	[sflag:s8] =	ssyncset.done $0x0  }
0xa6: {  	[sflag:s8] =	ssyncadd.s32 s6;
	_ =	sdelay $0x1  }
0xa7: {  	s23 =	simm.s32 $0x1B8B  }
0xa8: {  	_ =	swait.ge [sflag:s23], $0x1  }
0xa9: {  	[sflag:s23] =	ssyncset.done $0x0  }
0xaa: {  	[sflag:s23] =	ssyncadd.s32 $0xFFFFFFFF  }
0xab: {  	s6 =	sld [smem:$0x0]  }
0xac: {  	s7 =	sand.u32 $0xFFFFFFFE, s1  }
0xad: {  	p0 =	sne.s32 s1, s7  }
0xae: {  	s7 =	sshll.u32 @p0 s7, $0xE  }
0xaf: {  	s7 =	sadd.s32 @p0 $0x11B8D, s7;
	s8 =	sshll.u32 @p0 s6, $0x11  }
0xb0: {  	s7 =	sor.u32 @p0 s8, s7  }
0xb1: {  	[sflag:s7] =	ssyncadd.remote.s32 @p0 $0x1;
	_ =	sdelay $0x1  }
0xb2: {  	s7 =	simm.s32 @p0 $0x1B8D  }
0xb3: {  	_ =	swait.eq @p0 [sflag:s7], $0x1  }
0xb4: {  	[sflag:s7] =	ssyncadd.s32 @p0 $0xFFFFFFFF  }
0xb5: {  	s8 =	sshll.u32 @!p0 s1, $0xE  }
0xb6: {  	s8 =	sor.u32 @!p0 $0x4000, s8;
	s7 =	simm.s32 @!p0 $0x1B8D  }
0xb7: {  	s6 =	sshll.u32 @!p0 s6, $0x11;
	s8 =	sadd.s32 @!p0 $0x11B8D, s8;
	_ =	swait.eq @!p0 [sflag:s7], $0x1  }
0xb8: {  	s6 =	sor.u32 @!p0 s6, s8;
	[sflag:s7] =	ssyncadd.s32 @!p0 $0xFFFFFFFF  }
0xb9: {  	s25 =	simm.s32 $0x1B8E;
	s24 =	sld [smem:$0x3FFE];
	[sflag:s6] =	ssyncadd.remote.s32 @!p0 $0x1  }
0xba: {  	s26 =	simm.s32 $execute0_lowered;
	[smem:$0x3FD2] =	sst s25  }
0xbb: {  	s7 =	sshll.u32 s26, $0x1;
	_ =	strace $0x80000049;
	[dreg:$0x1] =	wrdreg $0xFFFFFFFF  }
0xbc: {  	s28 =	simm.s32 $_size_execute0_lowered;
	s5 =	sadd.s32 s5, s7;
	[dreg:$0x0] =	wrdreg $0x0  }
0xbd: {  	s7 =	sshll.u32 s28, $0x1;
	[dreg:$0x2] =	wrdreg s5  }
0xbe: {  	[dreg:$0x3] =	wrdreg s7  }
0xbf: {  	[dreg:$0x4] =	wrdreg $0xC0  }
0xc0: {  	_ =	task [dreg:s22], $0x5FFFF  }
0xc1: {  	[dreg:$0x1] =	wrdreg $0xFFFFFFFF  }
0xc2: {  	[dreg:$0x0] =	wrdreg $0x60  }
0xc3: {  	[dreg:$0x2] =	wrdreg s2  }
0xc4: {  	[dreg:$0x3] =	wrdreg s24  }
0xc5: {  	[dreg:$0x4] =	wrdreg s17  }
0xc6: {  	[dreg:$0x5] =	wrdreg $0xA  }
0xc7: {  	_ =	task.clear_ibuf [dreg:s22], $0x6FFFF;
	_ =	strace $0x90000049  }
0xc8: {  	s29 =	simm.s32 $0xA;
	_ =	strace $0x8000004B  }
0xc9: {  	_ =	swait.ge [sflag:s29], $0x1  }
0xca: {  	[sflag:s29] =	ssyncadd.s32 $0xFFFFFFFF  }
0xcb: {  	_ =	strace $0x9000004B  }
0xcc: {  	_ =	sfence  }
0xcd: {  	s30 =	sld [smem:$0x0];
	_ =	sdelay $0x2  }
0xce: {  	s31 =	sshll.u32 s1, $0xD;
	s1 =	sshrl.u32 s1, $0x2  }
0xcf: {  	s4 =	sand.u32 $0x4000, s31;
	s1 =	sadd.s32 s1, s30  }
0xd0: {  	s0 =	sor.u32 s4, s0;
	s1 =	sshll.u32 s1, $0x11  }
0xd1: {  	s0 =	sor.u32 s1, s0  }
0xd2: {  	s0 =	sadd.s32 $0x8F2B, s0  }
0xd3: {  	[sflag:s0] =	ssyncadd.remote.s32 $0x1  }
0xd4: {  	_ =	sfence.sel $0xFFFF  }
0xd5: {  	[dreg:$0x0] =	wrdreg $0xFFFFFFFF;
	(pc) =	sbr.abs _section_cstart, $3  }
0xd6: {  	[dreg:$0x1] =	wrdreg $0xFFFFFFFF  }
0xd7: {  	_ =	task.clear_ibuf [dreg:s22], $0x2FFFF;
	_ =	strace $0x9FFFFFFF  }
0xd8: {  	(tm) =	ssettm $0x7FFFFFFF  }
0xd9: {  	_ =	shalt  }
tec
execute0_lowered:
.L_overlay_start_1:
0x0: {  	(tag) =	ssettag $0x1  }
0x1: {  	s4 =	rddreg [dreg:$0x0]  }
0x2: {  	s3 =	rddreg [dreg:$0x1]  }
0x3: {  	s5 =	rddreg [dreg:$0x2]  }
0x4: {  	s0 =	rddreg [dreg:$0x3]  }
0x5: {  	s2 =	simm.s32 $0x0;
	s6 =	srdreg.scid;
	s1 =	stileid.u32  }
0x6: {  	s10 =	simm.s32 $0x1B80;
	s11 =	simm.s32 $0x720;
	s12 =	simm.s32 $0x2220  }
0x7: {  	s13 =	simm.s32 $0xDC0;
	s14 =	simm.s32 $0x28C0;
	s15 =	simm.s32 $0x1460  }
0x8: {  	s16 =	simm.s32 $0x2F60;
	s17 =	simm.s32 $0x1;
	s18 =	simm.s32 $0x2  }
0x9: {  	s19 =	simm.s32 $0x0;
	[smem:$0x7FF] =	sst s2;
	s6 =	sand.u32 $0x1, s6  }
0xa: {  	s7 =	sshll.u32 s1, $0x1;
	s3 =	sadd.s32 $0x23E00, s3;
	s8 =	ssub.s32 $0x2, s6  }
0xb: {  	v0 =	vlaneseq.u32;
	_ =	strace $0x8000004A;
	s6 =	sor.u32 s6, s7;
	s31 =	sshrl.u32 s8, $0x1  }
0xc: {  	v1 =	vmul.u32 $0x186A0, v0;
	s9 =	sshll.u32 s6, $0x4;
	s6 =	smul.u32 $0x350, s6;
	s7 =	ssub.s32 s8, s31  }
0xd: {  	s4 =	sadd.s32 s4, s9;
	s8 =	simm.s32 $0x80;
	s9 =	simm.s32 $0x6A0  }
0xe: {  	v2 =	vadd.s32 $0x186A00, v1;
	v3 =	vadd.s32 $0x30D400, v1;
	v4 =	vadd.s32 $0x493E00, v1;
	s5 =	sadd.s32 s5, s6;
	s6 =	smax.u32 s7, $0x1;
	s7 =	simm.s32 $0x3  }
.LBB2_1:
0xf: {  	v5 =	vmov s2  }
0x10: {  	[tilespmem:s2], [sflag:$0x3] =	stream.linear.gather [hbm4b:s4+s2], $0x80, $0x38;
	[tilespmem:$0x3600] =	vst v63  }
0x11: {  	_ =	swait.ge [sflag:s7], $0x80  }
0x12: {  	[sflag:s7] =	ssyncset.done $0x0  }
0x13: {  	[sflag:s7] =	ssyncadd.s32 $0xFFFFFF80  }
0x14: {  	v7 =	vld.idx.msk [tilespmem:v5+s2+$0x0], $0xffff  }
0x15: {  	s20 =	simm.s32 $0x10;
	v5 =	vadd.s32 s2, v0  }
0x16: {  	v6 =	vadd.s32 s20, v0;
	_ =	sdelay $0x1  }
0x17: {  	s31 =	simm.s32 $0x20  }
0x18: {  	v8 =	vadd.s32 s31, v0;
	v9 =	vadd.s32 v1, v7  }
0x19: {  	s22 =	simm.s32 $0x30;
	[tilespmem:v5+s8+$0x0] =	vst.idx.msk $0xffff, v9;
	v5 =	vadd.s32 v2, v7  }
0x1a: {  	s21 =	simm.s32 $0x1;
	[tilespmem:v6+s8+$0x0] =	vst.idx.msk $0xffff, v5;
	v6 =	vadd.s32 s22, v0  }
0x1b: {  	v5 =	vmov s21  }
0x1c: {  	v63 =	vadd.s32 v3, v7  }
0x1d: {  	s20 =	simm.s32 $0x2;
	v7 =	vadd.s32 v4, v7;
	s21 =	simm.s32 $0x0;
	[tilespmem:v8+s8+$0x0] =	vst.idx.msk $0xffff, v63  }
.LBB2_2:
0x1e: {  	p0 =	sne.s32 s20, $0x1F  }
0x1f: {  	[tilespmem:v6+s8+$0x0] =	vst.idx.msk $0xffff, v7;
	s21 =	sadd.s32 $0x35, s21;
	s22 =	smov.u32 s20;
	s20 =	sadd.s32 $0x1, s20  }
0x20: {  	v7 =	vld.idx.msk [tilespmem:v5+s2+$0x0], $0xffff;
	_ =	sdelay $0x1  }
0x21: {  	v8 =	vadd.s32 s21, v0;
	s23 =	sadd.s32 $0x10, s21  }
0x22: {  	v9 =	vadd.s32 s23, v0;
	s23 =	sadd.s32 $0x20, s21  }
0x23: {  	v10 =	vadd.s32 s23, v0;
	s23 =	sadd.s32 $0x30, s21  }
.Ltmp0:
0x24: {  	v6 =	vadd.s32 s23, v0;
	(pc) =	sbr.rel @p0 .LBB2_2-.Ltmp0, $4  }
0x25: {  	v5 =	vmov s22;
	v11 =	vadd.s32 v1, v7  }
0x26: {  	[tilespmem:v8+s8+$0x0] =	vst.idx.msk $0xffff, v11;
	v8 =	vadd.s32 v2, v7  }
0x27: {  	[tilespmem:v9+s8+$0x0] =	vst.idx.msk $0xffff, v8;
	v8 =	vadd.s32 v3, v7  }
0x28: {  	v7 =	vadd.s32 v4, v7;
	[tilespmem:v10+s8+$0x0] =	vst.idx.msk $0xffff, v8  }
0x29: {  	_ =	sdelay $0x3  }
0x2a: {  	[tilespmem:v6+s8+$0x0] =	vst.idx.msk $0xffff, v7  }
0x2b: {  	s20 =	sadd.s32 $0x35, s21;
	v5 =	vld.idx.msk [tilespmem:v5+s2+$0x0], $0xffff  }
0x2c: {  	v6 =	vadd.s32 s20, v0;
	s21 =	sadd.s32 $0x10, s20  }
0x2d: {  	s26 =	sadd.s32 $0x20, s20;
	v7 =	vadd.s32 s21, v0  }
0x2e: {  	s20 =	sadd.s32 $0x30, s20;
	v8 =	vadd.s32 s26, v0  }
0x2f: {  	v9 =	vadd.s32 s20, v0  }
0x30: {  	s28 =	simm.s32 $0x20;
	v10 =	vadd.s32 v1, v5  }
0x31: {  	v61 =	vmov s28;
	[tilespmem:v6+s8+$0x0] =	vst.idx.msk $0xffff, v10;
	v6 =	vadd.s32 v2, v5  }
0x32: {  	[tilespmem:v7+s8+$0x0] =	vst.idx.msk $0xffff, v6;
	v6 =	vadd.s32 v3, v5  }
0x33: {  	v5 =	vadd.s32 v4, v5;
	[tilespmem:v8+s8+$0x0] =	vst.idx.msk $0xffff, v6  }
0x34: {  	[tilespmem:v9+s8+$0x0] =	vst.idx.msk $0xffff, v5  }
0x35: {  	[tilespmem:s10], [sflag:$0x1] =	stream.indirect.gather [hbm4b:s3+s9], $0x1, s8, s9, $0xb8;
	[tilespmem:$0x3600] =	vst v63  }
0x36: {  	s29 =	simm.s32 $0x6A0;
	v7 =	vld.idx.msk [tilespmem:v61+s2+$0x0], $0xffff  }
0x37: {  	s30 =	simm.s32 $0x6B0;
	v5 =	vadd.s32 s29, v0  }
0x38: {  	v6 =	vadd.s32 s30, v0;
	_ =	sdelay $0x1  }
0x39: {  	s31 =	simm.s32 $0x6C0  }
0x3a: {  	v8 =	vadd.s32 s31, v0;
	v62 =	vadd.s32 v1, v7  }
0x3b: {  	s20 =	simm.s32 $0x6D0;
	[tilespmem:v5+s8+$0x0] =	vst.idx.msk $0xffff, v62;
	v5 =	vadd.s32 v2, v7  }
0x3c: {  	s22 =	simm.s32 $0x21;
	[tilespmem:v6+s8+$0x0] =	vst.idx.msk $0xffff, v5;
	v6 =	vadd.s32 s20, v0  }
0x3d: {  	v5 =	vmov s22  }
0x3e: {  	v63 =	vadd.s32 v3, v7  }
0x3f: {  	s21 =	simm.s32 $0x22;
	v7 =	vadd.s32 v4, v7;
	[tilespmem:v8+s8+$0x0] =	vst.idx.msk $0xffff, v63  }
.LBB2_4:
0x40: {  	p0 =	sne.s32 s21, $0x3F  }
0x41: {  	[tilespmem:v6+s8+$0x0] =	vst.idx.msk $0xffff, v7;
	s20 =	sadd.s32 $0x35, s20;
	s22 =	smov.u32 s21;
	s21 =	sadd.s32 $0x1, s21  }
0x42: {  	v7 =	vld.idx.msk [tilespmem:v5+s2+$0x0], $0xffff  }
0x43: {  	s23 =	sadd.s32 $0xFFFFFFD0, s20  }
0x44: {  	v8 =	vadd.s32 s23, v0;
	s23 =	sadd.s32 $0xFFFFFFE0, s20  }
0x45: {  	v9 =	vadd.s32 s23, v0;
	s23 =	sadd.s32 $0xFFFFFFF0, s20  }
0x46: {  	v10 =	vadd.s32 s23, v0  }
.Ltmp1:
0x47: {  	v6 =	vadd.s32 s20, v0;
	(pc) =	sbr.rel @p0 .LBB2_4-.Ltmp1, $4  }
0x48: {  	v5 =	vmov s22;
	v11 =	vadd.s32 v1, v7  }
0x49: {  	[tilespmem:v8+s8+$0x0] =	vst.idx.msk $0xffff, v11;
	v8 =	vadd.s32 v2, v7  }
0x4a: {  	[tilespmem:v9+s8+$0x0] =	vst.idx.msk $0xffff, v8;
	v8 =	vadd.s32 v3, v7  }
0x4b: {  	v7 =	vadd.s32 v4, v7;
	[tilespmem:v10+s8+$0x0] =	vst.idx.msk $0xffff, v8  }
0x4c: {  	_ =	sdelay $0x3  }
0x4d: {  	[tilespmem:v6+s8+$0x0] =	vst.idx.msk $0xffff, v7;
	s20 =	sadd.s32 $0x35, s20  }
0x4e: {  	v5 =	vld.idx.msk [tilespmem:v5+s2+$0x0], $0xffff;
	s21 =	sadd.s32 $0xFFFFFFD0, s20  }
0x4f: {  	s25 =	sadd.s32 $0xFFFFFFE0, s20;
	v6 =	vadd.s32 s21, v0  }
0x50: {  	s26 =	sadd.s32 $0xFFFFFFF0, s20;
	v7 =	vadd.s32 s25, v0  }
0x51: {  	v8 =	vadd.s32 s26, v0  }
0x52: {  	v9 =	vadd.s32 s20, v0  }
0x53: {  	s28 =	simm.s32 $0x40;
	v10 =	vadd.s32 v1, v5  }
0x54: {  	v61 =	vmov s28;
	[tilespmem:v6+s8+$0x0] =	vst.idx.msk $0xffff, v10;
	v6 =	vadd.s32 v2, v5  }
0x55: {  	[tilespmem:v7+s8+$0x0] =	vst.idx.msk $0xffff, v6;
	v6 =	vadd.s32 v3, v5  }
0x56: {  	v5 =	vadd.s32 v4, v5;
	[tilespmem:v8+s8+$0x0] =	vst.idx.msk $0xffff, v6  }
0x57: {  	[tilespmem:v9+s8+$0x0] =	vst.idx.msk $0xffff, v5  }
0x58: {  	[tilespmem:s12], [sflag:$0x1] =	stream.indirect.gather [hbm4b:s3+s9], $0x1, s11, s9, $0xb8;
	[tilespmem:$0x3600] =	vst v63  }
0x59: {  	s29 =	simm.s32 $0xD40;
	v7 =	vld.idx.msk [tilespmem:v61+s2+$0x0], $0xffff  }
0x5a: {  	s30 =	simm.s32 $0xD50;
	v5 =	vadd.s32 s29, v0  }
0x5b: {  	v6 =	vadd.s32 s30, v0;
	_ =	sdelay $0x1  }
0x5c: {  	s31 =	simm.s32 $0xD60  }
0x5d: {  	v8 =	vadd.s32 s31, v0;
	v62 =	vadd.s32 v1, v7  }
0x5e: {  	s20 =	simm.s32 $0xD70;
	[tilespmem:v5+s8+$0x0] =	vst.idx.msk $0xffff, v62;
	v5 =	vadd.s32 v2, v7  }
0x5f: {  	s22 =	simm.s32 $0x41;
	[tilespmem:v6+s8+$0x0] =	vst.idx.msk $0xffff, v5;
	v6 =	vadd.s32 s20, v0  }
0x60: {  	v5 =	vmov s22  }
0x61: {  	v63 =	vadd.s32 v3, v7  }
0x62: {  	s21 =	simm.s32 $0x42;
	v7 =	vadd.s32 v4, v7;
	[tilespmem:v8+s8+$0x0] =	vst.idx.msk $0xffff, v63  }
.LBB2_6:
0x63: {  	p0 =	sne.s32 s21, $0x5F  }
0x64: {  	[tilespmem:v6+s8+$0x0] =	vst.idx.msk $0xffff, v7;
	s20 =	sadd.s32 $0x35, s20;
	s22 =	smov.u32 s21;
	s21 =	sadd.s32 $0x1, s21  }
0x65: {  	v7 =	vld.idx.msk [tilespmem:v5+s2+$0x0], $0xffff  }
0x66: {  	s23 =	sadd.s32 $0xFFFFFFD0, s20  }
0x67: {  	v8 =	vadd.s32 s23, v0;
	s23 =	sadd.s32 $0xFFFFFFE0, s20  }
0x68: {  	v9 =	vadd.s32 s23, v0;
	s23 =	sadd.s32 $0xFFFFFFF0, s20  }
0x69: {  	v10 =	vadd.s32 s23, v0  }
.Ltmp2:
0x6a: {  	v6 =	vadd.s32 s20, v0;
	(pc) =	sbr.rel @p0 .LBB2_6-.Ltmp2, $4  }
0x6b: {  	v5 =	vmov s22;
	v11 =	vadd.s32 v1, v7  }
0x6c: {  	[tilespmem:v8+s8+$0x0] =	vst.idx.msk $0xffff, v11;
	v8 =	vadd.s32 v2, v7  }
0x6d: {  	[tilespmem:v9+s8+$0x0] =	vst.idx.msk $0xffff, v8;
	v8 =	vadd.s32 v3, v7  }
0x6e: {  	v7 =	vadd.s32 v4, v7;
	[tilespmem:v10+s8+$0x0] =	vst.idx.msk $0xffff, v8  }
0x6f: {  	_ =	sdelay $0x3  }
0x70: {  	[tilespmem:v6+s8+$0x0] =	vst.idx.msk $0xffff, v7;
	s20 =	sadd.s32 $0x35, s20  }
0x71: {  	v5 =	vld.idx.msk [tilespmem:v5+s2+$0x0], $0xffff;
	s21 =	sadd.s32 $0xFFFFFFD0, s20  }
0x72: {  	s25 =	sadd.s32 $0xFFFFFFE0, s20;
	v6 =	vadd.s32 s21, v0  }
0x73: {  	s26 =	sadd.s32 $0xFFFFFFF0, s20;
	v7 =	vadd.s32 s25, v0  }
0x74: {  	v8 =	vadd.s32 s26, v0  }
0x75: {  	v9 =	vadd.s32 s20, v0  }
0x76: {  	s28 =	simm.s32 $0x60;
	v10 =	vadd.s32 v1, v5  }
0x77: {  	v61 =	vmov s28;
	[tilespmem:v6+s8+$0x0] =	vst.idx.msk $0xffff, v10;
	v6 =	vadd.s32 v2, v5  }
0x78: {  	[tilespmem:v7+s8+$0x0] =	vst.idx.msk $0xffff, v6;
	v6 =	vadd.s32 v3, v5  }
0x79: {  	v5 =	vadd.s32 v4, v5;
	[tilespmem:v8+s8+$0x0] =	vst.idx.msk $0xffff, v6  }
0x7a: {  	[tilespmem:v9+s8+$0x0] =	vst.idx.msk $0xffff, v5  }
0x7b: {  	[tilespmem:s14], [sflag:$0x1] =	stream.indirect.gather [hbm4b:s3+s9], $0x1, s13, s9, $0xb8;
	[tilespmem:$0x3600] =	vst v63  }
0x7c: {  	s29 =	simm.s32 $0x13E0;
	v7 =	vld.idx.msk [tilespmem:v61+s2+$0x0], $0xffff  }
0x7d: {  	s30 =	simm.s32 $0x13F0;
	v5 =	vadd.s32 s29, v0  }
0x7e: {  	v6 =	vadd.s32 s30, v0;
	_ =	sdelay $0x1  }
0x7f: {  	s31 =	simm.s32 $0x1400  }
0x80: {  	v8 =	vadd.s32 s31, v0;
	v62 =	vadd.s32 v1, v7  }
0x81: {  	s20 =	simm.s32 $0x1410;
	[tilespmem:v5+s8+$0x0] =	vst.idx.msk $0xffff, v62;
	v5 =	vadd.s32 v2, v7  }
0x82: {  	s22 =	simm.s32 $0x61;
	[tilespmem:v6+s8+$0x0] =	vst.idx.msk $0xffff, v5;
	v6 =	vadd.s32 s20, v0  }
0x83: {  	v5 =	vmov s22  }
0x84: {  	v63 =	vadd.s32 v3, v7  }
0x85: {  	s21 =	simm.s32 $0x62;
	v7 =	vadd.s32 v4, v7;
	[tilespmem:v8+s8+$0x0] =	vst.idx.msk $0xffff, v63  }
.LBB2_8:
0x86: {  	p0 =	sne.s32 s21, $0x7F  }
0x87: {  	[tilespmem:v6+s8+$0x0] =	vst.idx.msk $0xffff, v7;
	s20 =	sadd.s32 $0x35, s20;
	s22 =	smov.u32 s21;
	s21 =	sadd.s32 $0x1, s21  }
0x88: {  	v7 =	vld.idx.msk [tilespmem:v5+s2+$0x0], $0xffff  }
0x89: {  	s23 =	sadd.s32 $0xFFFFFFD0, s20  }
0x8a: {  	v8 =	vadd.s32 s23, v0;
	s23 =	sadd.s32 $0xFFFFFFE0, s20  }
0x8b: {  	v9 =	vadd.s32 s23, v0;
	s23 =	sadd.s32 $0xFFFFFFF0, s20  }
0x8c: {  	v10 =	vadd.s32 s23, v0  }
.Ltmp3:
0x8d: {  	v6 =	vadd.s32 s20, v0;
	(pc) =	sbr.rel @p0 .LBB2_8-.Ltmp3, $4  }
0x8e: {  	v5 =	vmov s22;
	v11 =	vadd.s32 v1, v7  }
0x8f: {  	[tilespmem:v8+s8+$0x0] =	vst.idx.msk $0xffff, v11;
	v8 =	vadd.s32 v2, v7  }
0x90: {  	[tilespmem:v9+s8+$0x0] =	vst.idx.msk $0xffff, v8;
	v8 =	vadd.s32 v3, v7  }
0x91: {  	v7 =	vadd.s32 v4, v7;
	[tilespmem:v10+s8+$0x0] =	vst.idx.msk $0xffff, v8  }
0x92: {  	_ =	sdelay $0x3  }
0x93: {  	[tilespmem:v6+s8+$0x0] =	vst.idx.msk $0xffff, v7;
	s20 =	sadd.s32 $0x35, s20  }
0x94: {  	v5 =	vld.idx.msk [tilespmem:v5+s2+$0x0], $0xffff;
	s21 =	sadd.s32 $0xFFFFFFD0, s20  }
0x95: {  	s30 =	sadd.s32 $0xFFFFFFE0, s20;
	v6 =	vadd.s32 s21, v0  }
0x96: {  	s31 =	sadd.s32 $0xFFFFFFF0, s20;
	v7 =	vadd.s32 s30, v0  }
0x97: {  	v8 =	vadd.s32 s31, v0  }
0x98: {  	v9 =	vadd.s32 s20, v0  }
0x99: {  	v10 =	vadd.s32 v1, v5  }
0x9a: {  	[tilespmem:v6+s8+$0x0] =	vst.idx.msk $0xffff, v10;
	v6 =	vadd.s32 v2, v5  }
0x9b: {  	[tilespmem:v7+s8+$0x0] =	vst.idx.msk $0xffff, v6;
	v6 =	vadd.s32 v3, v5  }
0x9c: {  	v5 =	vadd.s32 v4, v5;
	[tilespmem:v8+s8+$0x0] =	vst.idx.msk $0xffff, v6  }
0x9d: {  	[tilespmem:v9+s8+$0x0] =	vst.idx.msk $0xffff, v5  }
0x9e: {  	[tilespmem:s16], [sflag:$0x1] =	stream.indirect.gather [hbm4b:s3+s9], $0x1, s15, s9, $0xb8;
	[tilespmem:$0x3600] =	vst v63  }
0x9f: {  	_ =	swait.ge [sflag:s17], $0x6A0  }
0xa0: {  	[sflag:s17] =	ssyncset.done $0x0  }
0xa1: {  	[sflag:s17] =	ssyncadd.s32 $0xFFFFF960  }
0xa2: {  	_ =	swait.ge [sflag:s17], $0x6A0  }
0xa3: {  	[sflag:s17] =	ssyncset.done $0x0  }
0xa4: {  	[sflag:s17] =	ssyncadd.s32 $0xFFFFF960  }
0xa5: {  	_ =	swait.ge [sflag:s17], $0x6A0  }
0xa6: {  	[sflag:s17] =	ssyncset.done $0x0  }
0xa7: {  	[sflag:s17] =	ssyncadd.s32 $0xFFFFF960  }
0xa8: {  	s19 =	sadd.s32 $0x1, s19;
	_ =	swait.ge [sflag:s17], $0x6A0  }
0xa9: {  	p0 =	sne.s32 s19, s6;
	[sflag:s17] =	ssyncset.done $0x0  }
.Ltmp4:
0xaa: {  	[sflag:s17] =	ssyncadd.s32 $0xFFFFF960;
	(pc) =	sbr.rel @p0 .LBB2_1-.Ltmp4, $4  }
0xab: {  	[hbm4b:s5+s2] =	stream.linear.scatter [tilespmem:s10], [sflag:$0x2], $0x1A80, $0x38;
	[tilespmem:$0x3600] =	vst v63  }
0xac: {  	_ =	swait.ge [sflag:s18], $0x1A80  }
0xad: {  	[sflag:s18] =	ssyncset.done $0x0  }
0xae: {  	[sflag:s18] =	ssyncadd.s32 $0xFFFFE580  }
0xaf: {  	_ =	sfence.sel $0x180000  }
0xb0: {  	[bflag:$0x0] =	sbarrier.arrive $0xFFFF  }
0xb1: {  	p0 =	sne.s32 s1, $0x0;
	_ =	strace $0x9000004A  }
0xb2: {  	s0 =	sadd.s32 @!p0 $0x100000, s0;
	[bflag:$0x2] =	sbarrier.arrive $0xFFFF  }
0xb3: {  	[sflag:s0] =	ssyncadd.tile.s32 @!p0 $0x1;
	_ =	shalt  }
.Lfunc_end2:
_tile_overlayer_lowered:
.L_overlay_start_2:
0xb4: {  	(tag) =	ssettag $0x2  }
0xb5: {  	s0 =	rddreg [dreg:$0x0];
	s2 =	stileid.u32  }
0xb6: {  	s1 =	rddreg [dreg:$0x1];
	p0 =	sne.s32 s2, $0x0  }
0xb7: {  	s3 =	rddreg [dreg:$0x2];
	[bflag:$0x3] =	sbarrier.arrive $0xFFFF;
	s2 =	simm.s32 @!p0 $0x1C03  }
0xb8: {  	[timem:s3], [sflag:s2] =	dma.local @!p0 [hbm:s0], s1  }
0xb9: {  	s0 =	simm.s32 @!p0 $0x3  }
0xba: {  	_ =	swait.ge @!p0 [sflag:s0], s1  }
0xbb: {  	s1 =	ssub.s32 @!p0 $0x0, s1;
	[sflag:s0] =	ssyncset.done @!p0 $0x0  }
0xbc: {  	[sflag:s0] =	ssyncadd.s32 @!p0 s1  }
0xbd: {  	[bflag:$0x3] =	sbarrier.arrive $0xFFFF  }
0xbe: {  	_ =	shalt  }

</sc_bundles>
